<compile_context>
chip_gen: v7x
topology: tpu7x:2x2x1
jax: 0.10.2.dev20260603
libtpu: 0.0.44.dev20260713+nightly
codegen_flags: <defaults>
</compile_context>

<pallas_src>
import functools

import jax
import jax.numpy as jnp
from jax import lax
from jax.experimental import pallas as pl
from jax.experimental.pallas import tpu as pltpu
from jax.experimental.pallas import tpu_sc as plsc

_NC = 2
_NS = 16
_NW = _NC * _NS
_L = 16

_N = 5000
_NP = 5120
_CHUNKS = _NP // _L
_R = 4
_SIGMA = 0.5

_ROWS_TC = 3584
_ROWS_SC = _NP - _ROWS_TC
_RPW = _ROWS_SC // _NW
_TC_RB = 512
_TC_CB = 2560


def _make_softnms_sc():
    mesh = plsc.VectorSubcoreMesh(core_axis_name="c", subcore_axis_name="s")

    @functools.partial(
        pl.kernel,
        mesh=mesh,
        out_type=jax.ShapeDtypeStruct((_ROWS_SC,), jnp.float32),
        scratch_types=[
            pltpu.VMEM((_NP,), jnp.float32),
            pltpu.VMEM((_NP,), jnp.float32),
            pltpu.VMEM((_NP,), jnp.float32),
            pltpu.VMEM((_NP,), jnp.float32),
            pltpu.VMEM((_NP,), jnp.float32),
            pltpu.VMEM((_NP,), jnp.float32),
            pltpu.VMEM((_RPW,), jnp.float32),
        ],
    )
    def softnms(x1_h, y1_h, x2_h, y2_h, sc_h, out_h,
                x1_v, y1_v, x2_v, y2_v, sc_v, ar_v, ns_v):
        wid = lax.axis_index("s") * _NC + lax.axis_index("c")
        row0 = _ROWS_TC + wid * _RPW

        pltpu.sync_copy(x1_h, x1_v)
        pltpu.sync_copy(y1_h, y1_v)
        pltpu.sync_copy(x2_h, x2_v)
        pltpu.sync_copy(y2_h, y2_v)
        pltpu.sync_copy(sc_h, sc_v)

        def area_body(c, carry):
            b = c * _L
            w = x2_v[pl.ds(b, _L)] - x1_v[pl.ds(b, _L)]
            h = y2_v[pl.ds(b, _L)] - y1_v[pl.ds(b, _L)]
            ar_v[pl.ds(b, _L)] = w * h
            return carry

        lax.fori_loop(0, _CHUNKS, area_body, 0)

        lane = jnp.arange(_L, dtype=jnp.int32)

        def og_body(og, carry):
            base = row0 + og * _L
            X1R = x1_v[pl.ds(base, _L)]
            Y1R = y1_v[pl.ds(base, _L)]
            X2R = x2_v[pl.ds(base, _L)]
            Y2R = y2_v[pl.ds(base, _L)]
            ARR = ar_v[pl.ds(base, _L)]
            SR = sc_v[pl.ds(base, _L)]
            sums = jnp.zeros((_L,), jnp.float32)
            for sb in range(_L // _R):
                x1i = [X1R[sb * _R + r] for r in range(_R)]
                y1i = [Y1R[sb * _R + r] for r in range(_R)]
                x2i = [X2R[sb * _R + r] for r in range(_R)]
                y2i = [Y2R[sb * _R + r] for r in range(_R)]
                ari = [ARR[sb * _R + r] + 1e-8 for r in range(_R)]
                si = [SR[sb * _R + r] for r in range(_R)]

                def chunk_body(c, accs):
                    b = c * _L
                    X1 = x1_v[pl.ds(b, _L)]
                    Y1 = y1_v[pl.ds(b, _L)]
                    X2 = x2_v[pl.ds(b, _L)]
                    Y2 = y2_v[pl.ds(b, _L)]
                    AR = ar_v[pl.ds(b, _L)]
                    S = sc_v[pl.ds(b, _L)]
                    out = []
                    for r in range(_R):
                        xx1 = jnp.maximum(X1, x1i[r])
                        yy1 = jnp.maximum(Y1, y1i[r])
                        xx2 = jnp.minimum(X2, x2i[r])
                        yy2 = jnp.minimum(Y2, y2i[r])
                        w = jnp.maximum(xx2 - xx1, 0.0)
                        h = jnp.maximum(yy2 - yy1, 0.0)
                        inter = w * h
                        union = ari[r] + AR - inter
                        q = inter / union
                        q2 = q * q
                        contrib = jnp.where(S > si[r], q2, 0.0)
                        out.append(accs[r] + contrib)
                    return tuple(out)

                zeros = tuple(jnp.zeros((_L,), jnp.float32) for _ in range(_R))
                accs = lax.fori_loop(0, _CHUNKS, chunk_body, zeros)
                for r in range(_R):
                    tot = accs[r]
                    for d in (8, 4, 2, 1):
                        perm = lane ^ d
                        tot = tot + tot.at[perm].get(mode="promise_in_bounds")
                    sums = jnp.where(lane == sb * _R + r, tot, sums)
            ns_v[pl.ds(og * _L, _L)] = SR * jnp.exp(-sums / _SIGMA)
            return carry

        lax.fori_loop(0, _RPW // _L, og_body, 0)

        pltpu.sync_copy(ns_v, out_h.at[pl.ds(wid * _RPW, _RPW)])

    return softnms


def _tc_body(x1r, y1r, x2r, y2r, sr, x1c, y1c, x2c, y2c, sc, out_ref):
    j = pl.program_id(1)

    @pl.when(j == 0)
    def _():
        out_ref[...] = jnp.zeros_like(out_ref)

    ax1 = x1r[...]
    ay1 = y1r[...]
    ax2 = x2r[...]
    ay2 = y2r[...]
    asc = sr[...]
    bx1 = x1c[...]
    by1 = y1c[...]
    bx2 = x2c[...]
    by2 = y2c[...]
    bsc = sc[...]
    area_a = (ax2 - ax1) * (ay2 - ay1) + 1e-8
    area_b = (bx2 - bx1) * (by2 - by1)
    xx1 = jnp.maximum(ax1, bx1)
    yy1 = jnp.maximum(ay1, by1)
    xx2 = jnp.minimum(ax2, bx2)
    yy2 = jnp.minimum(ay2, by2)
    w = jnp.maximum(xx2 - xx1, 0.0)
    h = jnp.maximum(yy2 - yy1, 0.0)
    inter = w * h
    union = (area_a + area_b) - inter
    q = inter / union
    q2 = q * q
    contrib = jnp.where(bsc > asc, q2, 0.0)
    out_ref[...] += jnp.sum(contrib, axis=1, keepdims=True)

    @pl.when(j == pl.num_programs(1) - 1)
    def _():
        out_ref[...] = asc * jnp.exp(-out_ref[...] / _SIGMA)


def _make_softnms_tc():
    grid = (_ROWS_TC // _TC_RB, _NP // _TC_CB)
    rspec = pl.BlockSpec((_TC_RB, 1), lambda i, j: (i, 0))
    cspec = pl.BlockSpec((1, _TC_CB), lambda i, j: (0, j))
    return pl.pallas_call(
        _tc_body,
        grid=grid,
        in_specs=[rspec] * 5 + [cspec] * 5,
        out_specs=pl.BlockSpec((_TC_RB, 1), lambda i, j: (i, 0)),
        out_shape=jax.ShapeDtypeStruct((_ROWS_TC, 1), jnp.float32),
    )


_softnms_sc = _make_softnms_sc()
_softnms_tc = _make_softnms_tc()


def kernel(boxes, scores):
    pad = _NP - _N
    x1 = jnp.pad(boxes[:, 0], (0, pad))
    y1 = jnp.pad(boxes[:, 1], (0, pad))
    x2 = jnp.pad(boxes[:, 2], (0, pad))
    y2 = jnp.pad(boxes[:, 3], (0, pad))
    sc = jnp.pad(scores, (0, pad), constant_values=-1.0)
    ns_sc = _softnms_sc(x1, y1, x2, y2, sc)
    ns_tc = _softnms_tc(
        x1[:_ROWS_TC, None], y1[:_ROWS_TC, None], x2[:_ROWS_TC, None],
        y2[:_ROWS_TC, None], sc[:_ROWS_TC, None],
        x1[None, :], y1[None, :], x2[None, :], y2[None, :], sc[None, :],
    )
    new_scores = jnp.concatenate([ns_tc[:, 0], ns_sc])[:_N]
    topk_scores, topk_idx = jax.lax.top_k(new_scores, 100)
    return new_scores, topk_scores, topk_idx

# --- scband reference (transcript-rebuilt; emitter-appended) ---
"""Pipeline reference for scband-coarse-pyramid-41626823033502 (READ-ONLY COPY).

The authoritative reference and input builder live on the scoring server;
editing this copy changes nothing except your own understanding.
"""

import jax, jax.numpy as jnp
import numpy as np


def setup_inputs(seed: int = 0) -> dict:
    key = jax.random.key(seed)
    k1, k2, k3 = jax.random.split(key, 3)
    N = 5000
    centers = jax.random.uniform(k1, (N, 2), minval=0.0, maxval=1000.0)
    sizes = jax.random.uniform(k2, (N, 2), minval=8.0, maxval=128.0)
    boxes = jnp.concatenate([centers - sizes / 2.0, centers + sizes / 2.0], axis=1).astype(jnp.float32)
    scores = jax.random.uniform(k3, (N,), minval=0.0, maxval=1.0, dtype=jnp.float32)
    return {"boxes": boxes, "scores": scores}


def _iou_matrix(boxes):
    x1, y1, x2, y2 = boxes[:, 0], boxes[:, 1], boxes[:, 2], boxes[:, 3]
    area = (x2 - x1) * (y2 - y1)
    xx1 = jnp.maximum(x1[:, None], x1[None, :])
    yy1 = jnp.maximum(y1[:, None], y1[None, :])
    xx2 = jnp.minimum(x2[:, None], x2[None, :])
    yy2 = jnp.minimum(y2[:, None], y2[None, :])
    w = jnp.clip(xx2 - xx1, 0.0, None)
    h = jnp.clip(yy2 - yy1, 0.0, None)
    inter = w * h
    union = area[:, None] + area[None, :] - inter
    return inter / (union + 1e-8)


def reference(boxes, scores):
    # Soft-NMS style suppression over detection proposals:
    # each box's score is decayed by Gaussian penalty accumulated from
    # higher-scoring overlapping boxes, then top-k survivors are selected.
    iou = _iou_matrix(boxes)
    higher = (scores[None, :] > scores[:, None]).astype(boxes.dtype)
    sigma = 0.5
    penalty = jnp.exp(-jnp.sum(higher * (iou ** 2), axis=1) / sigma)
    new_scores = scores * penalty
    topk_scores, topk_idx = jax.lax.top_k(new_scores, 100)
    return new_scores, topk_scores, topk_idx

if __name__ == "__main__":
    import jax
    _d = setup_inputs()
    print(jax.jit(kernel)(*tuple(_d.values())))

</pallas_src>

<mosaic_0001>
#map = affine_map<(d0, d1) -> (0)>
module attributes {stable_mosaic.version = 14 : i64} {
  func.func @softnms(%arg0: i32, %arg1: i32, %arg2: memref<5120xf32, #tpu.memory_space<hbm>>, %arg3: memref<5120xf32, #tpu.memory_space<hbm>>, %arg4: memref<5120xf32, #tpu.memory_space<hbm>>, %arg5: memref<5120xf32, #tpu.memory_space<hbm>>, %arg6: memref<5120xf32, #tpu.memory_space<hbm>>, %arg7: memref<1536xf32, #tpu.memory_space<hbm>>, %arg8: memref<5120xf32, #tpu.memory_space<vmem>>, %arg9: memref<5120xf32, #tpu.memory_space<vmem>>, %arg10: memref<5120xf32, #tpu.memory_space<vmem>>, %arg11: memref<5120xf32, #tpu.memory_space<vmem>>, %arg12: memref<5120xf32, #tpu.memory_space<vmem>>, %arg13: memref<5120xf32, #tpu.memory_space<vmem>>, %arg14: memref<48xf32, #tpu.memory_space<vmem>>) attributes {dimension_semantics = [#tpu.dimension_semantics<core_parallel>, #tpu.dimension_semantics<subcore_parallel>], iteration_bounds = array<i64: 2, 16>, scalar_prefetch = 0 : i64, scratch_operands = 7 : i64, tpu.core_type = #tpu.core_type<sc_vector_subcore>, window_params = [{transform_indices = #map}, {transform_indices = #map}, {transform_indices = #map}, {transform_indices = #map}, {transform_indices = #map}, {transform_indices = #map}]} {
    %mul3A = arith.constant 2 : i32
    %mul3A_0 = arith.muli %arg1, %mul3A : i32
    %add3A = arith.addi %mul3A_0, %arg0 : i32
    %mul3A_1 = arith.constant 48 : i32
    %mul3A_2 = arith.muli %add3A, %mul3A_1 : i32
    %add3A_3 = arith.constant 3584 : i32
    %add3A_4 = arith.addi %add3A_3, %mul3A_2 : i32
    "tpu.region"() ({
      %run_scoped3A = tpu.sem_alloc : memref<!tpu.dma_semaphore, #tpu.memory_space<semaphore_mem>>
      tpu.enqueue_dma source(%arg2 : memref<5120xf32, #tpu.memory_space<hbm>>) target(%arg8 : memref<5120xf32, #tpu.memory_space<vmem>>) target_semaphore(%run_scoped3A : memref<!tpu.dma_semaphore, #tpu.memory_space<semaphore_mem>>)
      tpu.wait_dma2 semaphore(%run_scoped3A : memref<!tpu.dma_semaphore, #tpu.memory_space<semaphore_mem>>) src(%arg2 : memref<5120xf32, #tpu.memory_space<hbm>>) dst(%arg8 : memref<5120xf32, #tpu.memory_space<vmem>>)
      tpu.yield
    }) : () -> ()
    "tpu.region"() ({
      %run_scoped3A = tpu.sem_alloc : memref<!tpu.dma_semaphore, #tpu.memory_space<semaphore_mem>>
      tpu.enqueue_dma source(%arg3 : memref<5120xf32, #tpu.memory_space<hbm>>) target(%arg9 : memref<5120xf32, #tpu.memory_space<vmem>>) target_semaphore(%run_scoped3A : memref<!tpu.dma_semaphore, #tpu.memory_space<semaphore_mem>>)
      tpu.wait_dma2 semaphore(%run_scoped3A : memref<!tpu.dma_semaphore, #tpu.memory_space<semaphore_mem>>) src(%arg3 : memref<5120xf32, #tpu.memory_space<hbm>>) dst(%arg9 : memref<5120xf32, #tpu.memory_space<vmem>>)
      tpu.yield
    }) : () -> ()
    "tpu.region"() ({
      %run_scoped3A = tpu.sem_alloc : memref<!tpu.dma_semaphore, #tpu.memory_space<semaphore_mem>>
      tpu.enqueue_dma source(%arg4 : memref<5120xf32, #tpu.memory_space<hbm>>) target(%arg10 : memref<5120xf32, #tpu.memory_space<vmem>>) target_semaphore(%run_scoped3A : memref<!tpu.dma_semaphore, #tpu.memory_space<semaphore_mem>>)
      tpu.wait_dma2 semaphore(%run_scoped3A : memref<!tpu.dma_semaphore, #tpu.memory_space<semaphore_mem>>) src(%arg4 : memref<5120xf32, #tpu.memory_space<hbm>>) dst(%arg10 : memref<5120xf32, #tpu.memory_space<vmem>>)
      tpu.yield
    }) : () -> ()
    "tpu.region"() ({
      %run_scoped3A = tpu.sem_alloc : memref<!tpu.dma_semaphore, #tpu.memory_space<semaphore_mem>>
      tpu.enqueue_dma source(%arg5 : memref<5120xf32, #tpu.memory_space<hbm>>) target(%arg11 : memref<5120xf32, #tpu.memory_space<vmem>>) target_semaphore(%run_scoped3A : memref<!tpu.dma_semaphore, #tpu.memory_space<semaphore_mem>>)
      tpu.wait_dma2 semaphore(%run_scoped3A : memref<!tpu.dma_semaphore, #tpu.memory_space<semaphore_mem>>) src(%arg5 : memref<5120xf32, #tpu.memory_space<hbm>>) dst(%arg11 : memref<5120xf32, #tpu.memory_space<vmem>>)
      tpu.yield
    }) : () -> ()
    "tpu.region"() ({
      %run_scoped3A = tpu.sem_alloc : memref<!tpu.dma_semaphore, #tpu.memory_space<semaphore_mem>>
      tpu.enqueue_dma source(%arg6 : memref<5120xf32, #tpu.memory_space<hbm>>) target(%arg12 : memref<5120xf32, #tpu.memory_space<vmem>>) target_semaphore(%run_scoped3A : memref<!tpu.dma_semaphore, #tpu.memory_space<semaphore_mem>>)
      tpu.wait_dma2 semaphore(%run_scoped3A : memref<!tpu.dma_semaphore, #tpu.memory_space<semaphore_mem>>) src(%arg6 : memref<5120xf32, #tpu.memory_space<hbm>>) dst(%arg12 : memref<5120xf32, #tpu.memory_space<vmem>>)
      tpu.yield
    }) : () -> ()
    %scan3A = arith.constant 0 : i32
    %scan3A_5 = arith.constant 0 : i32
    %scan3A_6 = arith.constant 320 : i32
    %scan3A_7 = arith.addi %scan3A_5, %scan3A_6 : i32
    %scan3A_8 = arith.constant 1 : i32
    scf.for %scan3A_18 = %scan3A_5 to %scan3A_7 step %scan3A_8  : i32 {
      %mul3A_19 = arith.constant 16 : i32
      %mul3A_20 = arith.muli %scan3A_18, %mul3A_19 : i32
      %get3A = arith.index_cast %mul3A_20 : i32 to index
      %get3A_21 = tpu.vector_load %arg10[%get3A] {strides = array<i32>} : memref<5120xf32, #tpu.memory_space<vmem>>, vector<16xf32>,
      %get3A_22 = vector.shape_cast %get3A_21 : vector<16xf32> to vector<16xf32>
      %get3A_23 = arith.index_cast %mul3A_20 : i32 to index
      %get3A_24 = tpu.vector_load %arg8[%get3A_23] {strides = array<i32>} : memref<5120xf32, #tpu.memory_space<vmem>>, vector<16xf32>,
      %get3A_25 = vector.shape_cast %get3A_24 : vector<16xf32> to vector<16xf32>
      %sub3A = arith.subf %get3A_22, %get3A_25 : vector<16xf32>
      %get3A_26 = arith.index_cast %mul3A_20 : i32 to index
      %get3A_27 = tpu.vector_load %arg11[%get3A_26] {strides = array<i32>} : memref<5120xf32, #tpu.memory_space<vmem>>, vector<16xf32>,
      %get3A_28 = vector.shape_cast %get3A_27 : vector<16xf32> to vector<16xf32>
      %get3A_29 = arith.index_cast %mul3A_20 : i32 to index
      %get3A_30 = tpu.vector_load %arg9[%get3A_29] {strides = array<i32>} : memref<5120xf32, #tpu.memory_space<vmem>>, vector<16xf32>,
      %get3A_31 = vector.shape_cast %get3A_30 : vector<16xf32> to vector<16xf32>
      %sub3A_32 = arith.subf %get3A_28, %get3A_31 : vector<16xf32>
      %mul3A_33 = arith.mulf %sub3A, %sub3A_32 : vector<16xf32>
      %swap3A = arith.index_cast %mul3A_20 : i32 to index
      %swap3A_34 = tpu.vector_load %arg13[%swap3A] {strides = array<i32>} : memref<5120xf32, #tpu.memory_space<vmem>>, vector<16xf32>,
      %swap3A_35 = vector.shape_cast %swap3A_34 : vector<16xf32> to vector<16xf32>
      %swap3A_36 = vector.shape_cast %mul3A_33 : vector<16xf32> to vector<16xf32>
      tpu.vector_store %arg13[%swap3A], %swap3A_36 {strides = array<i32>} : memref<5120xf32, #tpu.memory_space<vmem>>, vector<16xf32>,
    }
    %scan3A_9 = arith.constant 320 : i32
    %iota3A = tpu.iota {dimensions = array<i32: 0>} : vector<16xi32>
    %scan3A_10 = arith.constant 0 : i32
    %scan3A_11 = arith.constant 0 : i32
    %scan3A_12 = arith.constant 3 : i32
    %scan3A_13 = arith.addi %scan3A_11, %scan3A_12 : i32
    %scan3A_14 = arith.constant 1 : i32
    scf.for %scan3A_18 = %scan3A_11 to %scan3A_13 step %scan3A_14  : i32 {
      %mul3A_19 = arith.constant 16 : i32
      %mul3A_20 = arith.muli %scan3A_18, %mul3A_19 : i32
      %add3A_21 = arith.addi %add3A_4, %mul3A_20 : i32
      %get3A = arith.index_cast %add3A_21 : i32 to index
      %get3A_22 = tpu.vector_load %arg8[%get3A] {strides = array<i32>} : memref<5120xf32, #tpu.memory_space<vmem>>, vector<16xf32>,
      %get3A_23 = vector.shape_cast %get3A_22 : vector<16xf32> to vector<16xf32>
      %get3A_24 = arith.index_cast %add3A_21 : i32 to index
      %get3A_25 = tpu.vector_load %arg9[%get3A_24] {strides = array<i32>} : memref<5120xf32, #tpu.memory_space<vmem>>, vector<16xf32>,
      %get3A_26 = vector.shape_cast %get3A_25 : vector<16xf32> to vector<16xf32>
      %get3A_27 = arith.index_cast %add3A_21 : i32 to index
      %get3A_28 = tpu.vector_load %arg10[%get3A_27] {strides = array<i32>} : memref<5120xf32, #tpu.memory_space<vmem>>, vector<16xf32>,
      %get3A_29 = vector.shape_cast %get3A_28 : vector<16xf32> to vector<16xf32>
      %get3A_30 = arith.index_cast %add3A_21 : i32 to index
      %get3A_31 = tpu.vector_load %arg11[%get3A_30] {strides = array<i32>} : memref<5120xf32, #tpu.memory_space<vmem>>, vector<16xf32>,
      %get3A_32 = vector.shape_cast %get3A_31 : vector<16xf32> to vector<16xf32>
      %get3A_33 = arith.index_cast %add3A_21 : i32 to index
      %get3A_34 = tpu.vector_load %arg13[%get3A_33] {strides = array<i32>} : memref<5120xf32, #tpu.memory_space<vmem>>, vector<16xf32>,
      %get3A_35 = vector.shape_cast %get3A_34 : vector<16xf32> to vector<16xf32>
      %get3A_36 = arith.index_cast %add3A_21 : i32 to index
      %get3A_37 = tpu.vector_load %arg12[%get3A_36] {strides = array<i32>} : memref<5120xf32, #tpu.memory_space<vmem>>, vector<16xf32>,
      %get3A_38 = vector.shape_cast %get3A_37 : vector<16xf32> to vector<16xf32>
      %broadcast_in_dim3A = arith.constant 0.000000e+00 : f32
      %broadcast_in_dim3A_39 = vector.broadcast %broadcast_in_dim3A : f32 to vector<16xf32>
      %slice3A = vector.extract_strided_slice %get3A_23 {offsets = [0], sizes = [1], strides = [1]} : vector<16xf32> to vector<1xf32>
      %squeeze3A = vector.extract %slice3A[0] : f32 from vector<1xf32>
      %slice3A_40 = vector.extract_strided_slice %get3A_23 {offsets = [1], sizes = [1], strides = [1]} : vector<16xf32> to vector<1xf32>
      %squeeze3A_41 = vector.extract %slice3A_40[0] : f32 from vector<1xf32>
      %slice3A_42 = vector.extract_strided_slice %get3A_23 {offsets = [2], sizes = [1], strides = [1]} : vector<16xf32> to vector<1xf32>
      %squeeze3A_43 = vector.extract %slice3A_42[0] : f32 from vector<1xf32>
      %slice3A_44 = vector.extract_strided_slice %get3A_23 {offsets = [3], sizes = [1], strides = [1]} : vector<16xf32> to vector<1xf32>
      %squeeze3A_45 = vector.extract %slice3A_44[0] : f32 from vector<1xf32>
      %slice3A_46 = vector.extract_strided_slice %get3A_26 {offsets = [0], sizes = [1], strides = [1]} : vector<16xf32> to vector<1xf32>
      %squeeze3A_47 = vector.extract %slice3A_46[0] : f32 from vector<1xf32>
      %slice3A_48 = vector.extract_strided_slice %get3A_26 {offsets = [1], sizes = [1], strides = [1]} : vector<16xf32> to vector<1xf32>
      %squeeze3A_49 = vector.extract %slice3A_48[0] : f32 from vector<1xf32>
      %slice3A_50 = vector.extract_strided_slice %get3A_26 {offsets = [2], sizes = [1], strides = [1]} : vector<16xf32> to vector<1xf32>
      %squeeze3A_51 = vector.extract %slice3A_50[0] : f32 from vector<1xf32>
      %slice3A_52 = vector.extract_strided_slice %get3A_26 {offsets = [3], sizes = [1], strides = [1]} : vector<16xf32> to vector<1xf32>
      %squeeze3A_53 = vector.extract %slice3A_52[0] : f32 from vector<1xf32>
      %slice3A_54 = vector.extract_strided_slice %get3A_29 {offsets = [0], sizes = [1], strides = [1]} : vector<16xf32> to vector<1xf32>
      %squeeze3A_55 = vector.extract %slice3A_54[0] : f32 from vector<1xf32>
      %slice3A_56 = vector.extract_strided_slice %get3A_29 {offsets = [1], sizes = [1], strides = [1]} : vector<16xf32> to vector<1xf32>
      %squeeze3A_57 = vector.extract %slice3A_56[0] : f32 from vector<1xf32>
      %slice3A_58 = vector.extract_strided_slice %get3A_29 {offsets = [2], sizes = [1], strides = [1]} : vector<16xf32> to vector<1xf32>
      %squeeze3A_59 = vector.extract %slice3A_58[0] : f32 from vector<1xf32>
      %slice3A_60 = vector.extract_strided_slice %get3A_29 {offsets = [3], sizes = [1], strides = [1]} : vector<16xf32> to vector<1xf32>
      %squeeze3A_61 = vector.extract %slice3A_60[0] : f32 from vector<1xf32>
      %slice3A_62 = vector.extract_strided_slice %get3A_32 {offsets = [0], sizes = [1], strides = [1]} : vector<16xf32> to vector<1xf32>
      %squeeze3A_63 = vector.extract %slice3A_62[0] : f32 from vector<1xf32>
      %slice3A_64 = vector.extract_strided_slice %get3A_32 {offsets = [1], sizes = [1], strides = [1]} : vector<16xf32> to vector<1xf32>
      %squeeze3A_65 = vector.extract %slice3A_64[0] : f32 from vector<1xf32>
      %slice3A_66 = vector.extract_strided_slice %get3A_32 {offsets = [2], sizes = [1], strides = [1]} : vector<16xf32> to vector<1xf32>
      %squeeze3A_67 = vector.extract %slice3A_66[0] : f32 from vector<1xf32>
      %slice3A_68 = vector.extract_strided_slice %get3A_32 {offsets = [3], sizes = [1], strides = [1]} : vector<16xf32> to vector<1xf32>
      %squeeze3A_69 = vector.extract %slice3A_68[0] : f32 from vector<1xf32>
      %slice3A_70 = vector.extract_strided_slice %get3A_35 {offsets = [0], sizes = [1], strides = [1]} : vector<16xf32> to vector<1xf32>
      %squeeze3A_71 = vector.extract %slice3A_70[0] : f32 from vector<1xf32>
      %add3A_72 = arith.constant 9.99999993E-9 : f32
      %add3A_73 = arith.addf %squeeze3A_71, %add3A_72 : f32
      %slice3A_74 = vector.extract_strided_slice %get3A_35 {offsets = [1], sizes = [1], strides = [1]} : vector<16xf32> to vector<1xf32>
      %squeeze3A_75 = vector.extract %slice3A_74[0] : f32 from vector<1xf32>
      %add3A_76 = arith.constant 9.99999993E-9 : f32
      %add3A_77 = arith.addf %squeeze3A_75, %add3A_76 : f32
      %slice3A_78 = vector.extract_strided_slice %get3A_35 {offsets = [2], sizes = [1], strides = [1]} : vector<16xf32> to vector<1xf32>
      %squeeze3A_79 = vector.extract %slice3A_78[0] : f32 from vector<1xf32>
      %add3A_80 = arith.constant 9.99999993E-9 : f32
      %add3A_81 = arith.addf %squeeze3A_79, %add3A_80 : f32
      %slice3A_82 = vector.extract_strided_slice %get3A_35 {offsets = [3], sizes = [1], strides = [1]} : vector<16xf32> to vector<1xf32>
      %squeeze3A_83 = vector.extract %slice3A_82[0] : f32 from vector<1xf32>
      %add3A_84 = arith.constant 9.99999993E-9 : f32
      %add3A_85 = arith.addf %squeeze3A_83, %add3A_84 : f32
      %slice3A_86 = vector.extract_strided_slice %get3A_38 {offsets = [0], sizes = [1], strides = [1]} : vector<16xf32> to vector<1xf32>
      %squeeze3A_87 = vector.extract %slice3A_86[0] : f32 from vector<1xf32>
      %slice3A_88 = vector.extract_strided_slice %get3A_38 {offsets = [1], sizes = [1], strides = [1]} : vector<16xf32> to vector<1xf32>
      %squeeze3A_89 = vector.extract %slice3A_88[0] : f32 from vector<1xf32>
      %slice3A_90 = vector.extract_strided_slice %get3A_38 {offsets = [2], sizes = [1], strides = [1]} : vector<16xf32> to vector<1xf32>
      %squeeze3A_91 = vector.extract %slice3A_90[0] : f32 from vector<1xf32>
      %slice3A_92 = vector.extract_strided_slice %get3A_38 {offsets = [3], sizes = [1], strides = [1]} : vector<16xf32> to vector<1xf32>
      %squeeze3A_93 = vector.extract %slice3A_92[0] : f32 from vector<1xf32>
      %broadcast_in_dim3A_94 = arith.constant 0.000000e+00 : f32
      %broadcast_in_dim3A_95 = vector.broadcast %broadcast_in_dim3A_94 : f32 to vector<16xf32>
      %broadcast_in_dim3A_96 = arith.constant 0.000000e+00 : f32
      %broadcast_in_dim3A_97 = vector.broadcast %broadcast_in_dim3A_96 : f32 to vector<16xf32>
      %broadcast_in_dim3A_98 = arith.constant 0.000000e+00 : f32
      %broadcast_in_dim3A_99 = vector.broadcast %broadcast_in_dim3A_98 : f32 to vector<16xf32>
      %broadcast_in_dim3A_100 = arith.constant 0.000000e+00 : f32
      %broadcast_in_dim3A_101 = vector.broadcast %broadcast_in_dim3A_100 : f32 to vector<16xf32>
      %scan3A_102 = arith.constant 0 : i32
      %scan3A_103 = arith.constant 320 : i32
      %scan3A_104 = arith.addi %scan3A_102, %scan3A_103 : i32
      %scan3A_105 = arith.constant 1 : i32
      %scan3A_106:4 = scf.for %scan3A_1283 = %scan3A_102 to %scan3A_104 step %scan3A_105 iter_args(%scan3A_1284 = %broadcast_in_dim3A_95, %scan3A_1285 = %broadcast_in_dim3A_97, %scan3A_1286 = %broadcast_in_dim3A_99, %scan3A_1287 = %broadcast_in_dim3A_101) -> (vector<16xf32>, vector<16xf32>, vector<16xf32>, vector<16xf32>)  : i32 {
        %mul3A_1288 = arith.constant 16 : i32
        %mul3A_1289 = arith.muli %scan3A_1283, %mul3A_1288 : i32
        %get3A_1290 = arith.index_cast %mul3A_1289 : i32 to index
        %get3A_1291 = tpu.vector_load %arg8[%get3A_1290] {strides = array<i32>} : memref<5120xf32, #tpu.memory_space<vmem>>, vector<16xf32>,
        %get3A_1292 = vector.shape_cast %get3A_1291 : vector<16xf32> to vector<16xf32>
        %get3A_1293 = arith.index_cast %mul3A_1289 : i32 to index
        %get3A_1294 = tpu.vector_load %arg9[%get3A_1293] {strides = array<i32>} : memref<5120xf32, #tpu.memory_space<vmem>>, vector<16xf32>,
        %get3A_1295 = vector.shape_cast %get3A_1294 : vector<16xf32> to vector<16xf32>
        %get3A_1296 = arith.index_cast %mul3A_1289 : i32 to index
        %get3A_1297 = tpu.vector_load %arg10[%get3A_1296] {strides = array<i32>} : memref<5120xf32, #tpu.memory_space<vmem>>, vector<16xf32>,
        %get3A_1298 = vector.shape_cast %get3A_1297 : vector<16xf32> to vector<16xf32>
        %get3A_1299 = arith.index_cast %mul3A_1289 : i32 to index
        %get3A_1300 = tpu.vector_load %arg11[%get3A_1299] {strides = array<i32>} : memref<5120xf32, #tpu.memory_space<vmem>>, vector<16xf32>,
        %get3A_1301 = vector.shape_cast %get3A_1300 : vector<16xf32> to vector<16xf32>
        %get3A_1302 = arith.index_cast %mul3A_1289 : i32 to index
        %get3A_1303 = tpu.vector_load %arg13[%get3A_1302] {strides = array<i32>} : memref<5120xf32, #tpu.memory_space<vmem>>, vector<16xf32>,
        %get3A_1304 = vector.shape_cast %get3A_1303 : vector<16xf32> to vector<16xf32>
        %get3A_1305 = arith.index_cast %mul3A_1289 : i32 to index
        %get3A_1306 = tpu.vector_load %arg12[%get3A_1305] {strides = array<i32>} : memref<5120xf32, #tpu.memory_space<vmem>>, vector<16xf32>,
        %get3A_1307 = vector.shape_cast %get3A_1306 : vector<16xf32> to vector<16xf32>
        %max3A = vector.broadcast %squeeze3A : f32 to vector<16xf32>
        %max3A_1308 = arith.maximumf %get3A_1292, %max3A : vector<16xf32>
        %max3A_1309 = vector.broadcast %squeeze3A_47 : f32 to vector<16xf32>
        %max3A_1310 = arith.maximumf %get3A_1295, %max3A_1309 : vector<16xf32>
        %min3A = vector.broadcast %squeeze3A_55 : f32 to vector<16xf32>
        %min3A_1311 = arith.minimumf %get3A_1298, %min3A : vector<16xf32>
        %min3A_1312 = vector.broadcast %squeeze3A_63 : f32 to vector<16xf32>
        %min3A_1313 = arith.minimumf %get3A_1301, %min3A_1312 : vector<16xf32>
        %sub3A = arith.subf %min3A_1311, %max3A_1308 : vector<16xf32>
        %max3A_1314 = arith.constant 0.000000e+00 : f32
        %max3A_1315 = vector.broadcast %max3A_1314 : f32 to vector<16xf32>
        %max3A_1316 = arith.maximumf %sub3A, %max3A_1315 : vector<16xf32>
        %sub3A_1317 = arith.subf %min3A_1313, %max3A_1310 : vector<16xf32>
        %max3A_1318 = arith.constant 0.000000e+00 : f32
        %max3A_1319 = vector.broadcast %max3A_1318 : f32 to vector<16xf32>
        %max3A_1320 = arith.maximumf %sub3A_1317, %max3A_1319 : vector<16xf32>
        %mul3A_1321 = arith.mulf %max3A_1316, %max3A_1320 : vector<16xf32>
        %add3A_1322 = vector.broadcast %add3A_73 : f32 to vector<16xf32>
        %add3A_1323 = arith.addf %add3A_1322, %get3A_1304 : vector<16xf32>
        %sub3A_1324 = arith.subf %add3A_1323, %mul3A_1321 : vector<16xf32>
        %div3A_1325 = arith.divf %mul3A_1321, %sub3A_1324 : vector<16xf32>
        %mul3A_1326 = arith.mulf %div3A_1325, %div3A_1325 : vector<16xf32>
        %gt3A = vector.broadcast %squeeze3A_87 : f32 to vector<16xf32>
        %gt3A_1327 = arith.cmpf ogt, %get3A_1307, %gt3A : vector<16xf32>
        %jit3A = arith.constant 0.000000e+00 : f32
        %broadcast_in_dim3A_1328 = vector.broadcast %jit3A : f32 to vector<16xf32>
        %select_n3A_1329 = arith.select %gt3A_1327, %mul3A_1326, %broadcast_in_dim3A_1328 : vector<16xi1>, vector<16xf32>
        %add3A_1330 = arith.addf %scan3A_1284, %select_n3A_1329 : vector<16xf32>
        %max3A_1331 = vector.broadcast %squeeze3A_41 : f32 to vector<16xf32>
        %max3A_1332 = arith.maximumf %get3A_1292, %max3A_1331 : vector<16xf32>
        %max3A_1333 = vector.broadcast %squeeze3A_49 : f32 to vector<16xf32>
        %max3A_1334 = arith.maximumf %get3A_1295, %max3A_1333 : vector<16xf32>
        %min3A_1335 = vector.broadcast %squeeze3A_57 : f32 to vector<16xf32>
        %min3A_1336 = arith.minimumf %get3A_1298, %min3A_1335 : vector<16xf32>
        %min3A_1337 = vector.broadcast %squeeze3A_65 : f32 to vector<16xf32>
        %min3A_1338 = arith.minimumf %get3A_1301, %min3A_1337 : vector<16xf32>
        %sub3A_1339 = arith.subf %min3A_1336, %max3A_1332 : vector<16xf32>
        %max3A_1340 = arith.constant 0.000000e+00 : f32
        %max3A_1341 = vector.broadcast %max3A_1340 : f32 to vector<16xf32>
        %max3A_1342 = arith.maximumf %sub3A_1339, %max3A_1341 : vector<16xf32>
        %sub3A_1343 = arith.subf %min3A_1338, %max3A_1334 : vector<16xf32>
        %max3A_1344 = arith.constant 0.000000e+00 : f32
        %max3A_1345 = vector.broadcast %max3A_1344 : f32 to vector<16xf32>
        %max3A_1346 = arith.maximumf %sub3A_1343, %max3A_1345 : vector<16xf32>
        %mul3A_1347 = arith.mulf %max3A_1342, %max3A_1346 : vector<16xf32>
        %add3A_1348 = vector.broadcast %add3A_77 : f32 to vector<16xf32>
        %add3A_1349 = arith.addf %add3A_1348, %get3A_1304 : vector<16xf32>
        %sub3A_1350 = arith.subf %add3A_1349, %mul3A_1347 : vector<16xf32>
        %div3A_1351 = arith.divf %mul3A_1347, %sub3A_1350 : vector<16xf32>
        %mul3A_1352 = arith.mulf %div3A_1351, %div3A_1351 : vector<16xf32>
        %gt3A_1353 = vector.broadcast %squeeze3A_89 : f32 to vector<16xf32>
        %gt3A_1354 = arith.cmpf ogt, %get3A_1307, %gt3A_1353 : vector<16xf32>
        %jit3A_1355 = arith.constant 0.000000e+00 : f32
        %broadcast_in_dim3A_1356 = vector.broadcast %jit3A_1355 : f32 to vector<16xf32>
        %select_n3A_1357 = arith.select %gt3A_1354, %mul3A_1352, %broadcast_in_dim3A_1356 : vector<16xi1>, vector<16xf32>
        %add3A_1358 = arith.addf %scan3A_1285, %select_n3A_1357 : vector<16xf32>
        %max3A_1359 = vector.broadcast %squeeze3A_43 : f32 to vector<16xf32>
        %max3A_1360 = arith.maximumf %get3A_1292, %max3A_1359 : vector<16xf32>
        %max3A_1361 = vector.broadcast %squeeze3A_51 : f32 to vector<16xf32>
        %max3A_1362 = arith.maximumf %get3A_1295, %max3A_1361 : vector<16xf32>
        %min3A_1363 = vector.broadcast %squeeze3A_59 : f32 to vector<16xf32>
        %min3A_1364 = arith.minimumf %get3A_1298, %min3A_1363 : vector<16xf32>
        %min3A_1365 = vector.broadcast %squeeze3A_67 : f32 to vector<16xf32>
        %min3A_1366 = arith.minimumf %get3A_1301, %min3A_1365 : vector<16xf32>
        %sub3A_1367 = arith.subf %min3A_1364, %max3A_1360 : vector<16xf32>
        %max3A_1368 = arith.constant 0.000000e+00 : f32
        %max3A_1369 = vector.broadcast %max3A_1368 : f32 to vector<16xf32>
        %max3A_1370 = arith.maximumf %sub3A_1367, %max3A_1369 : vector<16xf32>
        %sub3A_1371 = arith.subf %min3A_1366, %max3A_1362 : vector<16xf32>
        %max3A_1372 = arith.constant 0.000000e+00 : f32
        %max3A_1373 = vector.broadcast %max3A_1372 : f32 to vector<16xf32>
        %max3A_1374 = arith.maximumf %sub3A_1371, %max3A_1373 : vector<16xf32>
        %mul3A_1375 = arith.mulf %max3A_1370, %max3A_1374 : vector<16xf32>
        %add3A_1376 = vector.broadcast %add3A_81 : f32 to vector<16xf32>
        %add3A_1377 = arith.addf %add3A_1376, %get3A_1304 : vector<16xf32>
        %sub3A_1378 = arith.subf %add3A_1377, %mul3A_1375 : vector<16xf32>
        %div3A_1379 = arith.divf %mul3A_1375, %sub3A_1378 : vector<16xf32>
        %mul3A_1380 = arith.mulf %div3A_1379, %div3A_1379 : vector<16xf32>
        %gt3A_1381 = vector.broadcast %squeeze3A_91 : f32 to vector<16xf32>
        %gt3A_1382 = arith.cmpf ogt, %get3A_1307, %gt3A_1381 : vector<16xf32>
        %jit3A_1383 = arith.constant 0.000000e+00 : f32
        %broadcast_in_dim3A_1384 = vector.broadcast %jit3A_1383 : f32 to vector<16xf32>
        %select_n3A_1385 = arith.select %gt3A_1382, %mul3A_1380, %broadcast_in_dim3A_1384 : vector<16xi1>, vector<16xf32>
        %add3A_1386 = arith.addf %scan3A_1286, %select_n3A_1385 : vector<16xf32>
        %max3A_1387 = vector.broadcast %squeeze3A_45 : f32 to vector<16xf32>
        %max3A_1388 = arith.maximumf %get3A_1292, %max3A_1387 : vector<16xf32>
        %max3A_1389 = vector.broadcast %squeeze3A_53 : f32 to vector<16xf32>
        %max3A_1390 = arith.maximumf %get3A_1295, %max3A_1389 : vector<16xf32>
        %min3A_1391 = vector.broadcast %squeeze3A_61 : f32 to vector<16xf32>
        %min3A_1392 = arith.minimumf %get3A_1298, %min3A_1391 : vector<16xf32>
        %min3A_1393 = vector.broadcast %squeeze3A_69 : f32 to vector<16xf32>
        %min3A_1394 = arith.minimumf %get3A_1301, %min3A_1393 : vector<16xf32>
        %sub3A_1395 = arith.subf %min3A_1392, %max3A_1388 : vector<16xf32>
        %max3A_1396 = arith.constant 0.000000e+00 : f32
        %max3A_1397 = vector.broadcast %max3A_1396 : f32 to vector<16xf32>
        %max3A_1398 = arith.maximumf %sub3A_1395, %max3A_1397 : vector<16xf32>
        %sub3A_1399 = arith.subf %min3A_1394, %max3A_1390 : vector<16xf32>
        %max3A_1400 = arith.constant 0.000000e+00 : f32
        %max3A_1401 = vector.broadcast %max3A_1400 : f32 to vector<16xf32>
        %max3A_1402 = arith.maximumf %sub3A_1399, %max3A_1401 : vector<16xf32>
        %mul3A_1403 = arith.mulf %max3A_1398, %max3A_1402 : vector<16xf32>
        %add3A_1404 = vector.broadcast %add3A_85 : f32 to vector<16xf32>
        %add3A_1405 = arith.addf %add3A_1404, %get3A_1304 : vector<16xf32>
        %sub3A_1406 = arith.subf %add3A_1405, %mul3A_1403 : vector<16xf32>
        %div3A_1407 = arith.divf %mul3A_1403, %sub3A_1406 : vector<16xf32>
        %mul3A_1408 = arith.mulf %div3A_1407, %div3A_1407 : vector<16xf32>
        %gt3A_1409 = vector.broadcast %squeeze3A_93 : f32 to vector<16xf32>
        %gt3A_1410 = arith.cmpf ogt, %get3A_1307, %gt3A_1409 : vector<16xf32>
        %jit3A_1411 = arith.constant 0.000000e+00 : f32
        %broadcast_in_dim3A_1412 = vector.broadcast %jit3A_1411 : f32 to vector<16xf32>
        %select_n3A_1413 = arith.select %gt3A_1410, %mul3A_1408, %broadcast_in_dim3A_1412 : vector<16xi1>, vector<16xf32>
        %add3A_1414 = arith.addf %scan3A_1287, %select_n3A_1413 : vector<16xf32>
        scf.yield %add3A_1330, %add3A_1358, %add3A_1386, %add3A_1414 : vector<16xf32>, vector<16xf32>, vector<16xf32>, vector<16xf32>
      }
      %scan3A_107 = arith.constant 320 : i32
      %xor3A = arith.constant 8 : i32
      %xor3A_108 = vector.broadcast %xor3A : i32 to vector<16xi32>
      %xor3A_109 = arith.xori %iota3A, %xor3A_108 : vector<16xi32>
      %lt3A = arith.constant 0 : i32
      %lt3A_110 = vector.broadcast %lt3A : i32 to vector<16xi32>
      %lt3A_111 = arith.cmpi slt, %xor3A_109, %lt3A_110 : vector<16xi32>
      %add3A_112 = arith.constant 16 : i32
      %add3A_113 = vector.broadcast %add3A_112 : i32 to vector<16xi32>
      %add3A_114 = arith.addi %xor3A_109, %add3A_113 : vector<16xi32>
      %select_n3A = arith.select %lt3A_111, %add3A_114, %xor3A_109 : vector<16xi1>, vector<16xi32>
      %broadcast_in_dim3A_115 = vector.shape_cast %select_n3A : vector<16xi32> to vector<16x1xi32>
      %gather3A = vector.shape_cast %broadcast_in_dim3A_115 : vector<16x1xi32> to vector<16xi32>
      %gather3A_116 = tpu.dynamic_gather %scan3A_106#0[%gather3A] in [0] : vector<16xf32>, vector<16xi32> -> vector<16xf32>
      %add3A_117 = arith.addf %scan3A_106#0, %gather3A_116 : vector<16xf32>
      %xor3A_118 = arith.constant 4 : i32
      %xor3A_119 = vector.broadcast %xor3A_118 : i32 to vector<16xi32>
      %xor3A_120 = arith.xori %iota3A, %xor3A_119 : vector<16xi32>
      %lt3A_121 = arith.constant 0 : i32
      %lt3A_122 = vector.broadcast %lt3A_121 : i32 to vector<16xi32>
      %lt3A_123 = arith.cmpi slt, %xor3A_120, %lt3A_122 : vector<16xi32>
      %add3A_124 = arith.constant 16 : i32
      %add3A_125 = vector.broadcast %add3A_124 : i32 to vector<16xi32>
      %add3A_126 = arith.addi %xor3A_120, %add3A_125 : vector<16xi32>
      %select_n3A_127 = arith.select %lt3A_123, %add3A_126, %xor3A_120 : vector<16xi1>, vector<16xi32>
      %broadcast_in_dim3A_128 = vector.shape_cast %select_n3A_127 : vector<16xi32> to vector<16x1xi32>
      %gather3A_129 = vector.shape_cast %broadcast_in_dim3A_128 : vector<16x1xi32> to vector<16xi32>
      %gather3A_130 = tpu.dynamic_gather %add3A_117[%gather3A_129] in [0] : vector<16xf32>, vector<16xi32> -> vector<16xf32>
      %add3A_131 = arith.addf %add3A_117, %gather3A_130 : vector<16xf32>
      %xor3A_132 = arith.constant 2 : i32
      %xor3A_133 = vector.broadcast %xor3A_132 : i32 to vector<16xi32>
      %xor3A_134 = arith.xori %iota3A, %xor3A_133 : vector<16xi32>
      %lt3A_135 = arith.constant 0 : i32
      %lt3A_136 = vector.broadcast %lt3A_135 : i32 to vector<16xi32>
      %lt3A_137 = arith.cmpi slt, %xor3A_134, %lt3A_136 : vector<16xi32>
      %add3A_138 = arith.constant 16 : i32
      %add3A_139 = vector.broadcast %add3A_138 : i32 to vector<16xi32>
      %add3A_140 = arith.addi %xor3A_134, %add3A_139 : vector<16xi32>
      %select_n3A_141 = arith.select %lt3A_137, %add3A_140, %xor3A_134 : vector<16xi1>, vector<16xi32>
      %broadcast_in_dim3A_142 = vector.shape_cast %select_n3A_141 : vector<16xi32> to vector<16x1xi32>
      %gather3A_143 = vector.shape_cast %broadcast_in_dim3A_142 : vector<16x1xi32> to vector<16xi32>
      %gather3A_144 = tpu.dynamic_gather %add3A_131[%gather3A_143] in [0] : vector<16xf32>, vector<16xi32> -> vector<16xf32>
      %add3A_145 = arith.addf %add3A_131, %gather3A_144 : vector<16xf32>
      %xor3A_146 = arith.constant 1 : i32
      %xor3A_147 = vector.broadcast %xor3A_146 : i32 to vector<16xi32>
      %xor3A_148 = arith.xori %iota3A, %xor3A_147 : vector<16xi32>
      %lt3A_149 = arith.constant 0 : i32
      %lt3A_150 = vector.broadcast %lt3A_149 : i32 to vector<16xi32>
      %lt3A_151 = arith.cmpi slt, %xor3A_148, %lt3A_150 : vector<16xi32>
      %add3A_152 = arith.constant 16 : i32
      %add3A_153 = vector.broadcast %add3A_152 : i32 to vector<16xi32>
      %add3A_154 = arith.addi %xor3A_148, %add3A_153 : vector<16xi32>
      %select_n3A_155 = arith.select %lt3A_151, %add3A_154, %xor3A_148 : vector<16xi1>, vector<16xi32>
      %broadcast_in_dim3A_156 = vector.shape_cast %select_n3A_155 : vector<16xi32> to vector<16x1xi32>
      %gather3A_157 = vector.shape_cast %broadcast_in_dim3A_156 : vector<16x1xi32> to vector<16xi32>
      %gather3A_158 = tpu.dynamic_gather %add3A_145[%gather3A_157] in [0] : vector<16xf32>, vector<16xi32> -> vector<16xf32>
      %add3A_159 = arith.addf %add3A_145, %gather3A_158 : vector<16xf32>
      %eq3A = arith.constant 0 : i32
      %eq3A_160 = vector.broadcast %eq3A : i32 to vector<16xi32>
      %eq3A_161 = arith.cmpi eq, %iota3A, %eq3A_160 : vector<16xi32>
      %select_n3A_162 = arith.select %eq3A_161, %add3A_159, %broadcast_in_dim3A_39 : vector<16xi1>, vector<16xf32>
      %xor3A_163 = arith.constant 8 : i32
      %xor3A_164 = vector.broadcast %xor3A_163 : i32 to vector<16xi32>
      %xor3A_165 = arith.xori %iota3A, %xor3A_164 : vector<16xi32>
      %lt3A_166 = arith.constant 0 : i32
      %lt3A_167 = vector.broadcast %lt3A_166 : i32 to vector<16xi32>
      %lt3A_168 = arith.cmpi slt, %xor3A_165, %lt3A_167 : vector<16xi32>
      %add3A_169 = arith.constant 16 : i32
      %add3A_170 = vector.broadcast %add3A_169 : i32 to vector<16xi32>
      %add3A_171 = arith.addi %xor3A_165, %add3A_170 : vector<16xi32>
      %select_n3A_172 = arith.select %lt3A_168, %add3A_171, %xor3A_165 : vector<16xi1>, vector<16xi32>
      %broadcast_in_dim3A_173 = vector.shape_cast %select_n3A_172 : vector<16xi32> to vector<16x1xi32>
      %gather3A_174 = vector.shape_cast %broadcast_in_dim3A_173 : vector<16x1xi32> to vector<16xi32>
      %gather3A_175 = tpu.dynamic_gather %scan3A_106#1[%gather3A_174] in [0] : vector<16xf32>, vector<16xi32> -> vector<16xf32>
      %add3A_176 = arith.addf %scan3A_106#1, %gather3A_175 : vector<16xf32>
      %xor3A_177 = arith.constant 4 : i32
      %xor3A_178 = vector.broadcast %xor3A_177 : i32 to vector<16xi32>
      %xor3A_179 = arith.xori %iota3A, %xor3A_178 : vector<16xi32>
      %lt3A_180 = arith.constant 0 : i32
      %lt3A_181 = vector.broadcast %lt3A_180 : i32 to vector<16xi32>
      %lt3A_182 = arith.cmpi slt, %xor3A_179, %lt3A_181 : vector<16xi32>
      %add3A_183 = arith.constant 16 : i32
      %add3A_184 = vector.broadcast %add3A_183 : i32 to vector<16xi32>
      %add3A_185 = arith.addi %xor3A_179, %add3A_184 : vector<16xi32>
      %select_n3A_186 = arith.select %lt3A_182, %add3A_185, %xor3A_179 : vector<16xi1>, vector<16xi32>
      %broadcast_in_dim3A_187 = vector.shape_cast %select_n3A_186 : vector<16xi32> to vector<16x1xi32>
      %gather3A_188 = vector.shape_cast %broadcast_in_dim3A_187 : vector<16x1xi32> to vector<16xi32>
      %gather3A_189 = tpu.dynamic_gather %add3A_176[%gather3A_188] in [0] : vector<16xf32>, vector<16xi32> -> vector<16xf32>
      %add3A_190 = arith.addf %add3A_176, %gather3A_189 : vector<16xf32>
      %xor3A_191 = arith.constant 2 : i32
      %xor3A_192 = vector.broadcast %xor3A_191 : i32 to vector<16xi32>
      %xor3A_193 = arith.xori %iota3A, %xor3A_192 : vector<16xi32>
      %lt3A_194 = arith.constant 0 : i32
      %lt3A_195 = vector.broadcast %lt3A_194 : i32 to vector<16xi32>
      %lt3A_196 = arith.cmpi slt, %xor3A_193, %lt3A_195 : vector<16xi32>
      %add3A_197 = arith.constant 16 : i32
      %add3A_198 = vector.broadcast %add3A_197 : i32 to vector<16xi32>
      %add3A_199 = arith.addi %xor3A_193, %add3A_198 : vector<16xi32>
      %select_n3A_200 = arith.select %lt3A_196, %add3A_199, %xor3A_193 : vector<16xi1>, vector<16xi32>
      %broadcast_in_dim3A_201 = vector.shape_cast %select_n3A_200 : vector<16xi32> to vector<16x1xi32>
      %gather3A_202 = vector.shape_cast %broadcast_in_dim3A_201 : vector<16x1xi32> to vector<16xi32>
      %gather3A_203 = tpu.dynamic_gather %add3A_190[%gather3A_202] in [0] : vector<16xf32>, vector<16xi32> -> vector<16xf32>
      %add3A_204 = arith.addf %add3A_190, %gather3A_203 : vector<16xf32>
      %xor3A_205 = arith.constant 1 : i32
      %xor3A_206 = vector.broadcast %xor3A_205 : i32 to vector<16xi32>
      %xor3A_207 = arith.xori %iota3A, %xor3A_206 : vector<16xi32>
      %lt3A_208 = arith.constant 0 : i32
      %lt3A_209 = vector.broadcast %lt3A_208 : i32 to vector<16xi32>
      %lt3A_210 = arith.cmpi slt, %xor3A_207, %lt3A_209 : vector<16xi32>
      %add3A_211 = arith.constant 16 : i32
      %add3A_212 = vector.broadcast %add3A_211 : i32 to vector<16xi32>
      %add3A_213 = arith.addi %xor3A_207, %add3A_212 : vector<16xi32>
      %select_n3A_214 = arith.select %lt3A_210, %add3A_213, %xor3A_207 : vector<16xi1>, vector<16xi32>
      %broadcast_in_dim3A_215 = vector.shape_cast %select_n3A_214 : vector<16xi32> to vector<16x1xi32>
      %gather3A_216 = vector.shape_cast %broadcast_in_dim3A_215 : vector<16x1xi32> to vector<16xi32>
      %gather3A_217 = tpu.dynamic_gather %add3A_204[%gather3A_216] in [0] : vector<16xf32>, vector<16xi32> -> vector<16xf32>
      %add3A_218 = arith.addf %add3A_204, %gather3A_217 : vector<16xf32>
      %eq3A_219 = arith.constant 1 : i32
      %eq3A_220 = vector.broadcast %eq3A_219 : i32 to vector<16xi32>
      %eq3A_221 = arith.cmpi eq, %iota3A, %eq3A_220 : vector<16xi32>
      %select_n3A_222 = arith.select %eq3A_221, %add3A_218, %select_n3A_162 : vector<16xi1>, vector<16xf32>
      %xor3A_223 = arith.constant 8 : i32
      %xor3A_224 = vector.broadcast %xor3A_223 : i32 to vector<16xi32>
      %xor3A_225 = arith.xori %iota3A, %xor3A_224 : vector<16xi32>
      %lt3A_226 = arith.constant 0 : i32
      %lt3A_227 = vector.broadcast %lt3A_226 : i32 to vector<16xi32>
      %lt3A_228 = arith.cmpi slt, %xor3A_225, %lt3A_227 : vector<16xi32>
      %add3A_229 = arith.constant 16 : i32
      %add3A_230 = vector.broadcast %add3A_229 : i32 to vector<16xi32>
      %add3A_231 = arith.addi %xor3A_225, %add3A_230 : vector<16xi32>
      %select_n3A_232 = arith.select %lt3A_228, %add3A_231, %xor3A_225 : vector<16xi1>, vector<16xi32>
      %broadcast_in_dim3A_233 = vector.shape_cast %select_n3A_232 : vector<16xi32> to vector<16x1xi32>
      %gather3A_234 = vector.shape_cast %broadcast_in_dim3A_233 : vector<16x1xi32> to vector<16xi32>
      %gather3A_235 = tpu.dynamic_gather %scan3A_106#2[%gather3A_234] in [0] : vector<16xf32>, vector<16xi32> -> vector<16xf32>
      %add3A_236 = arith.addf %scan3A_106#2, %gather3A_235 : vector<16xf32>
      %xor3A_237 = arith.constant 4 : i32
      %xor3A_238 = vector.broadcast %xor3A_237 : i32 to vector<16xi32>
      %xor3A_239 = arith.xori %iota3A, %xor3A_238 : vector<16xi32>
      %lt3A_240 = arith.constant 0 : i32
      %lt3A_241 = vector.broadcast %lt3A_240 : i32 to vector<16xi32>
      %lt3A_242 = arith.cmpi slt, %xor3A_239, %lt3A_241 : vector<16xi32>
      %add3A_243 = arith.constant 16 : i32
      %add3A_244 = vector.broadcast %add3A_243 : i32 to vector<16xi32>
      %add3A_245 = arith.addi %xor3A_239, %add3A_244 : vector<16xi32>
      %select_n3A_246 = arith.select %lt3A_242, %add3A_245, %xor3A_239 : vector<16xi1>, vector<16xi32>
      %broadcast_in_dim3A_247 = vector.shape_cast %select_n3A_246 : vector<16xi32> to vector<16x1xi32>
      %gather3A_248 = vector.shape_cast %broadcast_in_dim3A_247 : vector<16x1xi32> to vector<16xi32>
      %gather3A_249 = tpu.dynamic_gather %add3A_236[%gather3A_248] in [0] : vector<16xf32>, vector<16xi32> -> vector<16xf32>
      %add3A_250 = arith.addf %add3A_236, %gather3A_249 : vector<16xf32>
      %xor3A_251 = arith.constant 2 : i32
      %xor3A_252 = vector.broadcast %xor3A_251 : i32 to vector<16xi32>
      %xor3A_253 = arith.xori %iota3A, %xor3A_252 : vector<16xi32>
      %lt3A_254 = arith.constant 0 : i32
      %lt3A_255 = vector.broadcast %lt3A_254 : i32 to vector<16xi32>
      %lt3A_256 = arith.cmpi slt, %xor3A_253, %lt3A_255 : vector<16xi32>
      %add3A_257 = arith.constant 16 : i32
      %add3A_258 = vector.broadcast %add3A_257 : i32 to vector<16xi32>
      %add3A_259 = arith.addi %xor3A_253, %add3A_258 : vector<16xi32>
      %select_n3A_260 = arith.select %lt3A_256, %add3A_259, %xor3A_253 : vector<16xi1>, vector<16xi32>
      %broadcast_in_dim3A_261 = vector.shape_cast %select_n3A_260 : vector<16xi32> to vector<16x1xi32>
      %gather3A_262 = vector.shape_cast %broadcast_in_dim3A_261 : vector<16x1xi32> to vector<16xi32>
      %gather3A_263 = tpu.dynamic_gather %add3A_250[%gather3A_262] in [0] : vector<16xf32>, vector<16xi32> -> vector<16xf32>
      %add3A_264 = arith.addf %add3A_250, %gather3A_263 : vector<16xf32>
      %xor3A_265 = arith.constant 1 : i32
      %xor3A_266 = vector.broadcast %xor3A_265 : i32 to vector<16xi32>
      %xor3A_267 = arith.xori %iota3A, %xor3A_266 : vector<16xi32>
      %lt3A_268 = arith.constant 0 : i32
      %lt3A_269 = vector.broadcast %lt3A_268 : i32 to vector<16xi32>
      %lt3A_270 = arith.cmpi slt, %xor3A_267, %lt3A_269 : vector<16xi32>
      %add3A_271 = arith.constant 16 : i32
      %add3A_272 = vector.broadcast %add3A_271 : i32 to vector<16xi32>
      %add3A_273 = arith.addi %xor3A_267, %add3A_272 : vector<16xi32>
      %select_n3A_274 = arith.select %lt3A_270, %add3A_273, %xor3A_267 : vector<16xi1>, vector<16xi32>
      %broadcast_in_dim3A_275 = vector.shape_cast %select_n3A_274 : vector<16xi32> to vector<16x1xi32>
      %gather3A_276 = vector.shape_cast %broadcast_in_dim3A_275 : vector<16x1xi32> to vector<16xi32>
      %gather3A_277 = tpu.dynamic_gather %add3A_264[%gather3A_276] in [0] : vector<16xf32>, vector<16xi32> -> vector<16xf32>
      %add3A_278 = arith.addf %add3A_264, %gather3A_277 : vector<16xf32>
      %eq3A_279 = arith.constant 2 : i32
      %eq3A_280 = vector.broadcast %eq3A_279 : i32 to vector<16xi32>
      %eq3A_281 = arith.cmpi eq, %iota3A, %eq3A_280 : vector<16xi32>
      %select_n3A_282 = arith.select %eq3A_281, %add3A_278, %select_n3A_222 : vector<16xi1>, vector<16xf32>
      %xor3A_283 = arith.constant 8 : i32
      %xor3A_284 = vector.broadcast %xor3A_283 : i32 to vector<16xi32>
      %xor3A_285 = arith.xori %iota3A, %xor3A_284 : vector<16xi32>
      %lt3A_286 = arith.constant 0 : i32
      %lt3A_287 = vector.broadcast %lt3A_286 : i32 to vector<16xi32>
      %lt3A_288 = arith.cmpi slt, %xor3A_285, %lt3A_287 : vector<16xi32>
      %add3A_289 = arith.constant 16 : i32
      %add3A_290 = vector.broadcast %add3A_289 : i32 to vector<16xi32>
      %add3A_291 = arith.addi %xor3A_285, %add3A_290 : vector<16xi32>
      %select_n3A_292 = arith.select %lt3A_288, %add3A_291, %xor3A_285 : vector<16xi1>, vector<16xi32>
      %broadcast_in_dim3A_293 = vector.shape_cast %select_n3A_292 : vector<16xi32> to vector<16x1xi32>
      %gather3A_294 = vector.shape_cast %broadcast_in_dim3A_293 : vector<16x1xi32> to vector<16xi32>
      %gather3A_295 = tpu.dynamic_gather %scan3A_106#3[%gather3A_294] in [0] : vector<16xf32>, vector<16xi32> -> vector<16xf32>
      %add3A_296 = arith.addf %scan3A_106#3, %gather3A_295 : vector<16xf32>
      %xor3A_297 = arith.constant 4 : i32
      %xor3A_298 = vector.broadcast %xor3A_297 : i32 to vector<16xi32>
      %xor3A_299 = arith.xori %iota3A, %xor3A_298 : vector<16xi32>
      %lt3A_300 = arith.constant 0 : i32
      %lt3A_301 = vector.broadcast %lt3A_300 : i32 to vector<16xi32>
      %lt3A_302 = arith.cmpi slt, %xor3A_299, %lt3A_301 : vector<16xi32>
      %add3A_303 = arith.constant 16 : i32
      %add3A_304 = vector.broadcast %add3A_303 : i32 to vector<16xi32>
      %add3A_305 = arith.addi %xor3A_299, %add3A_304 : vector<16xi32>
      %select_n3A_306 = arith.select %lt3A_302, %add3A_305, %xor3A_299 : vector<16xi1>, vector<16xi32>
      %broadcast_in_dim3A_307 = vector.shape_cast %select_n3A_306 : vector<16xi32> to vector<16x1xi32>
      %gather3A_308 = vector.shape_cast %broadcast_in_dim3A_307 : vector<16x1xi32> to vector<16xi32>
      %gather3A_309 = tpu.dynamic_gather %add3A_296[%gather3A_308] in [0] : vector<16xf32>, vector<16xi32> -> vector<16xf32>
      %add3A_310 = arith.addf %add3A_296, %gather3A_309 : vector<16xf32>
      %xor3A_311 = arith.constant 2 : i32
      %xor3A_312 = vector.broadcast %xor3A_311 : i32 to vector<16xi32>
      %xor3A_313 = arith.xori %iota3A, %xor3A_312 : vector<16xi32>
      %lt3A_314 = arith.constant 0 : i32
      %lt3A_315 = vector.broadcast %lt3A_314 : i32 to vector<16xi32>
      %lt3A_316 = arith.cmpi slt, %xor3A_313, %lt3A_315 : vector<16xi32>
      %add3A_317 = arith.constant 16 : i32
      %add3A_318 = vector.broadcast %add3A_317 : i32 to vector<16xi32>
      %add3A_319 = arith.addi %xor3A_313, %add3A_318 : vector<16xi32>
      %select_n3A_320 = arith.select %lt3A_316, %add3A_319, %xor3A_313 : vector<16xi1>, vector<16xi32>
      %broadcast_in_dim3A_321 = vector.shape_cast %select_n3A_320 : vector<16xi32> to vector<16x1xi32>
      %gather3A_322 = vector.shape_cast %broadcast_in_dim3A_321 : vector<16x1xi32> to vector<16xi32>
      %gather3A_323 = tpu.dynamic_gather %add3A_310[%gather3A_322] in [0] : vector<16xf32>, vector<16xi32> -> vector<16xf32>
      %add3A_324 = arith.addf %add3A_310, %gather3A_323 : vector<16xf32>
      %xor3A_325 = arith.constant 1 : i32
      %xor3A_326 = vector.broadcast %xor3A_325 : i32 to vector<16xi32>
      %xor3A_327 = arith.xori %iota3A, %xor3A_326 : vector<16xi32>
      %lt3A_328 = arith.constant 0 : i32
      %lt3A_329 = vector.broadcast %lt3A_328 : i32 to vector<16xi32>
      %lt3A_330 = arith.cmpi slt, %xor3A_327, %lt3A_329 : vector<16xi32>
      %add3A_331 = arith.constant 16 : i32
      %add3A_332 = vector.broadcast %add3A_331 : i32 to vector<16xi32>
      %add3A_333 = arith.addi %xor3A_327, %add3A_332 : vector<16xi32>
      %select_n3A_334 = arith.select %lt3A_330, %add3A_333, %xor3A_327 : vector<16xi1>, vector<16xi32>
      %broadcast_in_dim3A_335 = vector.shape_cast %select_n3A_334 : vector<16xi32> to vector<16x1xi32>
      %gather3A_336 = vector.shape_cast %broadcast_in_dim3A_335 : vector<16x1xi32> to vector<16xi32>
      %gather3A_337 = tpu.dynamic_gather %add3A_324[%gather3A_336] in [0] : vector<16xf32>, vector<16xi32> -> vector<16xf32>
      %add3A_338 = arith.addf %add3A_324, %gather3A_337 : vector<16xf32>
      %eq3A_339 = arith.constant 3 : i32
      %eq3A_340 = vector.broadcast %eq3A_339 : i32 to vector<16xi32>
      %eq3A_341 = arith.cmpi eq, %iota3A, %eq3A_340 : vector<16xi32>
      %select_n3A_342 = arith.select %eq3A_341, %add3A_338, %select_n3A_282 : vector<16xi1>, vector<16xf32>
      %slice3A_343 = vector.extract_strided_slice %get3A_23 {offsets = [4], sizes = [1], strides = [1]} : vector<16xf32> to vector<1xf32>
      %squeeze3A_344 = vector.extract %slice3A_343[0] : f32 from vector<1xf32>
      %slice3A_345 = vector.extract_strided_slice %get3A_23 {offsets = [5], sizes = [1], strides = [1]} : vector<16xf32> to vector<1xf32>
      %squeeze3A_346 = vector.extract %slice3A_345[0] : f32 from vector<1xf32>
      %slice3A_347 = vector.extract_strided_slice %get3A_23 {offsets = [6], sizes = [1], strides = [1]} : vector<16xf32> to vector<1xf32>
      %squeeze3A_348 = vector.extract %slice3A_347[0] : f32 from vector<1xf32>
      %slice3A_349 = vector.extract_strided_slice %get3A_23 {offsets = [7], sizes = [1], strides = [1]} : vector<16xf32> to vector<1xf32>
      %squeeze3A_350 = vector.extract %slice3A_349[0] : f32 from vector<1xf32>
      %slice3A_351 = vector.extract_strided_slice %get3A_26 {offsets = [4], sizes = [1], strides = [1]} : vector<16xf32> to vector<1xf32>
      %squeeze3A_352 = vector.extract %slice3A_351[0] : f32 from vector<1xf32>
      %slice3A_353 = vector.extract_strided_slice %get3A_26 {offsets = [5], sizes = [1], strides = [1]} : vector<16xf32> to vector<1xf32>
      %squeeze3A_354 = vector.extract %slice3A_353[0] : f32 from vector<1xf32>
      %slice3A_355 = vector.extract_strided_slice %get3A_26 {offsets = [6], sizes = [1], strides = [1]} : vector<16xf32> to vector<1xf32>
      %squeeze3A_356 = vector.extract %slice3A_355[0] : f32 from vector<1xf32>
      %slice3A_357 = vector.extract_strided_slice %get3A_26 {offsets = [7], sizes = [1], strides = [1]} : vector<16xf32> to vector<1xf32>
      %squeeze3A_358 = vector.extract %slice3A_357[0] : f32 from vector<1xf32>
      %slice3A_359 = vector.extract_strided_slice %get3A_29 {offsets = [4], sizes = [1], strides = [1]} : vector<16xf32> to vector<1xf32>
      %squeeze3A_360 = vector.extract %slice3A_359[0] : f32 from vector<1xf32>
      %slice3A_361 = vector.extract_strided_slice %get3A_29 {offsets = [5], sizes = [1], strides = [1]} : vector<16xf32> to vector<1xf32>
      %squeeze3A_362 = vector.extract %slice3A_361[0] : f32 from vector<1xf32>
      %slice3A_363 = vector.extract_strided_slice %get3A_29 {offsets = [6], sizes = [1], strides = [1]} : vector<16xf32> to vector<1xf32>
      %squeeze3A_364 = vector.extract %slice3A_363[0] : f32 from vector<1xf32>
      %slice3A_365 = vector.extract_strided_slice %get3A_29 {offsets = [7], sizes = [1], strides = [1]} : vector<16xf32> to vector<1xf32>
      %squeeze3A_366 = vector.extract %slice3A_365[0] : f32 from vector<1xf32>
      %slice3A_367 = vector.extract_strided_slice %get3A_32 {offsets = [4], sizes = [1], strides = [1]} : vector<16xf32> to vector<1xf32>
      %squeeze3A_368 = vector.extract %slice3A_367[0] : f32 from vector<1xf32>
      %slice3A_369 = vector.extract_strided_slice %get3A_32 {offsets = [5], sizes = [1], strides = [1]} : vector<16xf32> to vector<1xf32>
      %squeeze3A_370 = vector.extract %slice3A_369[0] : f32 from vector<1xf32>
      %slice3A_371 = vector.extract_strided_slice %get3A_32 {offsets = [6], sizes = [1], strides = [1]} : vector<16xf32> to vector<1xf32>
      %squeeze3A_372 = vector.extract %slice3A_371[0] : f32 from vector<1xf32>
      %slice3A_373 = vector.extract_strided_slice %get3A_32 {offsets = [7], sizes = [1], strides = [1]} : vector<16xf32> to vector<1xf32>
      %squeeze3A_374 = vector.extract %slice3A_373[0] : f32 from vector<1xf32>
      %slice3A_375 = vector.extract_strided_slice %get3A_35 {offsets = [4], sizes = [1], strides = [1]} : vector<16xf32> to vector<1xf32>
      %squeeze3A_376 = vector.extract %slice3A_375[0] : f32 from vector<1xf32>
      %add3A_377 = arith.constant 9.99999993E-9 : f32
      %add3A_378 = arith.addf %squeeze3A_376, %add3A_377 : f32
      %slice3A_379 = vector.extract_strided_slice %get3A_35 {offsets = [5], sizes = [1], strides = [1]} : vector<16xf32> to vector<1xf32>
      %squeeze3A_380 = vector.extract %slice3A_379[0] : f32 from vector<1xf32>
      %add3A_381 = arith.constant 9.99999993E-9 : f32
      %add3A_382 = arith.addf %squeeze3A_380, %add3A_381 : f32
      %slice3A_383 = vector.extract_strided_slice %get3A_35 {offsets = [6], sizes = [1], strides = [1]} : vector<16xf32> to vector<1xf32>
      %squeeze3A_384 = vector.extract %slice3A_383[0] : f32 from vector<1xf32>
      %add3A_385 = arith.constant 9.99999993E-9 : f32
      %add3A_386 = arith.addf %squeeze3A_384, %add3A_385 : f32
      %slice3A_387 = vector.extract_strided_slice %get3A_35 {offsets = [7], sizes = [1], strides = [1]} : vector<16xf32> to vector<1xf32>
      %squeeze3A_388 = vector.extract %slice3A_387[0] : f32 from vector<1xf32>
      %add3A_389 = arith.constant 9.99999993E-9 : f32
      %add3A_390 = arith.addf %squeeze3A_388, %add3A_389 : f32
      %slice3A_391 = vector.extract_strided_slice %get3A_38 {offsets = [4], sizes = [1], strides = [1]} : vector<16xf32> to vector<1xf32>
      %squeeze3A_392 = vector.extract %slice3A_391[0] : f32 from vector<1xf32>
      %slice3A_393 = vector.extract_strided_slice %get3A_38 {offsets = [5], sizes = [1], strides = [1]} : vector<16xf32> to vector<1xf32>
      %squeeze3A_394 = vector.extract %slice3A_393[0] : f32 from vector<1xf32>
      %slice3A_395 = vector.extract_strided_slice %get3A_38 {offsets = [6], sizes = [1], strides = [1]} : vector<16xf32> to vector<1xf32>
      %squeeze3A_396 = vector.extract %slice3A_395[0] : f32 from vector<1xf32>
      %slice3A_397 = vector.extract_strided_slice %get3A_38 {offsets = [7], sizes = [1], strides = [1]} : vector<16xf32> to vector<1xf32>
      %squeeze3A_398 = vector.extract %slice3A_397[0] : f32 from vector<1xf32>
      %broadcast_in_dim3A_399 = arith.constant 0.000000e+00 : f32
      %broadcast_in_dim3A_400 = vector.broadcast %broadcast_in_dim3A_399 : f32 to vector<16xf32>
      %broadcast_in_dim3A_401 = arith.constant 0.000000e+00 : f32
      %broadcast_in_dim3A_402 = vector.broadcast %broadcast_in_dim3A_401 : f32 to vector<16xf32>
      %broadcast_in_dim3A_403 = arith.constant 0.000000e+00 : f32
      %broadcast_in_dim3A_404 = vector.broadcast %broadcast_in_dim3A_403 : f32 to vector<16xf32>
      %broadcast_in_dim3A_405 = arith.constant 0.000000e+00 : f32
      %broadcast_in_dim3A_406 = vector.broadcast %broadcast_in_dim3A_405 : f32 to vector<16xf32>
      %scan3A_407 = arith.constant 0 : i32
      %scan3A_408 = arith.constant 320 : i32
      %scan3A_409 = arith.addi %scan3A_407, %scan3A_408 : i32
      %scan3A_410 = arith.constant 1 : i32
      %scan3A_411:4 = scf.for %scan3A_1283 = %scan3A_407 to %scan3A_409 step %scan3A_410 iter_args(%scan3A_1284 = %broadcast_in_dim3A_400, %scan3A_1285 = %broadcast_in_dim3A_402, %scan3A_1286 = %broadcast_in_dim3A_404, %scan3A_1287 = %broadcast_in_dim3A_406) -> (vector<16xf32>, vector<16xf32>, vector<16xf32>, vector<16xf32>)  : i32 {
        %mul3A_1288 = arith.constant 16 : i32
        %mul3A_1289 = arith.muli %scan3A_1283, %mul3A_1288 : i32
        %get3A_1290 = arith.index_cast %mul3A_1289 : i32 to index
        %get3A_1291 = tpu.vector_load %arg8[%get3A_1290] {strides = array<i32>} : memref<5120xf32, #tpu.memory_space<vmem>>, vector<16xf32>,
        %get3A_1292 = vector.shape_cast %get3A_1291 : vector<16xf32> to vector<16xf32>
        %get3A_1293 = arith.index_cast %mul3A_1289 : i32 to index
        %get3A_1294 = tpu.vector_load %arg9[%get3A_1293] {strides = array<i32>} : memref<5120xf32, #tpu.memory_space<vmem>>, vector<16xf32>,
        %get3A_1295 = vector.shape_cast %get3A_1294 : vector<16xf32> to vector<16xf32>
        %get3A_1296 = arith.index_cast %mul3A_1289 : i32 to index
        %get3A_1297 = tpu.vector_load %arg10[%get3A_1296] {strides = array<i32>} : memref<5120xf32, #tpu.memory_space<vmem>>, vector<16xf32>,
        %get3A_1298 = vector.shape_cast %get3A_1297 : vector<16xf32> to vector<16xf32>
        %get3A_1299 = arith.index_cast %mul3A_1289 : i32 to index
        %get3A_1300 = tpu.vector_load %arg11[%get3A_1299] {strides = array<i32>} : memref<5120xf32, #tpu.memory_space<vmem>>, vector<16xf32>,
        %get3A_1301 = vector.shape_cast %get3A_1300 : vector<16xf32> to vector<16xf32>
        %get3A_1302 = arith.index_cast %mul3A_1289 : i32 to index
        %get3A_1303 = tpu.vector_load %arg13[%get3A_1302] {strides = array<i32>} : memref<5120xf32, #tpu.memory_space<vmem>>, vector<16xf32>,
        %get3A_1304 = vector.shape_cast %get3A_1303 : vector<16xf32> to vector<16xf32>
        %get3A_1305 = arith.index_cast %mul3A_1289 : i32 to index
        %get3A_1306 = tpu.vector_load %arg12[%get3A_1305] {strides = array<i32>} : memref<5120xf32, #tpu.memory_space<vmem>>, vector<16xf32>,
        %get3A_1307 = vector.shape_cast %get3A_1306 : vector<16xf32> to vector<16xf32>
        %max3A = vector.broadcast %squeeze3A_344 : f32 to vector<16xf32>
        %max3A_1308 = arith.maximumf %get3A_1292, %max3A : vector<16xf32>
        %max3A_1309 = vector.broadcast %squeeze3A_352 : f32 to vector<16xf32>
        %max3A_1310 = arith.maximumf %get3A_1295, %max3A_1309 : vector<16xf32>
        %min3A = vector.broadcast %squeeze3A_360 : f32 to vector<16xf32>
        %min3A_1311 = arith.minimumf %get3A_1298, %min3A : vector<16xf32>
        %min3A_1312 = vector.broadcast %squeeze3A_368 : f32 to vector<16xf32>
        %min3A_1313 = arith.minimumf %get3A_1301, %min3A_1312 : vector<16xf32>
        %sub3A = arith.subf %min3A_1311, %max3A_1308 : vector<16xf32>
        %max3A_1314 = arith.constant 0.000000e+00 : f32
        %max3A_1315 = vector.broadcast %max3A_1314 : f32 to vector<16xf32>
        %max3A_1316 = arith.maximumf %sub3A, %max3A_1315 : vector<16xf32>
        %sub3A_1317 = arith.subf %min3A_1313, %max3A_1310 : vector<16xf32>
        %max3A_1318 = arith.constant 0.000000e+00 : f32
        %max3A_1319 = vector.broadcast %max3A_1318 : f32 to vector<16xf32>
        %max3A_1320 = arith.maximumf %sub3A_1317, %max3A_1319 : vector<16xf32>
        %mul3A_1321 = arith.mulf %max3A_1316, %max3A_1320 : vector<16xf32>
        %add3A_1322 = vector.broadcast %add3A_378 : f32 to vector<16xf32>
        %add3A_1323 = arith.addf %add3A_1322, %get3A_1304 : vector<16xf32>
        %sub3A_1324 = arith.subf %add3A_1323, %mul3A_1321 : vector<16xf32>
        %div3A_1325 = arith.divf %mul3A_1321, %sub3A_1324 : vector<16xf32>
        %mul3A_1326 = arith.mulf %div3A_1325, %div3A_1325 : vector<16xf32>
        %gt3A = vector.broadcast %squeeze3A_392 : f32 to vector<16xf32>
        %gt3A_1327 = arith.cmpf ogt, %get3A_1307, %gt3A : vector<16xf32>
        %jit3A = arith.constant 0.000000e+00 : f32
        %broadcast_in_dim3A_1328 = vector.broadcast %jit3A : f32 to vector<16xf32>
        %select_n3A_1329 = arith.select %gt3A_1327, %mul3A_1326, %broadcast_in_dim3A_1328 : vector<16xi1>, vector<16xf32>
        %add3A_1330 = arith.addf %scan3A_1284, %select_n3A_1329 : vector<16xf32>
        %max3A_1331 = vector.broadcast %squeeze3A_346 : f32 to vector<16xf32>
        %max3A_1332 = arith.maximumf %get3A_1292, %max3A_1331 : vector<16xf32>
        %max3A_1333 = vector.broadcast %squeeze3A_354 : f32 to vector<16xf32>
        %max3A_1334 = arith.maximumf %get3A_1295, %max3A_1333 : vector<16xf32>
        %min3A_1335 = vector.broadcast %squeeze3A_362 : f32 to vector<16xf32>
        %min3A_1336 = arith.minimumf %get3A_1298, %min3A_1335 : vector<16xf32>
        %min3A_1337 = vector.broadcast %squeeze3A_370 : f32 to vector<16xf32>
        %min3A_1338 = arith.minimumf %get3A_1301, %min3A_1337 : vector<16xf32>
        %sub3A_1339 = arith.subf %min3A_1336, %max3A_1332 : vector<16xf32>
        %max3A_1340 = arith.constant 0.000000e+00 : f32
        %max3A_1341 = vector.broadcast %max3A_1340 : f32 to vector<16xf32>
        %max3A_1342 = arith.maximumf %sub3A_1339, %max3A_1341 : vector<16xf32>
        %sub3A_1343 = arith.subf %min3A_1338, %max3A_1334 : vector<16xf32>
        %max3A_1344 = arith.constant 0.000000e+00 : f32
        %max3A_1345 = vector.broadcast %max3A_1344 : f32 to vector<16xf32>
        %max3A_1346 = arith.maximumf %sub3A_1343, %max3A_1345 : vector<16xf32>
        %mul3A_1347 = arith.mulf %max3A_1342, %max3A_1346 : vector<16xf32>
        %add3A_1348 = vector.broadcast %add3A_382 : f32 to vector<16xf32>
        %add3A_1349 = arith.addf %add3A_1348, %get3A_1304 : vector<16xf32>
        %sub3A_1350 = arith.subf %add3A_1349, %mul3A_1347 : vector<16xf32>
        %div3A_1351 = arith.divf %mul3A_1347, %sub3A_1350 : vector<16xf32>
        %mul3A_1352 = arith.mulf %div3A_1351, %div3A_1351 : vector<16xf32>
        %gt3A_1353 = vector.broadcast %squeeze3A_394 : f32 to vector<16xf32>
        %gt3A_1354 = arith.cmpf ogt, %get3A_1307, %gt3A_1353 : vector<16xf32>
        %jit3A_1355 = arith.constant 0.000000e+00 : f32
        %broadcast_in_dim3A_1356 = vector.broadcast %jit3A_1355 : f32 to vector<16xf32>
        %select_n3A_1357 = arith.select %gt3A_1354, %mul3A_1352, %broadcast_in_dim3A_1356 : vector<16xi1>, vector<16xf32>
        %add3A_1358 = arith.addf %scan3A_1285, %select_n3A_1357 : vector<16xf32>
        %max3A_1359 = vector.broadcast %squeeze3A_348 : f32 to vector<16xf32>
        %max3A_1360 = arith.maximumf %get3A_1292, %max3A_1359 : vector<16xf32>
        %max3A_1361 = vector.broadcast %squeeze3A_356 : f32 to vector<16xf32>
        %max3A_1362 = arith.maximumf %get3A_1295, %max3A_1361 : vector<16xf32>
        %min3A_1363 = vector.broadcast %squeeze3A_364 : f32 to vector<16xf32>
        %min3A_1364 = arith.minimumf %get3A_1298, %min3A_1363 : vector<16xf32>
        %min3A_1365 = vector.broadcast %squeeze3A_372 : f32 to vector<16xf32>
        %min3A_1366 = arith.minimumf %get3A_1301, %min3A_1365 : vector<16xf32>
        %sub3A_1367 = arith.subf %min3A_1364, %max3A_1360 : vector<16xf32>
        %max3A_1368 = arith.constant 0.000000e+00 : f32
        %max3A_1369 = vector.broadcast %max3A_1368 : f32 to vector<16xf32>
        %max3A_1370 = arith.maximumf %sub3A_1367, %max3A_1369 : vector<16xf32>
        %sub3A_1371 = arith.subf %min3A_1366, %max3A_1362 : vector<16xf32>
        %max3A_1372 = arith.constant 0.000000e+00 : f32
        %max3A_1373 = vector.broadcast %max3A_1372 : f32 to vector<16xf32>
        %max3A_1374 = arith.maximumf %sub3A_1371, %max3A_1373 : vector<16xf32>
        %mul3A_1375 = arith.mulf %max3A_1370, %max3A_1374 : vector<16xf32>
        %add3A_1376 = vector.broadcast %add3A_386 : f32 to vector<16xf32>
        %add3A_1377 = arith.addf %add3A_1376, %get3A_1304 : vector<16xf32>
        %sub3A_1378 = arith.subf %add3A_1377, %mul3A_1375 : vector<16xf32>
        %div3A_1379 = arith.divf %mul3A_1375, %sub3A_1378 : vector<16xf32>
        %mul3A_1380 = arith.mulf %div3A_1379, %div3A_1379 : vector<16xf32>
        %gt3A_1381 = vector.broadcast %squeeze3A_396 : f32 to vector<16xf32>
        %gt3A_1382 = arith.cmpf ogt, %get3A_1307, %gt3A_1381 : vector<16xf32>
        %jit3A_1383 = arith.constant 0.000000e+00 : f32
        %broadcast_in_dim3A_1384 = vector.broadcast %jit3A_1383 : f32 to vector<16xf32>
        %select_n3A_1385 = arith.select %gt3A_1382, %mul3A_1380, %broadcast_in_dim3A_1384 : vector<16xi1>, vector<16xf32>
        %add3A_1386 = arith.addf %scan3A_1286, %select_n3A_1385 : vector<16xf32>
        %max3A_1387 = vector.broadcast %squeeze3A_350 : f32 to vector<16xf32>
        %max3A_1388 = arith.maximumf %get3A_1292, %max3A_1387 : vector<16xf32>
        %max3A_1389 = vector.broadcast %squeeze3A_358 : f32 to vector<16xf32>
        %max3A_1390 = arith.maximumf %get3A_1295, %max3A_1389 : vector<16xf32>
        %min3A_1391 = vector.broadcast %squeeze3A_366 : f32 to vector<16xf32>
        %min3A_1392 = arith.minimumf %get3A_1298, %min3A_1391 : vector<16xf32>
        %min3A_1393 = vector.broadcast %squeeze3A_374 : f32 to vector<16xf32>
        %min3A_1394 = arith.minimumf %get3A_1301, %min3A_1393 : vector<16xf32>
        %sub3A_1395 = arith.subf %min3A_1392, %max3A_1388 : vector<16xf32>
        %max3A_1396 = arith.constant 0.000000e+00 : f32
        %max3A_1397 = vector.broadcast %max3A_1396 : f32 to vector<16xf32>
        %max3A_1398 = arith.maximumf %sub3A_1395, %max3A_1397 : vector<16xf32>
        %sub3A_1399 = arith.subf %min3A_1394, %max3A_1390 : vector<16xf32>
        %max3A_1400 = arith.constant 0.000000e+00 : f32
        %max3A_1401 = vector.broadcast %max3A_1400 : f32 to vector<16xf32>
        %max3A_1402 = arith.maximumf %sub3A_1399, %max3A_1401 : vector<16xf32>
        %mul3A_1403 = arith.mulf %max3A_1398, %max3A_1402 : vector<16xf32>
        %add3A_1404 = vector.broadcast %add3A_390 : f32 to vector<16xf32>
        %add3A_1405 = arith.addf %add3A_1404, %get3A_1304 : vector<16xf32>
        %sub3A_1406 = arith.subf %add3A_1405, %mul3A_1403 : vector<16xf32>
        %div3A_1407 = arith.divf %mul3A_1403, %sub3A_1406 : vector<16xf32>
        %mul3A_1408 = arith.mulf %div3A_1407, %div3A_1407 : vector<16xf32>
        %gt3A_1409 = vector.broadcast %squeeze3A_398 : f32 to vector<16xf32>
        %gt3A_1410 = arith.cmpf ogt, %get3A_1307, %gt3A_1409 : vector<16xf32>
        %jit3A_1411 = arith.constant 0.000000e+00 : f32
        %broadcast_in_dim3A_1412 = vector.broadcast %jit3A_1411 : f32 to vector<16xf32>
        %select_n3A_1413 = arith.select %gt3A_1410, %mul3A_1408, %broadcast_in_dim3A_1412 : vector<16xi1>, vector<16xf32>
        %add3A_1414 = arith.addf %scan3A_1287, %select_n3A_1413 : vector<16xf32>
        scf.yield %add3A_1330, %add3A_1358, %add3A_1386, %add3A_1414 : vector<16xf32>, vector<16xf32>, vector<16xf32>, vector<16xf32>
      }
      %scan3A_412 = arith.constant 320 : i32
      %xor3A_413 = arith.constant 8 : i32
      %xor3A_414 = vector.broadcast %xor3A_413 : i32 to vector<16xi32>
      %xor3A_415 = arith.xori %iota3A, %xor3A_414 : vector<16xi32>
      %lt3A_416 = arith.constant 0 : i32
      %lt3A_417 = vector.broadcast %lt3A_416 : i32 to vector<16xi32>
      %lt3A_418 = arith.cmpi slt, %xor3A_415, %lt3A_417 : vector<16xi32>
      %add3A_419 = arith.constant 16 : i32
      %add3A_420 = vector.broadcast %add3A_419 : i32 to vector<16xi32>
      %add3A_421 = arith.addi %xor3A_415, %add3A_420 : vector<16xi32>
      %select_n3A_422 = arith.select %lt3A_418, %add3A_421, %xor3A_415 : vector<16xi1>, vector<16xi32>
      %broadcast_in_dim3A_423 = vector.shape_cast %select_n3A_422 : vector<16xi32> to vector<16x1xi32>
      %gather3A_424 = vector.shape_cast %broadcast_in_dim3A_423 : vector<16x1xi32> to vector<16xi32>
      %gather3A_425 = tpu.dynamic_gather %scan3A_411#0[%gather3A_424] in [0] : vector<16xf32>, vector<16xi32> -> vector<16xf32>
      %add3A_426 = arith.addf %scan3A_411#0, %gather3A_425 : vector<16xf32>
      %xor3A_427 = arith.constant 4 : i32
      %xor3A_428 = vector.broadcast %xor3A_427 : i32 to vector<16xi32>
      %xor3A_429 = arith.xori %iota3A, %xor3A_428 : vector<16xi32>
      %lt3A_430 = arith.constant 0 : i32
      %lt3A_431 = vector.broadcast %lt3A_430 : i32 to vector<16xi32>
      %lt3A_432 = arith.cmpi slt, %xor3A_429, %lt3A_431 : vector<16xi32>
      %add3A_433 = arith.constant 16 : i32
      %add3A_434 = vector.broadcast %add3A_433 : i32 to vector<16xi32>
      %add3A_435 = arith.addi %xor3A_429, %add3A_434 : vector<16xi32>
      %select_n3A_436 = arith.select %lt3A_432, %add3A_435, %xor3A_429 : vector<16xi1>, vector<16xi32>
      %broadcast_in_dim3A_437 = vector.shape_cast %select_n3A_436 : vector<16xi32> to vector<16x1xi32>
      %gather3A_438 = vector.shape_cast %broadcast_in_dim3A_437 : vector<16x1xi32> to vector<16xi32>
      %gather3A_439 = tpu.dynamic_gather %add3A_426[%gather3A_438] in [0] : vector<16xf32>, vector<16xi32> -> vector<16xf32>
      %add3A_440 = arith.addf %add3A_426, %gather3A_439 : vector<16xf32>
      %xor3A_441 = arith.constant 2 : i32
      %xor3A_442 = vector.broadcast %xor3A_441 : i32 to vector<16xi32>
      %xor3A_443 = arith.xori %iota3A, %xor3A_442 : vector<16xi32>
      %lt3A_444 = arith.constant 0 : i32
      %lt3A_445 = vector.broadcast %lt3A_444 : i32 to vector<16xi32>
      %lt3A_446 = arith.cmpi slt, %xor3A_443, %lt3A_445 : vector<16xi32>
      %add3A_447 = arith.constant 16 : i32
      %add3A_448 = vector.broadcast %add3A_447 : i32 to vector<16xi32>
      %add3A_449 = arith.addi %xor3A_443, %add3A_448 : vector<16xi32>
      %select_n3A_450 = arith.select %lt3A_446, %add3A_449, %xor3A_443 : vector<16xi1>, vector<16xi32>
      %broadcast_in_dim3A_451 = vector.shape_cast %select_n3A_450 : vector<16xi32> to vector<16x1xi32>
      %gather3A_452 = vector.shape_cast %broadcast_in_dim3A_451 : vector<16x1xi32> to vector<16xi32>
      %gather3A_453 = tpu.dynamic_gather %add3A_440[%gather3A_452] in [0] : vector<16xf32>, vector<16xi32> -> vector<16xf32>
      %add3A_454 = arith.addf %add3A_440, %gather3A_453 : vector<16xf32>
      %xor3A_455 = arith.constant 1 : i32
      %xor3A_456 = vector.broadcast %xor3A_455 : i32 to vector<16xi32>
      %xor3A_457 = arith.xori %iota3A, %xor3A_456 : vector<16xi32>
      %lt3A_458 = arith.constant 0 : i32
      %lt3A_459 = vector.broadcast %lt3A_458 : i32 to vector<16xi32>
      %lt3A_460 = arith.cmpi slt, %xor3A_457, %lt3A_459 : vector<16xi32>
      %add3A_461 = arith.constant 16 : i32
      %add3A_462 = vector.broadcast %add3A_461 : i32 to vector<16xi32>
      %add3A_463 = arith.addi %xor3A_457, %add3A_462 : vector<16xi32>
      %select_n3A_464 = arith.select %lt3A_460, %add3A_463, %xor3A_457 : vector<16xi1>, vector<16xi32>
      %broadcast_in_dim3A_465 = vector.shape_cast %select_n3A_464 : vector<16xi32> to vector<16x1xi32>
      %gather3A_466 = vector.shape_cast %broadcast_in_dim3A_465 : vector<16x1xi32> to vector<16xi32>
      %gather3A_467 = tpu.dynamic_gather %add3A_454[%gather3A_466] in [0] : vector<16xf32>, vector<16xi32> -> vector<16xf32>
      %add3A_468 = arith.addf %add3A_454, %gather3A_467 : vector<16xf32>
      %eq3A_469 = arith.constant 4 : i32
      %eq3A_470 = vector.broadcast %eq3A_469 : i32 to vector<16xi32>
      %eq3A_471 = arith.cmpi eq, %iota3A, %eq3A_470 : vector<16xi32>
      %select_n3A_472 = arith.select %eq3A_471, %add3A_468, %select_n3A_342 : vector<16xi1>, vector<16xf32>
      %xor3A_473 = arith.constant 8 : i32
      %xor3A_474 = vector.broadcast %xor3A_473 : i32 to vector<16xi32>
      %xor3A_475 = arith.xori %iota3A, %xor3A_474 : vector<16xi32>
      %lt3A_476 = arith.constant 0 : i32
      %lt3A_477 = vector.broadcast %lt3A_476 : i32 to vector<16xi32>
      %lt3A_478 = arith.cmpi slt, %xor3A_475, %lt3A_477 : vector<16xi32>
      %add3A_479 = arith.constant 16 : i32
      %add3A_480 = vector.broadcast %add3A_479 : i32 to vector<16xi32>
      %add3A_481 = arith.addi %xor3A_475, %add3A_480 : vector<16xi32>
      %select_n3A_482 = arith.select %lt3A_478, %add3A_481, %xor3A_475 : vector<16xi1>, vector<16xi32>
      %broadcast_in_dim3A_483 = vector.shape_cast %select_n3A_482 : vector<16xi32> to vector<16x1xi32>
      %gather3A_484 = vector.shape_cast %broadcast_in_dim3A_483 : vector<16x1xi32> to vector<16xi32>
      %gather3A_485 = tpu.dynamic_gather %scan3A_411#1[%gather3A_484] in [0] : vector<16xf32>, vector<16xi32> -> vector<16xf32>
      %add3A_486 = arith.addf %scan3A_411#1, %gather3A_485 : vector<16xf32>
      %xor3A_487 = arith.constant 4 : i32
      %xor3A_488 = vector.broadcast %xor3A_487 : i32 to vector<16xi32>
      %xor3A_489 = arith.xori %iota3A, %xor3A_488 : vector<16xi32>
      %lt3A_490 = arith.constant 0 : i32
      %lt3A_491 = vector.broadcast %lt3A_490 : i32 to vector<16xi32>
      %lt3A_492 = arith.cmpi slt, %xor3A_489, %lt3A_491 : vector<16xi32>
      %add3A_493 = arith.constant 16 : i32
      %add3A_494 = vector.broadcast %add3A_493 : i32 to vector<16xi32>
      %add3A_495 = arith.addi %xor3A_489, %add3A_494 : vector<16xi32>
      %select_n3A_496 = arith.select %lt3A_492, %add3A_495, %xor3A_489 : vector<16xi1>, vector<16xi32>
      %broadcast_in_dim3A_497 = vector.shape_cast %select_n3A_496 : vector<16xi32> to vector<16x1xi32>
      %gather3A_498 = vector.shape_cast %broadcast_in_dim3A_497 : vector<16x1xi32> to vector<16xi32>
      %gather3A_499 = tpu.dynamic_gather %add3A_486[%gather3A_498] in [0] : vector<16xf32>, vector<16xi32> -> vector<16xf32>
      %add3A_500 = arith.addf %add3A_486, %gather3A_499 : vector<16xf32>
      %xor3A_501 = arith.constant 2 : i32
      %xor3A_502 = vector.broadcast %xor3A_501 : i32 to vector<16xi32>
      %xor3A_503 = arith.xori %iota3A, %xor3A_502 : vector<16xi32>
      %lt3A_504 = arith.constant 0 : i32
      %lt3A_505 = vector.broadcast %lt3A_504 : i32 to vector<16xi32>
      %lt3A_506 = arith.cmpi slt, %xor3A_503, %lt3A_505 : vector<16xi32>
      %add3A_507 = arith.constant 16 : i32
      %add3A_508 = vector.broadcast %add3A_507 : i32 to vector<16xi32>
      %add3A_509 = arith.addi %xor3A_503, %add3A_508 : vector<16xi32>
      %select_n3A_510 = arith.select %lt3A_506, %add3A_509, %xor3A_503 : vector<16xi1>, vector<16xi32>
      %broadcast_in_dim3A_511 = vector.shape_cast %select_n3A_510 : vector<16xi32> to vector<16x1xi32>
      %gather3A_512 = vector.shape_cast %broadcast_in_dim3A_511 : vector<16x1xi32> to vector<16xi32>
      %gather3A_513 = tpu.dynamic_gather %add3A_500[%gather3A_512] in [0] : vector<16xf32>, vector<16xi32> -> vector<16xf32>
      %add3A_514 = arith.addf %add3A_500, %gather3A_513 : vector<16xf32>
      %xor3A_515 = arith.constant 1 : i32
      %xor3A_516 = vector.broadcast %xor3A_515 : i32 to vector<16xi32>
      %xor3A_517 = arith.xori %iota3A, %xor3A_516 : vector<16xi32>
      %lt3A_518 = arith.constant 0 : i32
      %lt3A_519 = vector.broadcast %lt3A_518 : i32 to vector<16xi32>
      %lt3A_520 = arith.cmpi slt, %xor3A_517, %lt3A_519 : vector<16xi32>
      %add3A_521 = arith.constant 16 : i32
      %add3A_522 = vector.broadcast %add3A_521 : i32 to vector<16xi32>
      %add3A_523 = arith.addi %xor3A_517, %add3A_522 : vector<16xi32>
      %select_n3A_524 = arith.select %lt3A_520, %add3A_523, %xor3A_517 : vector<16xi1>, vector<16xi32>
      %broadcast_in_dim3A_525 = vector.shape_cast %select_n3A_524 : vector<16xi32> to vector<16x1xi32>
      %gather3A_526 = vector.shape_cast %broadcast_in_dim3A_525 : vector<16x1xi32> to vector<16xi32>
      %gather3A_527 = tpu.dynamic_gather %add3A_514[%gather3A_526] in [0] : vector<16xf32>, vector<16xi32> -> vector<16xf32>
      %add3A_528 = arith.addf %add3A_514, %gather3A_527 : vector<16xf32>
      %eq3A_529 = arith.constant 5 : i32
      %eq3A_530 = vector.broadcast %eq3A_529 : i32 to vector<16xi32>
      %eq3A_531 = arith.cmpi eq, %iota3A, %eq3A_530 : vector<16xi32>
      %select_n3A_532 = arith.select %eq3A_531, %add3A_528, %select_n3A_472 : vector<16xi1>, vector<16xf32>
      %xor3A_533 = arith.constant 8 : i32
      %xor3A_534 = vector.broadcast %xor3A_533 : i32 to vector<16xi32>
      %xor3A_535 = arith.xori %iota3A, %xor3A_534 : vector<16xi32>
      %lt3A_536 = arith.constant 0 : i32
      %lt3A_537 = vector.broadcast %lt3A_536 : i32 to vector<16xi32>
      %lt3A_538 = arith.cmpi slt, %xor3A_535, %lt3A_537 : vector<16xi32>
      %add3A_539 = arith.constant 16 : i32
      %add3A_540 = vector.broadcast %add3A_539 : i32 to vector<16xi32>
      %add3A_541 = arith.addi %xor3A_535, %add3A_540 : vector<16xi32>
      %select_n3A_542 = arith.select %lt3A_538, %add3A_541, %xor3A_535 : vector<16xi1>, vector<16xi32>
      %broadcast_in_dim3A_543 = vector.shape_cast %select_n3A_542 : vector<16xi32> to vector<16x1xi32>
      %gather3A_544 = vector.shape_cast %broadcast_in_dim3A_543 : vector<16x1xi32> to vector<16xi32>
      %gather3A_545 = tpu.dynamic_gather %scan3A_411#2[%gather3A_544] in [0] : vector<16xf32>, vector<16xi32> -> vector<16xf32>
      %add3A_546 = arith.addf %scan3A_411#2, %gather3A_545 : vector<16xf32>
      %xor3A_547 = arith.constant 4 : i32
      %xor3A_548 = vector.broadcast %xor3A_547 : i32 to vector<16xi32>
      %xor3A_549 = arith.xori %iota3A, %xor3A_548 : vector<16xi32>
      %lt3A_550 = arith.constant 0 : i32
      %lt3A_551 = vector.broadcast %lt3A_550 : i32 to vector<16xi32>
      %lt3A_552 = arith.cmpi slt, %xor3A_549, %lt3A_551 : vector<16xi32>
      %add3A_553 = arith.constant 16 : i32
      %add3A_554 = vector.broadcast %add3A_553 : i32 to vector<16xi32>
      %add3A_555 = arith.addi %xor3A_549, %add3A_554 : vector<16xi32>
      %select_n3A_556 = arith.select %lt3A_552, %add3A_555, %xor3A_549 : vector<16xi1>, vector<16xi32>
      %broadcast_in_dim3A_557 = vector.shape_cast %select_n3A_556 : vector<16xi32> to vector<16x1xi32>
      %gather3A_558 = vector.shape_cast %broadcast_in_dim3A_557 : vector<16x1xi32> to vector<16xi32>
      %gather3A_559 = tpu.dynamic_gather %add3A_546[%gather3A_558] in [0] : vector<16xf32>, vector<16xi32> -> vector<16xf32>
      %add3A_560 = arith.addf %add3A_546, %gather3A_559 : vector<16xf32>
      %xor3A_561 = arith.constant 2 : i32
      %xor3A_562 = vector.broadcast %xor3A_561 : i32 to vector<16xi32>
      %xor3A_563 = arith.xori %iota3A, %xor3A_562 : vector<16xi32>
      %lt3A_564 = arith.constant 0 : i32
      %lt3A_565 = vector.broadcast %lt3A_564 : i32 to vector<16xi32>
      %lt3A_566 = arith.cmpi slt, %xor3A_563, %lt3A_565 : vector<16xi32>
      %add3A_567 = arith.constant 16 : i32
      %add3A_568 = vector.broadcast %add3A_567 : i32 to vector<16xi32>
      %add3A_569 = arith.addi %xor3A_563, %add3A_568 : vector<16xi32>
      %select_n3A_570 = arith.select %lt3A_566, %add3A_569, %xor3A_563 : vector<16xi1>, vector<16xi32>
      %broadcast_in_dim3A_571 = vector.shape_cast %select_n3A_570 : vector<16xi32> to vector<16x1xi32>
      %gather3A_572 = vector.shape_cast %broadcast_in_dim3A_571 : vector<16x1xi32> to vector<16xi32>
      %gather3A_573 = tpu.dynamic_gather %add3A_560[%gather3A_572] in [0] : vector<16xf32>, vector<16xi32> -> vector<16xf32>
      %add3A_574 = arith.addf %add3A_560, %gather3A_573 : vector<16xf32>
      %xor3A_575 = arith.constant 1 : i32
      %xor3A_576 = vector.broadcast %xor3A_575 : i32 to vector<16xi32>
      %xor3A_577 = arith.xori %iota3A, %xor3A_576 : vector<16xi32>
      %lt3A_578 = arith.constant 0 : i32
      %lt3A_579 = vector.broadcast %lt3A_578 : i32 to vector<16xi32>
      %lt3A_580 = arith.cmpi slt, %xor3A_577, %lt3A_579 : vector<16xi32>
      %add3A_581 = arith.constant 16 : i32
      %add3A_582 = vector.broadcast %add3A_581 : i32 to vector<16xi32>
      %add3A_583 = arith.addi %xor3A_577, %add3A_582 : vector<16xi32>
      %select_n3A_584 = arith.select %lt3A_580, %add3A_583, %xor3A_577 : vector<16xi1>, vector<16xi32>
      %broadcast_in_dim3A_585 = vector.shape_cast %select_n3A_584 : vector<16xi32> to vector<16x1xi32>
      %gather3A_586 = vector.shape_cast %broadcast_in_dim3A_585 : vector<16x1xi32> to vector<16xi32>
      %gather3A_587 = tpu.dynamic_gather %add3A_574[%gather3A_586] in [0] : vector<16xf32>, vector<16xi32> -> vector<16xf32>
      %add3A_588 = arith.addf %add3A_574, %gather3A_587 : vector<16xf32>
      %eq3A_589 = arith.constant 6 : i32
      %eq3A_590 = vector.broadcast %eq3A_589 : i32 to vector<16xi32>
      %eq3A_591 = arith.cmpi eq, %iota3A, %eq3A_590 : vector<16xi32>
      %select_n3A_592 = arith.select %eq3A_591, %add3A_588, %select_n3A_532 : vector<16xi1>, vector<16xf32>
      %xor3A_593 = arith.constant 8 : i32
      %xor3A_594 = vector.broadcast %xor3A_593 : i32 to vector<16xi32>
      %xor3A_595 = arith.xori %iota3A, %xor3A_594 : vector<16xi32>
      %lt3A_596 = arith.constant 0 : i32
      %lt3A_597 = vector.broadcast %lt3A_596 : i32 to vector<16xi32>
      %lt3A_598 = arith.cmpi slt, %xor3A_595, %lt3A_597 : vector<16xi32>
      %add3A_599 = arith.constant 16 : i32
      %add3A_600 = vector.broadcast %add3A_599 : i32 to vector<16xi32>
      %add3A_601 = arith.addi %xor3A_595, %add3A_600 : vector<16xi32>
      %select_n3A_602 = arith.select %lt3A_598, %add3A_601, %xor3A_595 : vector<16xi1>, vector<16xi32>
      %broadcast_in_dim3A_603 = vector.shape_cast %select_n3A_602 : vector<16xi32> to vector<16x1xi32>
      %gather3A_604 = vector.shape_cast %broadcast_in_dim3A_603 : vector<16x1xi32> to vector<16xi32>
      %gather3A_605 = tpu.dynamic_gather %scan3A_411#3[%gather3A_604] in [0] : vector<16xf32>, vector<16xi32> -> vector<16xf32>
      %add3A_606 = arith.addf %scan3A_411#3, %gather3A_605 : vector<16xf32>
      %xor3A_607 = arith.constant 4 : i32
      %xor3A_608 = vector.broadcast %xor3A_607 : i32 to vector<16xi32>
      %xor3A_609 = arith.xori %iota3A, %xor3A_608 : vector<16xi32>
      %lt3A_610 = arith.constant 0 : i32
      %lt3A_611 = vector.broadcast %lt3A_610 : i32 to vector<16xi32>
      %lt3A_612 = arith.cmpi slt, %xor3A_609, %lt3A_611 : vector<16xi32>
      %add3A_613 = arith.constant 16 : i32
      %add3A_614 = vector.broadcast %add3A_613 : i32 to vector<16xi32>
      %add3A_615 = arith.addi %xor3A_609, %add3A_614 : vector<16xi32>
      %select_n3A_616 = arith.select %lt3A_612, %add3A_615, %xor3A_609 : vector<16xi1>, vector<16xi32>
      %broadcast_in_dim3A_617 = vector.shape_cast %select_n3A_616 : vector<16xi32> to vector<16x1xi32>
      %gather3A_618 = vector.shape_cast %broadcast_in_dim3A_617 : vector<16x1xi32> to vector<16xi32>
      %gather3A_619 = tpu.dynamic_gather %add3A_606[%gather3A_618] in [0] : vector<16xf32>, vector<16xi32> -> vector<16xf32>
      %add3A_620 = arith.addf %add3A_606, %gather3A_619 : vector<16xf32>
      %xor3A_621 = arith.constant 2 : i32
      %xor3A_622 = vector.broadcast %xor3A_621 : i32 to vector<16xi32>
      %xor3A_623 = arith.xori %iota3A, %xor3A_622 : vector<16xi32>
      %lt3A_624 = arith.constant 0 : i32
      %lt3A_625 = vector.broadcast %lt3A_624 : i32 to vector<16xi32>
      %lt3A_626 = arith.cmpi slt, %xor3A_623, %lt3A_625 : vector<16xi32>
      %add3A_627 = arith.constant 16 : i32
      %add3A_628 = vector.broadcast %add3A_627 : i32 to vector<16xi32>
      %add3A_629 = arith.addi %xor3A_623, %add3A_628 : vector<16xi32>
      %select_n3A_630 = arith.select %lt3A_626, %add3A_629, %xor3A_623 : vector<16xi1>, vector<16xi32>
      %broadcast_in_dim3A_631 = vector.shape_cast %select_n3A_630 : vector<16xi32> to vector<16x1xi32>
      %gather3A_632 = vector.shape_cast %broadcast_in_dim3A_631 : vector<16x1xi32> to vector<16xi32>
      %gather3A_633 = tpu.dynamic_gather %add3A_620[%gather3A_632] in [0] : vector<16xf32>, vector<16xi32> -> vector<16xf32>
      %add3A_634 = arith.addf %add3A_620, %gather3A_633 : vector<16xf32>
      %xor3A_635 = arith.constant 1 : i32
      %xor3A_636 = vector.broadcast %xor3A_635 : i32 to vector<16xi32>
      %xor3A_637 = arith.xori %iota3A, %xor3A_636 : vector<16xi32>
      %lt3A_638 = arith.constant 0 : i32
      %lt3A_639 = vector.broadcast %lt3A_638 : i32 to vector<16xi32>
      %lt3A_640 = arith.cmpi slt, %xor3A_637, %lt3A_639 : vector<16xi32>
      %add3A_641 = arith.constant 16 : i32
      %add3A_642 = vector.broadcast %add3A_641 : i32 to vector<16xi32>
      %add3A_643 = arith.addi %xor3A_637, %add3A_642 : vector<16xi32>
      %select_n3A_644 = arith.select %lt3A_640, %add3A_643, %xor3A_637 : vector<16xi1>, vector<16xi32>
      %broadcast_in_dim3A_645 = vector.shape_cast %select_n3A_644 : vector<16xi32> to vector<16x1xi32>
      %gather3A_646 = vector.shape_cast %broadcast_in_dim3A_645 : vector<16x1xi32> to vector<16xi32>
      %gather3A_647 = tpu.dynamic_gather %add3A_634[%gather3A_646] in [0] : vector<16xf32>, vector<16xi32> -> vector<16xf32>
      %add3A_648 = arith.addf %add3A_634, %gather3A_647 : vector<16xf32>
      %eq3A_649 = arith.constant 7 : i32
      %eq3A_650 = vector.broadcast %eq3A_649 : i32 to vector<16xi32>
      %eq3A_651 = arith.cmpi eq, %iota3A, %eq3A_650 : vector<16xi32>
      %select_n3A_652 = arith.select %eq3A_651, %add3A_648, %select_n3A_592 : vector<16xi1>, vector<16xf32>
      %slice3A_653 = vector.extract_strided_slice %get3A_23 {offsets = [8], sizes = [1], strides = [1]} : vector<16xf32> to vector<1xf32>
      %squeeze3A_654 = vector.extract %slice3A_653[0] : f32 from vector<1xf32>
      %slice3A_655 = vector.extract_strided_slice %get3A_23 {offsets = [9], sizes = [1], strides = [1]} : vector<16xf32> to vector<1xf32>
      %squeeze3A_656 = vector.extract %slice3A_655[0] : f32 from vector<1xf32>
      %slice3A_657 = vector.extract_strided_slice %get3A_23 {offsets = [10], sizes = [1], strides = [1]} : vector<16xf32> to vector<1xf32>
      %squeeze3A_658 = vector.extract %slice3A_657[0] : f32 from vector<1xf32>
      %slice3A_659 = vector.extract_strided_slice %get3A_23 {offsets = [11], sizes = [1], strides = [1]} : vector<16xf32> to vector<1xf32>
      %squeeze3A_660 = vector.extract %slice3A_659[0] : f32 from vector<1xf32>
      %slice3A_661 = vector.extract_strided_slice %get3A_26 {offsets = [8], sizes = [1], strides = [1]} : vector<16xf32> to vector<1xf32>
      %squeeze3A_662 = vector.extract %slice3A_661[0] : f32 from vector<1xf32>
      %slice3A_663 = vector.extract_strided_slice %get3A_26 {offsets = [9], sizes = [1], strides = [1]} : vector<16xf32> to vector<1xf32>
      %squeeze3A_664 = vector.extract %slice3A_663[0] : f32 from vector<1xf32>
      %slice3A_665 = vector.extract_strided_slice %get3A_26 {offsets = [10], sizes = [1], strides = [1]} : vector<16xf32> to vector<1xf32>
      %squeeze3A_666 = vector.extract %slice3A_665[0] : f32 from vector<1xf32>
      %slice3A_667 = vector.extract_strided_slice %get3A_26 {offsets = [11], sizes = [1], strides = [1]} : vector<16xf32> to vector<1xf32>
      %squeeze3A_668 = vector.extract %slice3A_667[0] : f32 from vector<1xf32>
      %slice3A_669 = vector.extract_strided_slice %get3A_29 {offsets = [8], sizes = [1], strides = [1]} : vector<16xf32> to vector<1xf32>
      %squeeze3A_670 = vector.extract %slice3A_669[0] : f32 from vector<1xf32>
      %slice3A_671 = vector.extract_strided_slice %get3A_29 {offsets = [9], sizes = [1], strides = [1]} : vector<16xf32> to vector<1xf32>
      %squeeze3A_672 = vector.extract %slice3A_671[0] : f32 from vector<1xf32>
      %slice3A_673 = vector.extract_strided_slice %get3A_29 {offsets = [10], sizes = [1], strides = [1]} : vector<16xf32> to vector<1xf32>
      %squeeze3A_674 = vector.extract %slice3A_673[0] : f32 from vector<1xf32>
      %slice3A_675 = vector.extract_strided_slice %get3A_29 {offsets = [11], sizes = [1], strides = [1]} : vector<16xf32> to vector<1xf32>
      %squeeze3A_676 = vector.extract %slice3A_675[0] : f32 from vector<1xf32>
      %slice3A_677 = vector.extract_strided_slice %get3A_32 {offsets = [8], sizes = [1], strides = [1]} : vector<16xf32> to vector<1xf32>
      %squeeze3A_678 = vector.extract %slice3A_677[0] : f32 from vector<1xf32>
      %slice3A_679 = vector.extract_strided_slice %get3A_32 {offsets = [9], sizes = [1], strides = [1]} : vector<16xf32> to vector<1xf32>
      %squeeze3A_680 = vector.extract %slice3A_679[0] : f32 from vector<1xf32>
      %slice3A_681 = vector.extract_strided_slice %get3A_32 {offsets = [10], sizes = [1], strides = [1]} : vector<16xf32> to vector<1xf32>
      %squeeze3A_682 = vector.extract %slice3A_681[0] : f32 from vector<1xf32>
      %slice3A_683 = vector.extract_strided_slice %get3A_32 {offsets = [11], sizes = [1], strides = [1]} : vector<16xf32> to vector<1xf32>
      %squeeze3A_684 = vector.extract %slice3A_683[0] : f32 from vector<1xf32>
      %slice3A_685 = vector.extract_strided_slice %get3A_35 {offsets = [8], sizes = [1], strides = [1]} : vector<16xf32> to vector<1xf32>
      %squeeze3A_686 = vector.extract %slice3A_685[0] : f32 from vector<1xf32>
      %add3A_687 = arith.constant 9.99999993E-9 : f32
      %add3A_688 = arith.addf %squeeze3A_686, %add3A_687 : f32
      %slice3A_689 = vector.extract_strided_slice %get3A_35 {offsets = [9], sizes = [1], strides = [1]} : vector<16xf32> to vector<1xf32>
      %squeeze3A_690 = vector.extract %slice3A_689[0] : f32 from vector<1xf32>
      %add3A_691 = arith.constant 9.99999993E-9 : f32
      %add3A_692 = arith.addf %squeeze3A_690, %add3A_691 : f32
      %slice3A_693 = vector.extract_strided_slice %get3A_35 {offsets = [10], sizes = [1], strides = [1]} : vector<16xf32> to vector<1xf32>
      %squeeze3A_694 = vector.extract %slice3A_693[0] : f32 from vector<1xf32>
      %add3A_695 = arith.constant 9.99999993E-9 : f32
      %add3A_696 = arith.addf %squeeze3A_694, %add3A_695 : f32
      %slice3A_697 = vector.extract_strided_slice %get3A_35 {offsets = [11], sizes = [1], strides = [1]} : vector<16xf32> to vector<1xf32>
      %squeeze3A_698 = vector.extract %slice3A_697[0] : f32 from vector<1xf32>
      %add3A_699 = arith.constant 9.99999993E-9 : f32
      %add3A_700 = arith.addf %squeeze3A_698, %add3A_699 : f32
      %slice3A_701 = vector.extract_strided_slice %get3A_38 {offsets = [8], sizes = [1], strides = [1]} : vector<16xf32> to vector<1xf32>
      %squeeze3A_702 = vector.extract %slice3A_701[0] : f32 from vector<1xf32>
      %slice3A_703 = vector.extract_strided_slice %get3A_38 {offsets = [9], sizes = [1], strides = [1]} : vector<16xf32> to vector<1xf32>
      %squeeze3A_704 = vector.extract %slice3A_703[0] : f32 from vector<1xf32>
      %slice3A_705 = vector.extract_strided_slice %get3A_38 {offsets = [10], sizes = [1], strides = [1]} : vector<16xf32> to vector<1xf32>
      %squeeze3A_706 = vector.extract %slice3A_705[0] : f32 from vector<1xf32>
      %slice3A_707 = vector.extract_strided_slice %get3A_38 {offsets = [11], sizes = [1], strides = [1]} : vector<16xf32> to vector<1xf32>
      %squeeze3A_708 = vector.extract %slice3A_707[0] : f32 from vector<1xf32>
      %broadcast_in_dim3A_709 = arith.constant 0.000000e+00 : f32
      %broadcast_in_dim3A_710 = vector.broadcast %broadcast_in_dim3A_709 : f32 to vector<16xf32>
      %broadcast_in_dim3A_711 = arith.constant 0.000000e+00 : f32
      %broadcast_in_dim3A_712 = vector.broadcast %broadcast_in_dim3A_711 : f32 to vector<16xf32>
      %broadcast_in_dim3A_713 = arith.constant 0.000000e+00 : f32
      %broadcast_in_dim3A_714 = vector.broadcast %broadcast_in_dim3A_713 : f32 to vector<16xf32>
      %broadcast_in_dim3A_715 = arith.constant 0.000000e+00 : f32
      %broadcast_in_dim3A_716 = vector.broadcast %broadcast_in_dim3A_715 : f32 to vector<16xf32>
      %scan3A_717 = arith.constant 0 : i32
      %scan3A_718 = arith.constant 320 : i32
      %scan3A_719 = arith.addi %scan3A_717, %scan3A_718 : i32
      %scan3A_720 = arith.constant 1 : i32
      %scan3A_721:4 = scf.for %scan3A_1283 = %scan3A_717 to %scan3A_719 step %scan3A_720 iter_args(%scan3A_1284 = %broadcast_in_dim3A_710, %scan3A_1285 = %broadcast_in_dim3A_712, %scan3A_1286 = %broadcast_in_dim3A_714, %scan3A_1287 = %broadcast_in_dim3A_716) -> (vector<16xf32>, vector<16xf32>, vector<16xf32>, vector<16xf32>)  : i32 {
        %mul3A_1288 = arith.constant 16 : i32
        %mul3A_1289 = arith.muli %scan3A_1283, %mul3A_1288 : i32
        %get3A_1290 = arith.index_cast %mul3A_1289 : i32 to index
        %get3A_1291 = tpu.vector_load %arg8[%get3A_1290] {strides = array<i32>} : memref<5120xf32, #tpu.memory_space<vmem>>, vector<16xf32>,
        %get3A_1292 = vector.shape_cast %get3A_1291 : vector<16xf32> to vector<16xf32>
        %get3A_1293 = arith.index_cast %mul3A_1289 : i32 to index
        %get3A_1294 = tpu.vector_load %arg9[%get3A_1293] {strides = array<i32>} : memref<5120xf32, #tpu.memory_space<vmem>>, vector<16xf32>,
        %get3A_1295 = vector.shape_cast %get3A_1294 : vector<16xf32> to vector<16xf32>
        %get3A_1296 = arith.index_cast %mul3A_1289 : i32 to index
        %get3A_1297 = tpu.vector_load %arg10[%get3A_1296] {strides = array<i32>} : memref<5120xf32, #tpu.memory_space<vmem>>, vector<16xf32>,
        %get3A_1298 = vector.shape_cast %get3A_1297 : vector<16xf32> to vector<16xf32>
        %get3A_1299 = arith.index_cast %mul3A_1289 : i32 to index
        %get3A_1300 = tpu.vector_load %arg11[%get3A_1299] {strides = array<i32>} : memref<5120xf32, #tpu.memory_space<vmem>>, vector<16xf32>,
        %get3A_1301 = vector.shape_cast %get3A_1300 : vector<16xf32> to vector<16xf32>
        %get3A_1302 = arith.index_cast %mul3A_1289 : i32 to index
        %get3A_1303 = tpu.vector_load %arg13[%get3A_1302] {strides = array<i32>} : memref<5120xf32, #tpu.memory_space<vmem>>, vector<16xf32>,
        %get3A_1304 = vector.shape_cast %get3A_1303 : vector<16xf32> to vector<16xf32>
        %get3A_1305 = arith.index_cast %mul3A_1289 : i32 to index
        %get3A_1306 = tpu.vector_load %arg12[%get3A_1305] {strides = array<i32>} : memref<5120xf32, #tpu.memory_space<vmem>>, vector<16xf32>,
        %get3A_1307 = vector.shape_cast %get3A_1306 : vector<16xf32> to vector<16xf32>
        %max3A = vector.broadcast %squeeze3A_654 : f32 to vector<16xf32>
        %max3A_1308 = arith.maximumf %get3A_1292, %max3A : vector<16xf32>
        %max3A_1309 = vector.broadcast %squeeze3A_662 : f32 to vector<16xf32>
        %max3A_1310 = arith.maximumf %get3A_1295, %max3A_1309 : vector<16xf32>
        %min3A = vector.broadcast %squeeze3A_670 : f32 to vector<16xf32>
        %min3A_1311 = arith.minimumf %get3A_1298, %min3A : vector<16xf32>
        %min3A_1312 = vector.broadcast %squeeze3A_678 : f32 to vector<16xf32>
        %min3A_1313 = arith.minimumf %get3A_1301, %min3A_1312 : vector<16xf32>
        %sub3A = arith.subf %min3A_1311, %max3A_1308 : vector<16xf32>
        %max3A_1314 = arith.constant 0.000000e+00 : f32
        %max3A_1315 = vector.broadcast %max3A_1314 : f32 to vector<16xf32>
        %max3A_1316 = arith.maximumf %sub3A, %max3A_1315 : vector<16xf32>
        %sub3A_1317 = arith.subf %min3A_1313, %max3A_1310 : vector<16xf32>
        %max3A_1318 = arith.constant 0.000000e+00 : f32
        %max3A_1319 = vector.broadcast %max3A_1318 : f32 to vector<16xf32>
        %max3A_1320 = arith.maximumf %sub3A_1317, %max3A_1319 : vector<16xf32>
        %mul3A_1321 = arith.mulf %max3A_1316, %max3A_1320 : vector<16xf32>
        %add3A_1322 = vector.broadcast %add3A_688 : f32 to vector<16xf32>
        %add3A_1323 = arith.addf %add3A_1322, %get3A_1304 : vector<16xf32>
        %sub3A_1324 = arith.subf %add3A_1323, %mul3A_1321 : vector<16xf32>
        %div3A_1325 = arith.divf %mul3A_1321, %sub3A_1324 : vector<16xf32>
        %mul3A_1326 = arith.mulf %div3A_1325, %div3A_1325 : vector<16xf32>
        %gt3A = vector.broadcast %squeeze3A_702 : f32 to vector<16xf32>
        %gt3A_1327 = arith.cmpf ogt, %get3A_1307, %gt3A : vector<16xf32>
        %jit3A = arith.constant 0.000000e+00 : f32
        %broadcast_in_dim3A_1328 = vector.broadcast %jit3A : f32 to vector<16xf32>
        %select_n3A_1329 = arith.select %gt3A_1327, %mul3A_1326, %broadcast_in_dim3A_1328 : vector<16xi1>, vector<16xf32>
        %add3A_1330 = arith.addf %scan3A_1284, %select_n3A_1329 : vector<16xf32>
        %max3A_1331 = vector.broadcast %squeeze3A_656 : f32 to vector<16xf32>
        %max3A_1332 = arith.maximumf %get3A_1292, %max3A_1331 : vector<16xf32>
        %max3A_1333 = vector.broadcast %squeeze3A_664 : f32 to vector<16xf32>
        %max3A_1334 = arith.maximumf %get3A_1295, %max3A_1333 : vector<16xf32>
        %min3A_1335 = vector.broadcast %squeeze3A_672 : f32 to vector<16xf32>
        %min3A_1336 = arith.minimumf %get3A_1298, %min3A_1335 : vector<16xf32>
        %min3A_1337 = vector.broadcast %squeeze3A_680 : f32 to vector<16xf32>
        %min3A_1338 = arith.minimumf %get3A_1301, %min3A_1337 : vector<16xf32>
        %sub3A_1339 = arith.subf %min3A_1336, %max3A_1332 : vector<16xf32>
        %max3A_1340 = arith.constant 0.000000e+00 : f32
        %max3A_1341 = vector.broadcast %max3A_1340 : f32 to vector<16xf32>
        %max3A_1342 = arith.maximumf %sub3A_1339, %max3A_1341 : vector<16xf32>
        %sub3A_1343 = arith.subf %min3A_1338, %max3A_1334 : vector<16xf32>
        %max3A_1344 = arith.constant 0.000000e+00 : f32
        %max3A_1345 = vector.broadcast %max3A_1344 : f32 to vector<16xf32>
        %max3A_1346 = arith.maximumf %sub3A_1343, %max3A_1345 : vector<16xf32>
        %mul3A_1347 = arith.mulf %max3A_1342, %max3A_1346 : vector<16xf32>
        %add3A_1348 = vector.broadcast %add3A_692 : f32 to vector<16xf32>
        %add3A_1349 = arith.addf %add3A_1348, %get3A_1304 : vector<16xf32>
        %sub3A_1350 = arith.subf %add3A_1349, %mul3A_1347 : vector<16xf32>
        %div3A_1351 = arith.divf %mul3A_1347, %sub3A_1350 : vector<16xf32>
        %mul3A_1352 = arith.mulf %div3A_1351, %div3A_1351 : vector<16xf32>
        %gt3A_1353 = vector.broadcast %squeeze3A_704 : f32 to vector<16xf32>
        %gt3A_1354 = arith.cmpf ogt, %get3A_1307, %gt3A_1353 : vector<16xf32>
        %jit3A_1355 = arith.constant 0.000000e+00 : f32
        %broadcast_in_dim3A_1356 = vector.broadcast %jit3A_1355 : f32 to vector<16xf32>
        %select_n3A_1357 = arith.select %gt3A_1354, %mul3A_1352, %broadcast_in_dim3A_1356 : vector<16xi1>, vector<16xf32>
        %add3A_1358 = arith.addf %scan3A_1285, %select_n3A_1357 : vector<16xf32>
        %max3A_1359 = vector.broadcast %squeeze3A_658 : f32 to vector<16xf32>
        %max3A_1360 = arith.maximumf %get3A_1292, %max3A_1359 : vector<16xf32>
        %max3A_1361 = vector.broadcast %squeeze3A_666 : f32 to vector<16xf32>
        %max3A_1362 = arith.maximumf %get3A_1295, %max3A_1361 : vector<16xf32>
        %min3A_1363 = vector.broadcast %squeeze3A_674 : f32 to vector<16xf32>
        %min3A_1364 = arith.minimumf %get3A_1298, %min3A_1363 : vector<16xf32>
        %min3A_1365 = vector.broadcast %squeeze3A_682 : f32 to vector<16xf32>
        %min3A_1366 = arith.minimumf %get3A_1301, %min3A_1365 : vector<16xf32>
        %sub3A_1367 = arith.subf %min3A_1364, %max3A_1360 : vector<16xf32>
        %max3A_1368 = arith.constant 0.000000e+00 : f32
        %max3A_1369 = vector.broadcast %max3A_1368 : f32 to vector<16xf32>
        %max3A_1370 = arith.maximumf %sub3A_1367, %max3A_1369 : vector<16xf32>
        %sub3A_1371 = arith.subf %min3A_1366, %max3A_1362 : vector<16xf32>
        %max3A_1372 = arith.constant 0.000000e+00 : f32
        %max3A_1373 = vector.broadcast %max3A_1372 : f32 to vector<16xf32>
        %max3A_1374 = arith.maximumf %sub3A_1371, %max3A_1373 : vector<16xf32>
        %mul3A_1375 = arith.mulf %max3A_1370, %max3A_1374 : vector<16xf32>
        %add3A_1376 = vector.broadcast %add3A_696 : f32 to vector<16xf32>
        %add3A_1377 = arith.addf %add3A_1376, %get3A_1304 : vector<16xf32>
        %sub3A_1378 = arith.subf %add3A_1377, %mul3A_1375 : vector<16xf32>
        %div3A_1379 = arith.divf %mul3A_1375, %sub3A_1378 : vector<16xf32>
        %mul3A_1380 = arith.mulf %div3A_1379, %div3A_1379 : vector<16xf32>
        %gt3A_1381 = vector.broadcast %squeeze3A_706 : f32 to vector<16xf32>
        %gt3A_1382 = arith.cmpf ogt, %get3A_1307, %gt3A_1381 : vector<16xf32>
        %jit3A_1383 = arith.constant 0.000000e+00 : f32
        %broadcast_in_dim3A_1384 = vector.broadcast %jit3A_1383 : f32 to vector<16xf32>
        %select_n3A_1385 = arith.select %gt3A_1382, %mul3A_1380, %broadcast_in_dim3A_1384 : vector<16xi1>, vector<16xf32>
        %add3A_1386 = arith.addf %scan3A_1286, %select_n3A_1385 : vector<16xf32>
        %max3A_1387 = vector.broadcast %squeeze3A_660 : f32 to vector<16xf32>
        %max3A_1388 = arith.maximumf %get3A_1292, %max3A_1387 : vector<16xf32>
        %max3A_1389 = vector.broadcast %squeeze3A_668 : f32 to vector<16xf32>
        %max3A_1390 = arith.maximumf %get3A_1295, %max3A_1389 : vector<16xf32>
        %min3A_1391 = vector.broadcast %squeeze3A_676 : f32 to vector<16xf32>
        %min3A_1392 = arith.minimumf %get3A_1298, %min3A_1391 : vector<16xf32>
        %min3A_1393 = vector.broadcast %squeeze3A_684 : f32 to vector<16xf32>
        %min3A_1394 = arith.minimumf %get3A_1301, %min3A_1393 : vector<16xf32>
        %sub3A_1395 = arith.subf %min3A_1392, %max3A_1388 : vector<16xf32>
        %max3A_1396 = arith.constant 0.000000e+00 : f32
        %max3A_1397 = vector.broadcast %max3A_1396 : f32 to vector<16xf32>
        %max3A_1398 = arith.maximumf %sub3A_1395, %max3A_1397 : vector<16xf32>
        %sub3A_1399 = arith.subf %min3A_1394, %max3A_1390 : vector<16xf32>
        %max3A_1400 = arith.constant 0.000000e+00 : f32
        %max3A_1401 = vector.broadcast %max3A_1400 : f32 to vector<16xf32>
        %max3A_1402 = arith.maximumf %sub3A_1399, %max3A_1401 : vector<16xf32>
        %mul3A_1403 = arith.mulf %max3A_1398, %max3A_1402 : vector<16xf32>
        %add3A_1404 = vector.broadcast %add3A_700 : f32 to vector<16xf32>
        %add3A_1405 = arith.addf %add3A_1404, %get3A_1304 : vector<16xf32>
        %sub3A_1406 = arith.subf %add3A_1405, %mul3A_1403 : vector<16xf32>
        %div3A_1407 = arith.divf %mul3A_1403, %sub3A_1406 : vector<16xf32>
        %mul3A_1408 = arith.mulf %div3A_1407, %div3A_1407 : vector<16xf32>
        %gt3A_1409 = vector.broadcast %squeeze3A_708 : f32 to vector<16xf32>
        %gt3A_1410 = arith.cmpf ogt, %get3A_1307, %gt3A_1409 : vector<16xf32>
        %jit3A_1411 = arith.constant 0.000000e+00 : f32
        %broadcast_in_dim3A_1412 = vector.broadcast %jit3A_1411 : f32 to vector<16xf32>
        %select_n3A_1413 = arith.select %gt3A_1410, %mul3A_1408, %broadcast_in_dim3A_1412 : vector<16xi1>, vector<16xf32>
        %add3A_1414 = arith.addf %scan3A_1287, %select_n3A_1413 : vector<16xf32>
        scf.yield %add3A_1330, %add3A_1358, %add3A_1386, %add3A_1414 : vector<16xf32>, vector<16xf32>, vector<16xf32>, vector<16xf32>
      }
      %scan3A_722 = arith.constant 320 : i32
      %xor3A_723 = arith.constant 8 : i32
      %xor3A_724 = vector.broadcast %xor3A_723 : i32 to vector<16xi32>
      %xor3A_725 = arith.xori %iota3A, %xor3A_724 : vector<16xi32>
      %lt3A_726 = arith.constant 0 : i32
      %lt3A_727 = vector.broadcast %lt3A_726 : i32 to vector<16xi32>
      %lt3A_728 = arith.cmpi slt, %xor3A_725, %lt3A_727 : vector<16xi32>
      %add3A_729 = arith.constant 16 : i32
      %add3A_730 = vector.broadcast %add3A_729 : i32 to vector<16xi32>
      %add3A_731 = arith.addi %xor3A_725, %add3A_730 : vector<16xi32>
      %select_n3A_732 = arith.select %lt3A_728, %add3A_731, %xor3A_725 : vector<16xi1>, vector<16xi32>
      %broadcast_in_dim3A_733 = vector.shape_cast %select_n3A_732 : vector<16xi32> to vector<16x1xi32>
      %gather3A_734 = vector.shape_cast %broadcast_in_dim3A_733 : vector<16x1xi32> to vector<16xi32>
      %gather3A_735 = tpu.dynamic_gather %scan3A_721#0[%gather3A_734] in [0] : vector<16xf32>, vector<16xi32> -> vector<16xf32>
      %add3A_736 = arith.addf %scan3A_721#0, %gather3A_735 : vector<16xf32>
      %xor3A_737 = arith.constant 4 : i32
      %xor3A_738 = vector.broadcast %xor3A_737 : i32 to vector<16xi32>
      %xor3A_739 = arith.xori %iota3A, %xor3A_738 : vector<16xi32>
      %lt3A_740 = arith.constant 0 : i32
      %lt3A_741 = vector.broadcast %lt3A_740 : i32 to vector<16xi32>
      %lt3A_742 = arith.cmpi slt, %xor3A_739, %lt3A_741 : vector<16xi32>
      %add3A_743 = arith.constant 16 : i32
      %add3A_744 = vector.broadcast %add3A_743 : i32 to vector<16xi32>
      %add3A_745 = arith.addi %xor3A_739, %add3A_744 : vector<16xi32>
      %select_n3A_746 = arith.select %lt3A_742, %add3A_745, %xor3A_739 : vector<16xi1>, vector<16xi32>
      %broadcast_in_dim3A_747 = vector.shape_cast %select_n3A_746 : vector<16xi32> to vector<16x1xi32>
      %gather3A_748 = vector.shape_cast %broadcast_in_dim3A_747 : vector<16x1xi32> to vector<16xi32>
      %gather3A_749 = tpu.dynamic_gather %add3A_736[%gather3A_748] in [0] : vector<16xf32>, vector<16xi32> -> vector<16xf32>
      %add3A_750 = arith.addf %add3A_736, %gather3A_749 : vector<16xf32>
      %xor3A_751 = arith.constant 2 : i32
      %xor3A_752 = vector.broadcast %xor3A_751 : i32 to vector<16xi32>
      %xor3A_753 = arith.xori %iota3A, %xor3A_752 : vector<16xi32>
      %lt3A_754 = arith.constant 0 : i32
      %lt3A_755 = vector.broadcast %lt3A_754 : i32 to vector<16xi32>
      %lt3A_756 = arith.cmpi slt, %xor3A_753, %lt3A_755 : vector<16xi32>
      %add3A_757 = arith.constant 16 : i32
      %add3A_758 = vector.broadcast %add3A_757 : i32 to vector<16xi32>
      %add3A_759 = arith.addi %xor3A_753, %add3A_758 : vector<16xi32>
      %select_n3A_760 = arith.select %lt3A_756, %add3A_759, %xor3A_753 : vector<16xi1>, vector<16xi32>
      %broadcast_in_dim3A_761 = vector.shape_cast %select_n3A_760 : vector<16xi32> to vector<16x1xi32>
      %gather3A_762 = vector.shape_cast %broadcast_in_dim3A_761 : vector<16x1xi32> to vector<16xi32>
      %gather3A_763 = tpu.dynamic_gather %add3A_750[%gather3A_762] in [0] : vector<16xf32>, vector<16xi32> -> vector<16xf32>
      %add3A_764 = arith.addf %add3A_750, %gather3A_763 : vector<16xf32>
      %xor3A_765 = arith.constant 1 : i32
      %xor3A_766 = vector.broadcast %xor3A_765 : i32 to vector<16xi32>
      %xor3A_767 = arith.xori %iota3A, %xor3A_766 : vector<16xi32>
      %lt3A_768 = arith.constant 0 : i32
      %lt3A_769 = vector.broadcast %lt3A_768 : i32 to vector<16xi32>
      %lt3A_770 = arith.cmpi slt, %xor3A_767, %lt3A_769 : vector<16xi32>
      %add3A_771 = arith.constant 16 : i32
      %add3A_772 = vector.broadcast %add3A_771 : i32 to vector<16xi32>
      %add3A_773 = arith.addi %xor3A_767, %add3A_772 : vector<16xi32>
      %select_n3A_774 = arith.select %lt3A_770, %add3A_773, %xor3A_767 : vector<16xi1>, vector<16xi32>
      %broadcast_in_dim3A_775 = vector.shape_cast %select_n3A_774 : vector<16xi32> to vector<16x1xi32>
      %gather3A_776 = vector.shape_cast %broadcast_in_dim3A_775 : vector<16x1xi32> to vector<16xi32>
      %gather3A_777 = tpu.dynamic_gather %add3A_764[%gather3A_776] in [0] : vector<16xf32>, vector<16xi32> -> vector<16xf32>
      %add3A_778 = arith.addf %add3A_764, %gather3A_777 : vector<16xf32>
      %eq3A_779 = arith.constant 8 : i32
      %eq3A_780 = vector.broadcast %eq3A_779 : i32 to vector<16xi32>
      %eq3A_781 = arith.cmpi eq, %iota3A, %eq3A_780 : vector<16xi32>
      %select_n3A_782 = arith.select %eq3A_781, %add3A_778, %select_n3A_652 : vector<16xi1>, vector<16xf32>
      %xor3A_783 = arith.constant 8 : i32
      %xor3A_784 = vector.broadcast %xor3A_783 : i32 to vector<16xi32>
      %xor3A_785 = arith.xori %iota3A, %xor3A_784 : vector<16xi32>
      %lt3A_786 = arith.constant 0 : i32
      %lt3A_787 = vector.broadcast %lt3A_786 : i32 to vector<16xi32>
      %lt3A_788 = arith.cmpi slt, %xor3A_785, %lt3A_787 : vector<16xi32>
      %add3A_789 = arith.constant 16 : i32
      %add3A_790 = vector.broadcast %add3A_789 : i32 to vector<16xi32>
      %add3A_791 = arith.addi %xor3A_785, %add3A_790 : vector<16xi32>
      %select_n3A_792 = arith.select %lt3A_788, %add3A_791, %xor3A_785 : vector<16xi1>, vector<16xi32>
      %broadcast_in_dim3A_793 = vector.shape_cast %select_n3A_792 : vector<16xi32> to vector<16x1xi32>
      %gather3A_794 = vector.shape_cast %broadcast_in_dim3A_793 : vector<16x1xi32> to vector<16xi32>
      %gather3A_795 = tpu.dynamic_gather %scan3A_721#1[%gather3A_794] in [0] : vector<16xf32>, vector<16xi32> -> vector<16xf32>
      %add3A_796 = arith.addf %scan3A_721#1, %gather3A_795 : vector<16xf32>
      %xor3A_797 = arith.constant 4 : i32
      %xor3A_798 = vector.broadcast %xor3A_797 : i32 to vector<16xi32>
      %xor3A_799 = arith.xori %iota3A, %xor3A_798 : vector<16xi32>
      %lt3A_800 = arith.constant 0 : i32
      %lt3A_801 = vector.broadcast %lt3A_800 : i32 to vector<16xi32>
      %lt3A_802 = arith.cmpi slt, %xor3A_799, %lt3A_801 : vector<16xi32>
      %add3A_803 = arith.constant 16 : i32
      %add3A_804 = vector.broadcast %add3A_803 : i32 to vector<16xi32>
      %add3A_805 = arith.addi %xor3A_799, %add3A_804 : vector<16xi32>
      %select_n3A_806 = arith.select %lt3A_802, %add3A_805, %xor3A_799 : vector<16xi1>, vector<16xi32>
      %broadcast_in_dim3A_807 = vector.shape_cast %select_n3A_806 : vector<16xi32> to vector<16x1xi32>
      %gather3A_808 = vector.shape_cast %broadcast_in_dim3A_807 : vector<16x1xi32> to vector<16xi32>
      %gather3A_809 = tpu.dynamic_gather %add3A_796[%gather3A_808] in [0] : vector<16xf32>, vector<16xi32> -> vector<16xf32>
      %add3A_810 = arith.addf %add3A_796, %gather3A_809 : vector<16xf32>
      %xor3A_811 = arith.constant 2 : i32
      %xor3A_812 = vector.broadcast %xor3A_811 : i32 to vector<16xi32>
      %xor3A_813 = arith.xori %iota3A, %xor3A_812 : vector<16xi32>
      %lt3A_814 = arith.constant 0 : i32
      %lt3A_815 = vector.broadcast %lt3A_814 : i32 to vector<16xi32>
      %lt3A_816 = arith.cmpi slt, %xor3A_813, %lt3A_815 : vector<16xi32>
      %add3A_817 = arith.constant 16 : i32
      %add3A_818 = vector.broadcast %add3A_817 : i32 to vector<16xi32>
      %add3A_819 = arith.addi %xor3A_813, %add3A_818 : vector<16xi32>
      %select_n3A_820 = arith.select %lt3A_816, %add3A_819, %xor3A_813 : vector<16xi1>, vector<16xi32>
      %broadcast_in_dim3A_821 = vector.shape_cast %select_n3A_820 : vector<16xi32> to vector<16x1xi32>
      %gather3A_822 = vector.shape_cast %broadcast_in_dim3A_821 : vector<16x1xi32> to vector<16xi32>
      %gather3A_823 = tpu.dynamic_gather %add3A_810[%gather3A_822] in [0] : vector<16xf32>, vector<16xi32> -> vector<16xf32>
      %add3A_824 = arith.addf %add3A_810, %gather3A_823 : vector<16xf32>
      %xor3A_825 = arith.constant 1 : i32
      %xor3A_826 = vector.broadcast %xor3A_825 : i32 to vector<16xi32>
      %xor3A_827 = arith.xori %iota3A, %xor3A_826 : vector<16xi32>
      %lt3A_828 = arith.constant 0 : i32
      %lt3A_829 = vector.broadcast %lt3A_828 : i32 to vector<16xi32>
      %lt3A_830 = arith.cmpi slt, %xor3A_827, %lt3A_829 : vector<16xi32>
      %add3A_831 = arith.constant 16 : i32
      %add3A_832 = vector.broadcast %add3A_831 : i32 to vector<16xi32>
      %add3A_833 = arith.addi %xor3A_827, %add3A_832 : vector<16xi32>
      %select_n3A_834 = arith.select %lt3A_830, %add3A_833, %xor3A_827 : vector<16xi1>, vector<16xi32>
      %broadcast_in_dim3A_835 = vector.shape_cast %select_n3A_834 : vector<16xi32> to vector<16x1xi32>
      %gather3A_836 = vector.shape_cast %broadcast_in_dim3A_835 : vector<16x1xi32> to vector<16xi32>
      %gather3A_837 = tpu.dynamic_gather %add3A_824[%gather3A_836] in [0] : vector<16xf32>, vector<16xi32> -> vector<16xf32>
      %add3A_838 = arith.addf %add3A_824, %gather3A_837 : vector<16xf32>
      %eq3A_839 = arith.constant 9 : i32
      %eq3A_840 = vector.broadcast %eq3A_839 : i32 to vector<16xi32>
      %eq3A_841 = arith.cmpi eq, %iota3A, %eq3A_840 : vector<16xi32>
      %select_n3A_842 = arith.select %eq3A_841, %add3A_838, %select_n3A_782 : vector<16xi1>, vector<16xf32>
      %xor3A_843 = arith.constant 8 : i32
      %xor3A_844 = vector.broadcast %xor3A_843 : i32 to vector<16xi32>
      %xor3A_845 = arith.xori %iota3A, %xor3A_844 : vector<16xi32>
      %lt3A_846 = arith.constant 0 : i32
      %lt3A_847 = vector.broadcast %lt3A_846 : i32 to vector<16xi32>
      %lt3A_848 = arith.cmpi slt, %xor3A_845, %lt3A_847 : vector<16xi32>
      %add3A_849 = arith.constant 16 : i32
      %add3A_850 = vector.broadcast %add3A_849 : i32 to vector<16xi32>
      %add3A_851 = arith.addi %xor3A_845, %add3A_850 : vector<16xi32>
      %select_n3A_852 = arith.select %lt3A_848, %add3A_851, %xor3A_845 : vector<16xi1>, vector<16xi32>
      %broadcast_in_dim3A_853 = vector.shape_cast %select_n3A_852 : vector<16xi32> to vector<16x1xi32>
      %gather3A_854 = vector.shape_cast %broadcast_in_dim3A_853 : vector<16x1xi32> to vector<16xi32>
      %gather3A_855 = tpu.dynamic_gather %scan3A_721#2[%gather3A_854] in [0] : vector<16xf32>, vector<16xi32> -> vector<16xf32>
      %add3A_856 = arith.addf %scan3A_721#2, %gather3A_855 : vector<16xf32>
      %xor3A_857 = arith.constant 4 : i32
      %xor3A_858 = vector.broadcast %xor3A_857 : i32 to vector<16xi32>
      %xor3A_859 = arith.xori %iota3A, %xor3A_858 : vector<16xi32>
      %lt3A_860 = arith.constant 0 : i32
      %lt3A_861 = vector.broadcast %lt3A_860 : i32 to vector<16xi32>
      %lt3A_862 = arith.cmpi slt, %xor3A_859, %lt3A_861 : vector<16xi32>
      %add3A_863 = arith.constant 16 : i32
      %add3A_864 = vector.broadcast %add3A_863 : i32 to vector<16xi32>
      %add3A_865 = arith.addi %xor3A_859, %add3A_864 : vector<16xi32>
      %select_n3A_866 = arith.select %lt3A_862, %add3A_865, %xor3A_859 : vector<16xi1>, vector<16xi32>
      %broadcast_in_dim3A_867 = vector.shape_cast %select_n3A_866 : vector<16xi32> to vector<16x1xi32>
      %gather3A_868 = vector.shape_cast %broadcast_in_dim3A_867 : vector<16x1xi32> to vector<16xi32>
      %gather3A_869 = tpu.dynamic_gather %add3A_856[%gather3A_868] in [0] : vector<16xf32>, vector<16xi32> -> vector<16xf32>
      %add3A_870 = arith.addf %add3A_856, %gather3A_869 : vector<16xf32>
      %xor3A_871 = arith.constant 2 : i32
      %xor3A_872 = vector.broadcast %xor3A_871 : i32 to vector<16xi32>
      %xor3A_873 = arith.xori %iota3A, %xor3A_872 : vector<16xi32>
      %lt3A_874 = arith.constant 0 : i32
      %lt3A_875 = vector.broadcast %lt3A_874 : i32 to vector<16xi32>
      %lt3A_876 = arith.cmpi slt, %xor3A_873, %lt3A_875 : vector<16xi32>
      %add3A_877 = arith.constant 16 : i32
      %add3A_878 = vector.broadcast %add3A_877 : i32 to vector<16xi32>
      %add3A_879 = arith.addi %xor3A_873, %add3A_878 : vector<16xi32>
      %select_n3A_880 = arith.select %lt3A_876, %add3A_879, %xor3A_873 : vector<16xi1>, vector<16xi32>
      %broadcast_in_dim3A_881 = vector.shape_cast %select_n3A_880 : vector<16xi32> to vector<16x1xi32>
      %gather3A_882 = vector.shape_cast %broadcast_in_dim3A_881 : vector<16x1xi32> to vector<16xi32>
      %gather3A_883 = tpu.dynamic_gather %add3A_870[%gather3A_882] in [0] : vector<16xf32>, vector<16xi32> -> vector<16xf32>
      %add3A_884 = arith.addf %add3A_870, %gather3A_883 : vector<16xf32>
      %xor3A_885 = arith.constant 1 : i32
      %xor3A_886 = vector.broadcast %xor3A_885 : i32 to vector<16xi32>
      %xor3A_887 = arith.xori %iota3A, %xor3A_886 : vector<16xi32>
      %lt3A_888 = arith.constant 0 : i32
      %lt3A_889 = vector.broadcast %lt3A_888 : i32 to vector<16xi32>
      %lt3A_890 = arith.cmpi slt, %xor3A_887, %lt3A_889 : vector<16xi32>
      %add3A_891 = arith.constant 16 : i32
      %add3A_892 = vector.broadcast %add3A_891 : i32 to vector<16xi32>
      %add3A_893 = arith.addi %xor3A_887, %add3A_892 : vector<16xi32>
      %select_n3A_894 = arith.select %lt3A_890, %add3A_893, %xor3A_887 : vector<16xi1>, vector<16xi32>
      %broadcast_in_dim3A_895 = vector.shape_cast %select_n3A_894 : vector<16xi32> to vector<16x1xi32>
      %gather3A_896 = vector.shape_cast %broadcast_in_dim3A_895 : vector<16x1xi32> to vector<16xi32>
      %gather3A_897 = tpu.dynamic_gather %add3A_884[%gather3A_896] in [0] : vector<16xf32>, vector<16xi32> -> vector<16xf32>
      %add3A_898 = arith.addf %add3A_884, %gather3A_897 : vector<16xf32>
      %eq3A_899 = arith.constant 10 : i32
      %eq3A_900 = vector.broadcast %eq3A_899 : i32 to vector<16xi32>
      %eq3A_901 = arith.cmpi eq, %iota3A, %eq3A_900 : vector<16xi32>
      %select_n3A_902 = arith.select %eq3A_901, %add3A_898, %select_n3A_842 : vector<16xi1>, vector<16xf32>
      %xor3A_903 = arith.constant 8 : i32
      %xor3A_904 = vector.broadcast %xor3A_903 : i32 to vector<16xi32>
      %xor3A_905 = arith.xori %iota3A, %xor3A_904 : vector<16xi32>
      %lt3A_906 = arith.constant 0 : i32
      %lt3A_907 = vector.broadcast %lt3A_906 : i32 to vector<16xi32>
      %lt3A_908 = arith.cmpi slt, %xor3A_905, %lt3A_907 : vector<16xi32>
      %add3A_909 = arith.constant 16 : i32
      %add3A_910 = vector.broadcast %add3A_909 : i32 to vector<16xi32>
      %add3A_911 = arith.addi %xor3A_905, %add3A_910 : vector<16xi32>
      %select_n3A_912 = arith.select %lt3A_908, %add3A_911, %xor3A_905 : vector<16xi1>, vector<16xi32>
      %broadcast_in_dim3A_913 = vector.shape_cast %select_n3A_912 : vector<16xi32> to vector<16x1xi32>
      %gather3A_914 = vector.shape_cast %broadcast_in_dim3A_913 : vector<16x1xi32> to vector<16xi32>
      %gather3A_915 = tpu.dynamic_gather %scan3A_721#3[%gather3A_914] in [0] : vector<16xf32>, vector<16xi32> -> vector<16xf32>
      %add3A_916 = arith.addf %scan3A_721#3, %gather3A_915 : vector<16xf32>
      %xor3A_917 = arith.constant 4 : i32
      %xor3A_918 = vector.broadcast %xor3A_917 : i32 to vector<16xi32>
      %xor3A_919 = arith.xori %iota3A, %xor3A_918 : vector<16xi32>
      %lt3A_920 = arith.constant 0 : i32
      %lt3A_921 = vector.broadcast %lt3A_920 : i32 to vector<16xi32>
      %lt3A_922 = arith.cmpi slt, %xor3A_919, %lt3A_921 : vector<16xi32>
      %add3A_923 = arith.constant 16 : i32
      %add3A_924 = vector.broadcast %add3A_923 : i32 to vector<16xi32>
      %add3A_925 = arith.addi %xor3A_919, %add3A_924 : vector<16xi32>
      %select_n3A_926 = arith.select %lt3A_922, %add3A_925, %xor3A_919 : vector<16xi1>, vector<16xi32>
      %broadcast_in_dim3A_927 = vector.shape_cast %select_n3A_926 : vector<16xi32> to vector<16x1xi32>
      %gather3A_928 = vector.shape_cast %broadcast_in_dim3A_927 : vector<16x1xi32> to vector<16xi32>
      %gather3A_929 = tpu.dynamic_gather %add3A_916[%gather3A_928] in [0] : vector<16xf32>, vector<16xi32> -> vector<16xf32>
      %add3A_930 = arith.addf %add3A_916, %gather3A_929 : vector<16xf32>
      %xor3A_931 = arith.constant 2 : i32
      %xor3A_932 = vector.broadcast %xor3A_931 : i32 to vector<16xi32>
      %xor3A_933 = arith.xori %iota3A, %xor3A_932 : vector<16xi32>
      %lt3A_934 = arith.constant 0 : i32
      %lt3A_935 = vector.broadcast %lt3A_934 : i32 to vector<16xi32>
      %lt3A_936 = arith.cmpi slt, %xor3A_933, %lt3A_935 : vector<16xi32>
      %add3A_937 = arith.constant 16 : i32
      %add3A_938 = vector.broadcast %add3A_937 : i32 to vector<16xi32>
      %add3A_939 = arith.addi %xor3A_933, %add3A_938 : vector<16xi32>
      %select_n3A_940 = arith.select %lt3A_936, %add3A_939, %xor3A_933 : vector<16xi1>, vector<16xi32>
      %broadcast_in_dim3A_941 = vector.shape_cast %select_n3A_940 : vector<16xi32> to vector<16x1xi32>
      %gather3A_942 = vector.shape_cast %broadcast_in_dim3A_941 : vector<16x1xi32> to vector<16xi32>
      %gather3A_943 = tpu.dynamic_gather %add3A_930[%gather3A_942] in [0] : vector<16xf32>, vector<16xi32> -> vector<16xf32>
      %add3A_944 = arith.addf %add3A_930, %gather3A_943 : vector<16xf32>
      %xor3A_945 = arith.constant 1 : i32
      %xor3A_946 = vector.broadcast %xor3A_945 : i32 to vector<16xi32>
      %xor3A_947 = arith.xori %iota3A, %xor3A_946 : vector<16xi32>
      %lt3A_948 = arith.constant 0 : i32
      %lt3A_949 = vector.broadcast %lt3A_948 : i32 to vector<16xi32>
      %lt3A_950 = arith.cmpi slt, %xor3A_947, %lt3A_949 : vector<16xi32>
      %add3A_951 = arith.constant 16 : i32
      %add3A_952 = vector.broadcast %add3A_951 : i32 to vector<16xi32>
      %add3A_953 = arith.addi %xor3A_947, %add3A_952 : vector<16xi32>
      %select_n3A_954 = arith.select %lt3A_950, %add3A_953, %xor3A_947 : vector<16xi1>, vector<16xi32>
      %broadcast_in_dim3A_955 = vector.shape_cast %select_n3A_954 : vector<16xi32> to vector<16x1xi32>
      %gather3A_956 = vector.shape_cast %broadcast_in_dim3A_955 : vector<16x1xi32> to vector<16xi32>
      %gather3A_957 = tpu.dynamic_gather %add3A_944[%gather3A_956] in [0] : vector<16xf32>, vector<16xi32> -> vector<16xf32>
      %add3A_958 = arith.addf %add3A_944, %gather3A_957 : vector<16xf32>
      %eq3A_959 = arith.constant 11 : i32
      %eq3A_960 = vector.broadcast %eq3A_959 : i32 to vector<16xi32>
      %eq3A_961 = arith.cmpi eq, %iota3A, %eq3A_960 : vector<16xi32>
      %select_n3A_962 = arith.select %eq3A_961, %add3A_958, %select_n3A_902 : vector<16xi1>, vector<16xf32>
      %slice3A_963 = vector.extract_strided_slice %get3A_23 {offsets = [12], sizes = [1], strides = [1]} : vector<16xf32> to vector<1xf32>
      %squeeze3A_964 = vector.extract %slice3A_963[0] : f32 from vector<1xf32>
      %slice3A_965 = vector.extract_strided_slice %get3A_23 {offsets = [13], sizes = [1], strides = [1]} : vector<16xf32> to vector<1xf32>
      %squeeze3A_966 = vector.extract %slice3A_965[0] : f32 from vector<1xf32>
      %slice3A_967 = vector.extract_strided_slice %get3A_23 {offsets = [14], sizes = [1], strides = [1]} : vector<16xf32> to vector<1xf32>
      %squeeze3A_968 = vector.extract %slice3A_967[0] : f32 from vector<1xf32>
      %slice3A_969 = vector.extract_strided_slice %get3A_23 {offsets = [15], sizes = [1], strides = [1]} : vector<16xf32> to vector<1xf32>
      %squeeze3A_970 = vector.extract %slice3A_969[0] : f32 from vector<1xf32>
      %slice3A_971 = vector.extract_strided_slice %get3A_26 {offsets = [12], sizes = [1], strides = [1]} : vector<16xf32> to vector<1xf32>
      %squeeze3A_972 = vector.extract %slice3A_971[0] : f32 from vector<1xf32>
      %slice3A_973 = vector.extract_strided_slice %get3A_26 {offsets = [13], sizes = [1], strides = [1]} : vector<16xf32> to vector<1xf32>
      %squeeze3A_974 = vector.extract %slice3A_973[0] : f32 from vector<1xf32>
      %slice3A_975 = vector.extract_strided_slice %get3A_26 {offsets = [14], sizes = [1], strides = [1]} : vector<16xf32> to vector<1xf32>
      %squeeze3A_976 = vector.extract %slice3A_975[0] : f32 from vector<1xf32>
      %slice3A_977 = vector.extract_strided_slice %get3A_26 {offsets = [15], sizes = [1], strides = [1]} : vector<16xf32> to vector<1xf32>
      %squeeze3A_978 = vector.extract %slice3A_977[0] : f32 from vector<1xf32>
      %slice3A_979 = vector.extract_strided_slice %get3A_29 {offsets = [12], sizes = [1], strides = [1]} : vector<16xf32> to vector<1xf32>
      %squeeze3A_980 = vector.extract %slice3A_979[0] : f32 from vector<1xf32>
      %slice3A_981 = vector.extract_strided_slice %get3A_29 {offsets = [13], sizes = [1], strides = [1]} : vector<16xf32> to vector<1xf32>
      %squeeze3A_982 = vector.extract %slice3A_981[0] : f32 from vector<1xf32>
      %slice3A_983 = vector.extract_strided_slice %get3A_29 {offsets = [14], sizes = [1], strides = [1]} : vector<16xf32> to vector<1xf32>
      %squeeze3A_984 = vector.extract %slice3A_983[0] : f32 from vector<1xf32>
      %slice3A_985 = vector.extract_strided_slice %get3A_29 {offsets = [15], sizes = [1], strides = [1]} : vector<16xf32> to vector<1xf32>
      %squeeze3A_986 = vector.extract %slice3A_985[0] : f32 from vector<1xf32>
      %slice3A_987 = vector.extract_strided_slice %get3A_32 {offsets = [12], sizes = [1], strides = [1]} : vector<16xf32> to vector<1xf32>
      %squeeze3A_988 = vector.extract %slice3A_987[0] : f32 from vector<1xf32>
      %slice3A_989 = vector.extract_strided_slice %get3A_32 {offsets = [13], sizes = [1], strides = [1]} : vector<16xf32> to vector<1xf32>
      %squeeze3A_990 = vector.extract %slice3A_989[0] : f32 from vector<1xf32>
      %slice3A_991 = vector.extract_strided_slice %get3A_32 {offsets = [14], sizes = [1], strides = [1]} : vector<16xf32> to vector<1xf32>
      %squeeze3A_992 = vector.extract %slice3A_991[0] : f32 from vector<1xf32>
      %slice3A_993 = vector.extract_strided_slice %get3A_32 {offsets = [15], sizes = [1], strides = [1]} : vector<16xf32> to vector<1xf32>
      %squeeze3A_994 = vector.extract %slice3A_993[0] : f32 from vector<1xf32>
      %slice3A_995 = vector.extract_strided_slice %get3A_35 {offsets = [12], sizes = [1], strides = [1]} : vector<16xf32> to vector<1xf32>
      %squeeze3A_996 = vector.extract %slice3A_995[0] : f32 from vector<1xf32>
      %add3A_997 = arith.constant 9.99999993E-9 : f32
      %add3A_998 = arith.addf %squeeze3A_996, %add3A_997 : f32
      %slice3A_999 = vector.extract_strided_slice %get3A_35 {offsets = [13], sizes = [1], strides = [1]} : vector<16xf32> to vector<1xf32>
      %squeeze3A_1000 = vector.extract %slice3A_999[0] : f32 from vector<1xf32>
      %add3A_1001 = arith.constant 9.99999993E-9 : f32
      %add3A_1002 = arith.addf %squeeze3A_1000, %add3A_1001 : f32
      %slice3A_1003 = vector.extract_strided_slice %get3A_35 {offsets = [14], sizes = [1], strides = [1]} : vector<16xf32> to vector<1xf32>
      %squeeze3A_1004 = vector.extract %slice3A_1003[0] : f32 from vector<1xf32>
      %add3A_1005 = arith.constant 9.99999993E-9 : f32
      %add3A_1006 = arith.addf %squeeze3A_1004, %add3A_1005 : f32
      %slice3A_1007 = vector.extract_strided_slice %get3A_35 {offsets = [15], sizes = [1], strides = [1]} : vector<16xf32> to vector<1xf32>
      %squeeze3A_1008 = vector.extract %slice3A_1007[0] : f32 from vector<1xf32>
      %add3A_1009 = arith.constant 9.99999993E-9 : f32
      %add3A_1010 = arith.addf %squeeze3A_1008, %add3A_1009 : f32
      %slice3A_1011 = vector.extract_strided_slice %get3A_38 {offsets = [12], sizes = [1], strides = [1]} : vector<16xf32> to vector<1xf32>
      %squeeze3A_1012 = vector.extract %slice3A_1011[0] : f32 from vector<1xf32>
      %slice3A_1013 = vector.extract_strided_slice %get3A_38 {offsets = [13], sizes = [1], strides = [1]} : vector<16xf32> to vector<1xf32>
      %squeeze3A_1014 = vector.extract %slice3A_1013[0] : f32 from vector<1xf32>
      %slice3A_1015 = vector.extract_strided_slice %get3A_38 {offsets = [14], sizes = [1], strides = [1]} : vector<16xf32> to vector<1xf32>
      %squeeze3A_1016 = vector.extract %slice3A_1015[0] : f32 from vector<1xf32>
      %slice3A_1017 = vector.extract_strided_slice %get3A_38 {offsets = [15], sizes = [1], strides = [1]} : vector<16xf32> to vector<1xf32>
      %squeeze3A_1018 = vector.extract %slice3A_1017[0] : f32 from vector<1xf32>
      %broadcast_in_dim3A_1019 = arith.constant 0.000000e+00 : f32
      %broadcast_in_dim3A_1020 = vector.broadcast %broadcast_in_dim3A_1019 : f32 to vector<16xf32>
      %broadcast_in_dim3A_1021 = arith.constant 0.000000e+00 : f32
      %broadcast_in_dim3A_1022 = vector.broadcast %broadcast_in_dim3A_1021 : f32 to vector<16xf32>
      %broadcast_in_dim3A_1023 = arith.constant 0.000000e+00 : f32
      %broadcast_in_dim3A_1024 = vector.broadcast %broadcast_in_dim3A_1023 : f32 to vector<16xf32>
      %broadcast_in_dim3A_1025 = arith.constant 0.000000e+00 : f32
      %broadcast_in_dim3A_1026 = vector.broadcast %broadcast_in_dim3A_1025 : f32 to vector<16xf32>
      %scan3A_1027 = arith.constant 0 : i32
      %scan3A_1028 = arith.constant 320 : i32
      %scan3A_1029 = arith.addi %scan3A_1027, %scan3A_1028 : i32
      %scan3A_1030 = arith.constant 1 : i32
      %scan3A_1031:4 = scf.for %scan3A_1283 = %scan3A_1027 to %scan3A_1029 step %scan3A_1030 iter_args(%scan3A_1284 = %broadcast_in_dim3A_1020, %scan3A_1285 = %broadcast_in_dim3A_1022, %scan3A_1286 = %broadcast_in_dim3A_1024, %scan3A_1287 = %broadcast_in_dim3A_1026) -> (vector<16xf32>, vector<16xf32>, vector<16xf32>, vector<16xf32>)  : i32 {
        %mul3A_1288 = arith.constant 16 : i32
        %mul3A_1289 = arith.muli %scan3A_1283, %mul3A_1288 : i32
        %get3A_1290 = arith.index_cast %mul3A_1289 : i32 to index
        %get3A_1291 = tpu.vector_load %arg8[%get3A_1290] {strides = array<i32>} : memref<5120xf32, #tpu.memory_space<vmem>>, vector<16xf32>,
        %get3A_1292 = vector.shape_cast %get3A_1291 : vector<16xf32> to vector<16xf32>
        %get3A_1293 = arith.index_cast %mul3A_1289 : i32 to index
        %get3A_1294 = tpu.vector_load %arg9[%get3A_1293] {strides = array<i32>} : memref<5120xf32, #tpu.memory_space<vmem>>, vector<16xf32>,
        %get3A_1295 = vector.shape_cast %get3A_1294 : vector<16xf32> to vector<16xf32>
        %get3A_1296 = arith.index_cast %mul3A_1289 : i32 to index
        %get3A_1297 = tpu.vector_load %arg10[%get3A_1296] {strides = array<i32>} : memref<5120xf32, #tpu.memory_space<vmem>>, vector<16xf32>,
        %get3A_1298 = vector.shape_cast %get3A_1297 : vector<16xf32> to vector<16xf32>
        %get3A_1299 = arith.index_cast %mul3A_1289 : i32 to index
        %get3A_1300 = tpu.vector_load %arg11[%get3A_1299] {strides = array<i32>} : memref<5120xf32, #tpu.memory_space<vmem>>, vector<16xf32>,
        %get3A_1301 = vector.shape_cast %get3A_1300 : vector<16xf32> to vector<16xf32>
        %get3A_1302 = arith.index_cast %mul3A_1289 : i32 to index
        %get3A_1303 = tpu.vector_load %arg13[%get3A_1302] {strides = array<i32>} : memref<5120xf32, #tpu.memory_space<vmem>>, vector<16xf32>,
        %get3A_1304 = vector.shape_cast %get3A_1303 : vector<16xf32> to vector<16xf32>
        %get3A_1305 = arith.index_cast %mul3A_1289 : i32 to index
        %get3A_1306 = tpu.vector_load %arg12[%get3A_1305] {strides = array<i32>} : memref<5120xf32, #tpu.memory_space<vmem>>, vector<16xf32>,
        %get3A_1307 = vector.shape_cast %get3A_1306 : vector<16xf32> to vector<16xf32>
        %max3A = vector.broadcast %squeeze3A_964 : f32 to vector<16xf32>
        %max3A_1308 = arith.maximumf %get3A_1292, %max3A : vector<16xf32>
        %max3A_1309 = vector.broadcast %squeeze3A_972 : f32 to vector<16xf32>
        %max3A_1310 = arith.maximumf %get3A_1295, %max3A_1309 : vector<16xf32>
        %min3A = vector.broadcast %squeeze3A_980 : f32 to vector<16xf32>
        %min3A_1311 = arith.minimumf %get3A_1298, %min3A : vector<16xf32>
        %min3A_1312 = vector.broadcast %squeeze3A_988 : f32 to vector<16xf32>
        %min3A_1313 = arith.minimumf %get3A_1301, %min3A_1312 : vector<16xf32>
        %sub3A = arith.subf %min3A_1311, %max3A_1308 : vector<16xf32>
        %max3A_1314 = arith.constant 0.000000e+00 : f32
        %max3A_1315 = vector.broadcast %max3A_1314 : f32 to vector<16xf32>
        %max3A_1316 = arith.maximumf %sub3A, %max3A_1315 : vector<16xf32>
        %sub3A_1317 = arith.subf %min3A_1313, %max3A_1310 : vector<16xf32>
        %max3A_1318 = arith.constant 0.000000e+00 : f32
        %max3A_1319 = vector.broadcast %max3A_1318 : f32 to vector<16xf32>
        %max3A_1320 = arith.maximumf %sub3A_1317, %max3A_1319 : vector<16xf32>
        %mul3A_1321 = arith.mulf %max3A_1316, %max3A_1320 : vector<16xf32>
        %add3A_1322 = vector.broadcast %add3A_998 : f32 to vector<16xf32>
        %add3A_1323 = arith.addf %add3A_1322, %get3A_1304 : vector<16xf32>
        %sub3A_1324 = arith.subf %add3A_1323, %mul3A_1321 : vector<16xf32>
        %div3A_1325 = arith.divf %mul3A_1321, %sub3A_1324 : vector<16xf32>
        %mul3A_1326 = arith.mulf %div3A_1325, %div3A_1325 : vector<16xf32>
        %gt3A = vector.broadcast %squeeze3A_1012 : f32 to vector<16xf32>
        %gt3A_1327 = arith.cmpf ogt, %get3A_1307, %gt3A : vector<16xf32>
        %jit3A = arith.constant 0.000000e+00 : f32
        %broadcast_in_dim3A_1328 = vector.broadcast %jit3A : f32 to vector<16xf32>
        %select_n3A_1329 = arith.select %gt3A_1327, %mul3A_1326, %broadcast_in_dim3A_1328 : vector<16xi1>, vector<16xf32>
        %add3A_1330 = arith.addf %scan3A_1284, %select_n3A_1329 : vector<16xf32>
        %max3A_1331 = vector.broadcast %squeeze3A_966 : f32 to vector<16xf32>
        %max3A_1332 = arith.maximumf %get3A_1292, %max3A_1331 : vector<16xf32>
        %max3A_1333 = vector.broadcast %squeeze3A_974 : f32 to vector<16xf32>
        %max3A_1334 = arith.maximumf %get3A_1295, %max3A_1333 : vector<16xf32>
        %min3A_1335 = vector.broadcast %squeeze3A_982 : f32 to vector<16xf32>
        %min3A_1336 = arith.minimumf %get3A_1298, %min3A_1335 : vector<16xf32>
        %min3A_1337 = vector.broadcast %squeeze3A_990 : f32 to vector<16xf32>
        %min3A_1338 = arith.minimumf %get3A_1301, %min3A_1337 : vector<16xf32>
        %sub3A_1339 = arith.subf %min3A_1336, %max3A_1332 : vector<16xf32>
        %max3A_1340 = arith.constant 0.000000e+00 : f32
        %max3A_1341 = vector.broadcast %max3A_1340 : f32 to vector<16xf32>
        %max3A_1342 = arith.maximumf %sub3A_1339, %max3A_1341 : vector<16xf32>
        %sub3A_1343 = arith.subf %min3A_1338, %max3A_1334 : vector<16xf32>
        %max3A_1344 = arith.constant 0.000000e+00 : f32
        %max3A_1345 = vector.broadcast %max3A_1344 : f32 to vector<16xf32>
        %max3A_1346 = arith.maximumf %sub3A_1343, %max3A_1345 : vector<16xf32>
        %mul3A_1347 = arith.mulf %max3A_1342, %max3A_1346 : vector<16xf32>
        %add3A_1348 = vector.broadcast %add3A_1002 : f32 to vector<16xf32>
        %add3A_1349 = arith.addf %add3A_1348, %get3A_1304 : vector<16xf32>
        %sub3A_1350 = arith.subf %add3A_1349, %mul3A_1347 : vector<16xf32>
        %div3A_1351 = arith.divf %mul3A_1347, %sub3A_1350 : vector<16xf32>
        %mul3A_1352 = arith.mulf %div3A_1351, %div3A_1351 : vector<16xf32>
        %gt3A_1353 = vector.broadcast %squeeze3A_1014 : f32 to vector<16xf32>
        %gt3A_1354 = arith.cmpf ogt, %get3A_1307, %gt3A_1353 : vector<16xf32>
        %jit3A_1355 = arith.constant 0.000000e+00 : f32
        %broadcast_in_dim3A_1356 = vector.broadcast %jit3A_1355 : f32 to vector<16xf32>
        %select_n3A_1357 = arith.select %gt3A_1354, %mul3A_1352, %broadcast_in_dim3A_1356 : vector<16xi1>, vector<16xf32>
        %add3A_1358 = arith.addf %scan3A_1285, %select_n3A_1357 : vector<16xf32>
        %max3A_1359 = vector.broadcast %squeeze3A_968 : f32 to vector<16xf32>
        %max3A_1360 = arith.maximumf %get3A_1292, %max3A_1359 : vector<16xf32>
        %max3A_1361 = vector.broadcast %squeeze3A_976 : f32 to vector<16xf32>
        %max3A_1362 = arith.maximumf %get3A_1295, %max3A_1361 : vector<16xf32>
        %min3A_1363 = vector.broadcast %squeeze3A_984 : f32 to vector<16xf32>
        %min3A_1364 = arith.minimumf %get3A_1298, %min3A_1363 : vector<16xf32>
        %min3A_1365 = vector.broadcast %squeeze3A_992 : f32 to vector<16xf32>
        %min3A_1366 = arith.minimumf %get3A_1301, %min3A_1365 : vector<16xf32>
        %sub3A_1367 = arith.subf %min3A_1364, %max3A_1360 : vector<16xf32>
        %max3A_1368 = arith.constant 0.000000e+00 : f32
        %max3A_1369 = vector.broadcast %max3A_1368 : f32 to vector<16xf32>
        %max3A_1370 = arith.maximumf %sub3A_1367, %max3A_1369 : vector<16xf32>
        %sub3A_1371 = arith.subf %min3A_1366, %max3A_1362 : vector<16xf32>
        %max3A_1372 = arith.constant 0.000000e+00 : f32
        %max3A_1373 = vector.broadcast %max3A_1372 : f32 to vector<16xf32>
        %max3A_1374 = arith.maximumf %sub3A_1371, %max3A_1373 : vector<16xf32>
        %mul3A_1375 = arith.mulf %max3A_1370, %max3A_1374 : vector<16xf32>
        %add3A_1376 = vector.broadcast %add3A_1006 : f32 to vector<16xf32>
        %add3A_1377 = arith.addf %add3A_1376, %get3A_1304 : vector<16xf32>
        %sub3A_1378 = arith.subf %add3A_1377, %mul3A_1375 : vector<16xf32>
        %div3A_1379 = arith.divf %mul3A_1375, %sub3A_1378 : vector<16xf32>
        %mul3A_1380 = arith.mulf %div3A_1379, %div3A_1379 : vector<16xf32>
        %gt3A_1381 = vector.broadcast %squeeze3A_1016 : f32 to vector<16xf32>
        %gt3A_1382 = arith.cmpf ogt, %get3A_1307, %gt3A_1381 : vector<16xf32>
        %jit3A_1383 = arith.constant 0.000000e+00 : f32
        %broadcast_in_dim3A_1384 = vector.broadcast %jit3A_1383 : f32 to vector<16xf32>
        %select_n3A_1385 = arith.select %gt3A_1382, %mul3A_1380, %broadcast_in_dim3A_1384 : vector<16xi1>, vector<16xf32>
        %add3A_1386 = arith.addf %scan3A_1286, %select_n3A_1385 : vector<16xf32>
        %max3A_1387 = vector.broadcast %squeeze3A_970 : f32 to vector<16xf32>
        %max3A_1388 = arith.maximumf %get3A_1292, %max3A_1387 : vector<16xf32>
        %max3A_1389 = vector.broadcast %squeeze3A_978 : f32 to vector<16xf32>
        %max3A_1390 = arith.maximumf %get3A_1295, %max3A_1389 : vector<16xf32>
        %min3A_1391 = vector.broadcast %squeeze3A_986 : f32 to vector<16xf32>
        %min3A_1392 = arith.minimumf %get3A_1298, %min3A_1391 : vector<16xf32>
        %min3A_1393 = vector.broadcast %squeeze3A_994 : f32 to vector<16xf32>
        %min3A_1394 = arith.minimumf %get3A_1301, %min3A_1393 : vector<16xf32>
        %sub3A_1395 = arith.subf %min3A_1392, %max3A_1388 : vector<16xf32>
        %max3A_1396 = arith.constant 0.000000e+00 : f32
        %max3A_1397 = vector.broadcast %max3A_1396 : f32 to vector<16xf32>
        %max3A_1398 = arith.maximumf %sub3A_1395, %max3A_1397 : vector<16xf32>
        %sub3A_1399 = arith.subf %min3A_1394, %max3A_1390 : vector<16xf32>
        %max3A_1400 = arith.constant 0.000000e+00 : f32
        %max3A_1401 = vector.broadcast %max3A_1400 : f32 to vector<16xf32>
        %max3A_1402 = arith.maximumf %sub3A_1399, %max3A_1401 : vector<16xf32>
        %mul3A_1403 = arith.mulf %max3A_1398, %max3A_1402 : vector<16xf32>
        %add3A_1404 = vector.broadcast %add3A_1010 : f32 to vector<16xf32>
        %add3A_1405 = arith.addf %add3A_1404, %get3A_1304 : vector<16xf32>
        %sub3A_1406 = arith.subf %add3A_1405, %mul3A_1403 : vector<16xf32>
        %div3A_1407 = arith.divf %mul3A_1403, %sub3A_1406 : vector<16xf32>
        %mul3A_1408 = arith.mulf %div3A_1407, %div3A_1407 : vector<16xf32>
        %gt3A_1409 = vector.broadcast %squeeze3A_1018 : f32 to vector<16xf32>
        %gt3A_1410 = arith.cmpf ogt, %get3A_1307, %gt3A_1409 : vector<16xf32>
        %jit3A_1411 = arith.constant 0.000000e+00 : f32
        %broadcast_in_dim3A_1412 = vector.broadcast %jit3A_1411 : f32 to vector<16xf32>
        %select_n3A_1413 = arith.select %gt3A_1410, %mul3A_1408, %broadcast_in_dim3A_1412 : vector<16xi1>, vector<16xf32>
        %add3A_1414 = arith.addf %scan3A_1287, %select_n3A_1413 : vector<16xf32>
        scf.yield %add3A_1330, %add3A_1358, %add3A_1386, %add3A_1414 : vector<16xf32>, vector<16xf32>, vector<16xf32>, vector<16xf32>
      }
      %scan3A_1032 = arith.constant 320 : i32
      %xor3A_1033 = arith.constant 8 : i32
      %xor3A_1034 = vector.broadcast %xor3A_1033 : i32 to vector<16xi32>
      %xor3A_1035 = arith.xori %iota3A, %xor3A_1034 : vector<16xi32>
      %lt3A_1036 = arith.constant 0 : i32
      %lt3A_1037 = vector.broadcast %lt3A_1036 : i32 to vector<16xi32>
      %lt3A_1038 = arith.cmpi slt, %xor3A_1035, %lt3A_1037 : vector<16xi32>
      %add3A_1039 = arith.constant 16 : i32
      %add3A_1040 = vector.broadcast %add3A_1039 : i32 to vector<16xi32>
      %add3A_1041 = arith.addi %xor3A_1035, %add3A_1040 : vector<16xi32>
      %select_n3A_1042 = arith.select %lt3A_1038, %add3A_1041, %xor3A_1035 : vector<16xi1>, vector<16xi32>
      %broadcast_in_dim3A_1043 = vector.shape_cast %select_n3A_1042 : vector<16xi32> to vector<16x1xi32>
      %gather3A_1044 = vector.shape_cast %broadcast_in_dim3A_1043 : vector<16x1xi32> to vector<16xi32>
      %gather3A_1045 = tpu.dynamic_gather %scan3A_1031#0[%gather3A_1044] in [0] : vector<16xf32>, vector<16xi32> -> vector<16xf32>
      %add3A_1046 = arith.addf %scan3A_1031#0, %gather3A_1045 : vector<16xf32>
      %xor3A_1047 = arith.constant 4 : i32
      %xor3A_1048 = vector.broadcast %xor3A_1047 : i32 to vector<16xi32>
      %xor3A_1049 = arith.xori %iota3A, %xor3A_1048 : vector<16xi32>
      %lt3A_1050 = arith.constant 0 : i32
      %lt3A_1051 = vector.broadcast %lt3A_1050 : i32 to vector<16xi32>
      %lt3A_1052 = arith.cmpi slt, %xor3A_1049, %lt3A_1051 : vector<16xi32>
      %add3A_1053 = arith.constant 16 : i32
      %add3A_1054 = vector.broadcast %add3A_1053 : i32 to vector<16xi32>
      %add3A_1055 = arith.addi %xor3A_1049, %add3A_1054 : vector<16xi32>
      %select_n3A_1056 = arith.select %lt3A_1052, %add3A_1055, %xor3A_1049 : vector<16xi1>, vector<16xi32>
      %broadcast_in_dim3A_1057 = vector.shape_cast %select_n3A_1056 : vector<16xi32> to vector<16x1xi32>
      %gather3A_1058 = vector.shape_cast %broadcast_in_dim3A_1057 : vector<16x1xi32> to vector<16xi32>
      %gather3A_1059 = tpu.dynamic_gather %add3A_1046[%gather3A_1058] in [0] : vector<16xf32>, vector<16xi32> -> vector<16xf32>
      %add3A_1060 = arith.addf %add3A_1046, %gather3A_1059 : vector<16xf32>
      %xor3A_1061 = arith.constant 2 : i32
      %xor3A_1062 = vector.broadcast %xor3A_1061 : i32 to vector<16xi32>
      %xor3A_1063 = arith.xori %iota3A, %xor3A_1062 : vector<16xi32>
      %lt3A_1064 = arith.constant 0 : i32
      %lt3A_1065 = vector.broadcast %lt3A_1064 : i32 to vector<16xi32>
      %lt3A_1066 = arith.cmpi slt, %xor3A_1063, %lt3A_1065 : vector<16xi32>
      %add3A_1067 = arith.constant 16 : i32
      %add3A_1068 = vector.broadcast %add3A_1067 : i32 to vector<16xi32>
      %add3A_1069 = arith.addi %xor3A_1063, %add3A_1068 : vector<16xi32>
      %select_n3A_1070 = arith.select %lt3A_1066, %add3A_1069, %xor3A_1063 : vector<16xi1>, vector<16xi32>
      %broadcast_in_dim3A_1071 = vector.shape_cast %select_n3A_1070 : vector<16xi32> to vector<16x1xi32>
      %gather3A_1072 = vector.shape_cast %broadcast_in_dim3A_1071 : vector<16x1xi32> to vector<16xi32>
      %gather3A_1073 = tpu.dynamic_gather %add3A_1060[%gather3A_1072] in [0] : vector<16xf32>, vector<16xi32> -> vector<16xf32>
      %add3A_1074 = arith.addf %add3A_1060, %gather3A_1073 : vector<16xf32>
      %xor3A_1075 = arith.constant 1 : i32
      %xor3A_1076 = vector.broadcast %xor3A_1075 : i32 to vector<16xi32>
      %xor3A_1077 = arith.xori %iota3A, %xor3A_1076 : vector<16xi32>
      %lt3A_1078 = arith.constant 0 : i32
      %lt3A_1079 = vector.broadcast %lt3A_1078 : i32 to vector<16xi32>
      %lt3A_1080 = arith.cmpi slt, %xor3A_1077, %lt3A_1079 : vector<16xi32>
      %add3A_1081 = arith.constant 16 : i32
      %add3A_1082 = vector.broadcast %add3A_1081 : i32 to vector<16xi32>
      %add3A_1083 = arith.addi %xor3A_1077, %add3A_1082 : vector<16xi32>
      %select_n3A_1084 = arith.select %lt3A_1080, %add3A_1083, %xor3A_1077 : vector<16xi1>, vector<16xi32>
      %broadcast_in_dim3A_1085 = vector.shape_cast %select_n3A_1084 : vector<16xi32> to vector<16x1xi32>
      %gather3A_1086 = vector.shape_cast %broadcast_in_dim3A_1085 : vector<16x1xi32> to vector<16xi32>
      %gather3A_1087 = tpu.dynamic_gather %add3A_1074[%gather3A_1086] in [0] : vector<16xf32>, vector<16xi32> -> vector<16xf32>
      %add3A_1088 = arith.addf %add3A_1074, %gather3A_1087 : vector<16xf32>
      %eq3A_1089 = arith.constant 12 : i32
      %eq3A_1090 = vector.broadcast %eq3A_1089 : i32 to vector<16xi32>
      %eq3A_1091 = arith.cmpi eq, %iota3A, %eq3A_1090 : vector<16xi32>
      %select_n3A_1092 = arith.select %eq3A_1091, %add3A_1088, %select_n3A_962 : vector<16xi1>, vector<16xf32>
      %xor3A_1093 = arith.constant 8 : i32
      %xor3A_1094 = vector.broadcast %xor3A_1093 : i32 to vector<16xi32>
      %xor3A_1095 = arith.xori %iota3A, %xor3A_1094 : vector<16xi32>
      %lt3A_1096 = arith.constant 0 : i32
      %lt3A_1097 = vector.broadcast %lt3A_1096 : i32 to vector<16xi32>
      %lt3A_1098 = arith.cmpi slt, %xor3A_1095, %lt3A_1097 : vector<16xi32>
      %add3A_1099 = arith.constant 16 : i32
      %add3A_1100 = vector.broadcast %add3A_1099 : i32 to vector<16xi32>
      %add3A_1101 = arith.addi %xor3A_1095, %add3A_1100 : vector<16xi32>
      %select_n3A_1102 = arith.select %lt3A_1098, %add3A_1101, %xor3A_1095 : vector<16xi1>, vector<16xi32>
      %broadcast_in_dim3A_1103 = vector.shape_cast %select_n3A_1102 : vector<16xi32> to vector<16x1xi32>
      %gather3A_1104 = vector.shape_cast %broadcast_in_dim3A_1103 : vector<16x1xi32> to vector<16xi32>
      %gather3A_1105 = tpu.dynamic_gather %scan3A_1031#1[%gather3A_1104] in [0] : vector<16xf32>, vector<16xi32> -> vector<16xf32>
      %add3A_1106 = arith.addf %scan3A_1031#1, %gather3A_1105 : vector<16xf32>
      %xor3A_1107 = arith.constant 4 : i32
      %xor3A_1108 = vector.broadcast %xor3A_1107 : i32 to vector<16xi32>
      %xor3A_1109 = arith.xori %iota3A, %xor3A_1108 : vector<16xi32>
      %lt3A_1110 = arith.constant 0 : i32
      %lt3A_1111 = vector.broadcast %lt3A_1110 : i32 to vector<16xi32>
      %lt3A_1112 = arith.cmpi slt, %xor3A_1109, %lt3A_1111 : vector<16xi32>
      %add3A_1113 = arith.constant 16 : i32
      %add3A_1114 = vector.broadcast %add3A_1113 : i32 to vector<16xi32>
      %add3A_1115 = arith.addi %xor3A_1109, %add3A_1114 : vector<16xi32>
      %select_n3A_1116 = arith.select %lt3A_1112, %add3A_1115, %xor3A_1109 : vector<16xi1>, vector<16xi32>
      %broadcast_in_dim3A_1117 = vector.shape_cast %select_n3A_1116 : vector<16xi32> to vector<16x1xi32>
      %gather3A_1118 = vector.shape_cast %broadcast_in_dim3A_1117 : vector<16x1xi32> to vector<16xi32>
      %gather3A_1119 = tpu.dynamic_gather %add3A_1106[%gather3A_1118] in [0] : vector<16xf32>, vector<16xi32> -> vector<16xf32>
      %add3A_1120 = arith.addf %add3A_1106, %gather3A_1119 : vector<16xf32>
      %xor3A_1121 = arith.constant 2 : i32
      %xor3A_1122 = vector.broadcast %xor3A_1121 : i32 to vector<16xi32>
      %xor3A_1123 = arith.xori %iota3A, %xor3A_1122 : vector<16xi32>
      %lt3A_1124 = arith.constant 0 : i32
      %lt3A_1125 = vector.broadcast %lt3A_1124 : i32 to vector<16xi32>
      %lt3A_1126 = arith.cmpi slt, %xor3A_1123, %lt3A_1125 : vector<16xi32>
      %add3A_1127 = arith.constant 16 : i32
      %add3A_1128 = vector.broadcast %add3A_1127 : i32 to vector<16xi32>
      %add3A_1129 = arith.addi %xor3A_1123, %add3A_1128 : vector<16xi32>
      %select_n3A_1130 = arith.select %lt3A_1126, %add3A_1129, %xor3A_1123 : vector<16xi1>, vector<16xi32>
      %broadcast_in_dim3A_1131 = vector.shape_cast %select_n3A_1130 : vector<16xi32> to vector<16x1xi32>
      %gather3A_1132 = vector.shape_cast %broadcast_in_dim3A_1131 : vector<16x1xi32> to vector<16xi32>
      %gather3A_1133 = tpu.dynamic_gather %add3A_1120[%gather3A_1132] in [0] : vector<16xf32>, vector<16xi32> -> vector<16xf32>
      %add3A_1134 = arith.addf %add3A_1120, %gather3A_1133 : vector<16xf32>
      %xor3A_1135 = arith.constant 1 : i32
      %xor3A_1136 = vector.broadcast %xor3A_1135 : i32 to vector<16xi32>
      %xor3A_1137 = arith.xori %iota3A, %xor3A_1136 : vector<16xi32>
      %lt3A_1138 = arith.constant 0 : i32
      %lt3A_1139 = vector.broadcast %lt3A_1138 : i32 to vector<16xi32>
      %lt3A_1140 = arith.cmpi slt, %xor3A_1137, %lt3A_1139 : vector<16xi32>
      %add3A_1141 = arith.constant 16 : i32
      %add3A_1142 = vector.broadcast %add3A_1141 : i32 to vector<16xi32>
      %add3A_1143 = arith.addi %xor3A_1137, %add3A_1142 : vector<16xi32>
      %select_n3A_1144 = arith.select %lt3A_1140, %add3A_1143, %xor3A_1137 : vector<16xi1>, vector<16xi32>
      %broadcast_in_dim3A_1145 = vector.shape_cast %select_n3A_1144 : vector<16xi32> to vector<16x1xi32>
      %gather3A_1146 = vector.shape_cast %broadcast_in_dim3A_1145 : vector<16x1xi32> to vector<16xi32>
      %gather3A_1147 = tpu.dynamic_gather %add3A_1134[%gather3A_1146] in [0] : vector<16xf32>, vector<16xi32> -> vector<16xf32>
      %add3A_1148 = arith.addf %add3A_1134, %gather3A_1147 : vector<16xf32>
      %eq3A_1149 = arith.constant 13 : i32
      %eq3A_1150 = vector.broadcast %eq3A_1149 : i32 to vector<16xi32>
      %eq3A_1151 = arith.cmpi eq, %iota3A, %eq3A_1150 : vector<16xi32>
      %select_n3A_1152 = arith.select %eq3A_1151, %add3A_1148, %select_n3A_1092 : vector<16xi1>, vector<16xf32>
      %xor3A_1153 = arith.constant 8 : i32
      %xor3A_1154 = vector.broadcast %xor3A_1153 : i32 to vector<16xi32>
      %xor3A_1155 = arith.xori %iota3A, %xor3A_1154 : vector<16xi32>
      %lt3A_1156 = arith.constant 0 : i32
      %lt3A_1157 = vector.broadcast %lt3A_1156 : i32 to vector<16xi32>
      %lt3A_1158 = arith.cmpi slt, %xor3A_1155, %lt3A_1157 : vector<16xi32>
      %add3A_1159 = arith.constant 16 : i32
      %add3A_1160 = vector.broadcast %add3A_1159 : i32 to vector<16xi32>
      %add3A_1161 = arith.addi %xor3A_1155, %add3A_1160 : vector<16xi32>
      %select_n3A_1162 = arith.select %lt3A_1158, %add3A_1161, %xor3A_1155 : vector<16xi1>, vector<16xi32>
      %broadcast_in_dim3A_1163 = vector.shape_cast %select_n3A_1162 : vector<16xi32> to vector<16x1xi32>
      %gather3A_1164 = vector.shape_cast %broadcast_in_dim3A_1163 : vector<16x1xi32> to vector<16xi32>
      %gather3A_1165 = tpu.dynamic_gather %scan3A_1031#2[%gather3A_1164] in [0] : vector<16xf32>, vector<16xi32> -> vector<16xf32>
      %add3A_1166 = arith.addf %scan3A_1031#2, %gather3A_1165 : vector<16xf32>
      %xor3A_1167 = arith.constant 4 : i32
      %xor3A_1168 = vector.broadcast %xor3A_1167 : i32 to vector<16xi32>
      %xor3A_1169 = arith.xori %iota3A, %xor3A_1168 : vector<16xi32>
      %lt3A_1170 = arith.constant 0 : i32
      %lt3A_1171 = vector.broadcast %lt3A_1170 : i32 to vector<16xi32>
      %lt3A_1172 = arith.cmpi slt, %xor3A_1169, %lt3A_1171 : vector<16xi32>
      %add3A_1173 = arith.constant 16 : i32
      %add3A_1174 = vector.broadcast %add3A_1173 : i32 to vector<16xi32>
      %add3A_1175 = arith.addi %xor3A_1169, %add3A_1174 : vector<16xi32>
      %select_n3A_1176 = arith.select %lt3A_1172, %add3A_1175, %xor3A_1169 : vector<16xi1>, vector<16xi32>
      %broadcast_in_dim3A_1177 = vector.shape_cast %select_n3A_1176 : vector<16xi32> to vector<16x1xi32>
      %gather3A_1178 = vector.shape_cast %broadcast_in_dim3A_1177 : vector<16x1xi32> to vector<16xi32>
      %gather3A_1179 = tpu.dynamic_gather %add3A_1166[%gather3A_1178] in [0] : vector<16xf32>, vector<16xi32> -> vector<16xf32>
      %add3A_1180 = arith.addf %add3A_1166, %gather3A_1179 : vector<16xf32>
      %xor3A_1181 = arith.constant 2 : i32
      %xor3A_1182 = vector.broadcast %xor3A_1181 : i32 to vector<16xi32>
      %xor3A_1183 = arith.xori %iota3A, %xor3A_1182 : vector<16xi32>
      %lt3A_1184 = arith.constant 0 : i32
      %lt3A_1185 = vector.broadcast %lt3A_1184 : i32 to vector<16xi32>
      %lt3A_1186 = arith.cmpi slt, %xor3A_1183, %lt3A_1185 : vector<16xi32>
      %add3A_1187 = arith.constant 16 : i32
      %add3A_1188 = vector.broadcast %add3A_1187 : i32 to vector<16xi32>
      %add3A_1189 = arith.addi %xor3A_1183, %add3A_1188 : vector<16xi32>
      %select_n3A_1190 = arith.select %lt3A_1186, %add3A_1189, %xor3A_1183 : vector<16xi1>, vector<16xi32>
      %broadcast_in_dim3A_1191 = vector.shape_cast %select_n3A_1190 : vector<16xi32> to vector<16x1xi32>
      %gather3A_1192 = vector.shape_cast %broadcast_in_dim3A_1191 : vector<16x1xi32> to vector<16xi32>
      %gather3A_1193 = tpu.dynamic_gather %add3A_1180[%gather3A_1192] in [0] : vector<16xf32>, vector<16xi32> -> vector<16xf32>
      %add3A_1194 = arith.addf %add3A_1180, %gather3A_1193 : vector<16xf32>
      %xor3A_1195 = arith.constant 1 : i32
      %xor3A_1196 = vector.broadcast %xor3A_1195 : i32 to vector<16xi32>
      %xor3A_1197 = arith.xori %iota3A, %xor3A_1196 : vector<16xi32>
      %lt3A_1198 = arith.constant 0 : i32
      %lt3A_1199 = vector.broadcast %lt3A_1198 : i32 to vector<16xi32>
      %lt3A_1200 = arith.cmpi slt, %xor3A_1197, %lt3A_1199 : vector<16xi32>
      %add3A_1201 = arith.constant 16 : i32
      %add3A_1202 = vector.broadcast %add3A_1201 : i32 to vector<16xi32>
      %add3A_1203 = arith.addi %xor3A_1197, %add3A_1202 : vector<16xi32>
      %select_n3A_1204 = arith.select %lt3A_1200, %add3A_1203, %xor3A_1197 : vector<16xi1>, vector<16xi32>
      %broadcast_in_dim3A_1205 = vector.shape_cast %select_n3A_1204 : vector<16xi32> to vector<16x1xi32>
      %gather3A_1206 = vector.shape_cast %broadcast_in_dim3A_1205 : vector<16x1xi32> to vector<16xi32>
      %gather3A_1207 = tpu.dynamic_gather %add3A_1194[%gather3A_1206] in [0] : vector<16xf32>, vector<16xi32> -> vector<16xf32>
      %add3A_1208 = arith.addf %add3A_1194, %gather3A_1207 : vector<16xf32>
      %eq3A_1209 = arith.constant 14 : i32
      %eq3A_1210 = vector.broadcast %eq3A_1209 : i32 to vector<16xi32>
      %eq3A_1211 = arith.cmpi eq, %iota3A, %eq3A_1210 : vector<16xi32>
      %select_n3A_1212 = arith.select %eq3A_1211, %add3A_1208, %select_n3A_1152 : vector<16xi1>, vector<16xf32>
      %xor3A_1213 = arith.constant 8 : i32
      %xor3A_1214 = vector.broadcast %xor3A_1213 : i32 to vector<16xi32>
      %xor3A_1215 = arith.xori %iota3A, %xor3A_1214 : vector<16xi32>
      %lt3A_1216 = arith.constant 0 : i32
      %lt3A_1217 = vector.broadcast %lt3A_1216 : i32 to vector<16xi32>
      %lt3A_1218 = arith.cmpi slt, %xor3A_1215, %lt3A_1217 : vector<16xi32>
      %add3A_1219 = arith.constant 16 : i32
      %add3A_1220 = vector.broadcast %add3A_1219 : i32 to vector<16xi32>
      %add3A_1221 = arith.addi %xor3A_1215, %add3A_1220 : vector<16xi32>
      %select_n3A_1222 = arith.select %lt3A_1218, %add3A_1221, %xor3A_1215 : vector<16xi1>, vector<16xi32>
      %broadcast_in_dim3A_1223 = vector.shape_cast %select_n3A_1222 : vector<16xi32> to vector<16x1xi32>
      %gather3A_1224 = vector.shape_cast %broadcast_in_dim3A_1223 : vector<16x1xi32> to vector<16xi32>
      %gather3A_1225 = tpu.dynamic_gather %scan3A_1031#3[%gather3A_1224] in [0] : vector<16xf32>, vector<16xi32> -> vector<16xf32>
      %add3A_1226 = arith.addf %scan3A_1031#3, %gather3A_1225 : vector<16xf32>
      %xor3A_1227 = arith.constant 4 : i32
      %xor3A_1228 = vector.broadcast %xor3A_1227 : i32 to vector<16xi32>
      %xor3A_1229 = arith.xori %iota3A, %xor3A_1228 : vector<16xi32>
      %lt3A_1230 = arith.constant 0 : i32
      %lt3A_1231 = vector.broadcast %lt3A_1230 : i32 to vector<16xi32>
      %lt3A_1232 = arith.cmpi slt, %xor3A_1229, %lt3A_1231 : vector<16xi32>
      %add3A_1233 = arith.constant 16 : i32
      %add3A_1234 = vector.broadcast %add3A_1233 : i32 to vector<16xi32>
      %add3A_1235 = arith.addi %xor3A_1229, %add3A_1234 : vector<16xi32>
      %select_n3A_1236 = arith.select %lt3A_1232, %add3A_1235, %xor3A_1229 : vector<16xi1>, vector<16xi32>
      %broadcast_in_dim3A_1237 = vector.shape_cast %select_n3A_1236 : vector<16xi32> to vector<16x1xi32>
      %gather3A_1238 = vector.shape_cast %broadcast_in_dim3A_1237 : vector<16x1xi32> to vector<16xi32>
      %gather3A_1239 = tpu.dynamic_gather %add3A_1226[%gather3A_1238] in [0] : vector<16xf32>, vector<16xi32> -> vector<16xf32>
      %add3A_1240 = arith.addf %add3A_1226, %gather3A_1239 : vector<16xf32>
      %xor3A_1241 = arith.constant 2 : i32
      %xor3A_1242 = vector.broadcast %xor3A_1241 : i32 to vector<16xi32>
      %xor3A_1243 = arith.xori %iota3A, %xor3A_1242 : vector<16xi32>
      %lt3A_1244 = arith.constant 0 : i32
      %lt3A_1245 = vector.broadcast %lt3A_1244 : i32 to vector<16xi32>
      %lt3A_1246 = arith.cmpi slt, %xor3A_1243, %lt3A_1245 : vector<16xi32>
      %add3A_1247 = arith.constant 16 : i32
      %add3A_1248 = vector.broadcast %add3A_1247 : i32 to vector<16xi32>
      %add3A_1249 = arith.addi %xor3A_1243, %add3A_1248 : vector<16xi32>
      %select_n3A_1250 = arith.select %lt3A_1246, %add3A_1249, %xor3A_1243 : vector<16xi1>, vector<16xi32>
      %broadcast_in_dim3A_1251 = vector.shape_cast %select_n3A_1250 : vector<16xi32> to vector<16x1xi32>
      %gather3A_1252 = vector.shape_cast %broadcast_in_dim3A_1251 : vector<16x1xi32> to vector<16xi32>
      %gather3A_1253 = tpu.dynamic_gather %add3A_1240[%gather3A_1252] in [0] : vector<16xf32>, vector<16xi32> -> vector<16xf32>
      %add3A_1254 = arith.addf %add3A_1240, %gather3A_1253 : vector<16xf32>
      %xor3A_1255 = arith.constant 1 : i32
      %xor3A_1256 = vector.broadcast %xor3A_1255 : i32 to vector<16xi32>
      %xor3A_1257 = arith.xori %iota3A, %xor3A_1256 : vector<16xi32>
      %lt3A_1258 = arith.constant 0 : i32
      %lt3A_1259 = vector.broadcast %lt3A_1258 : i32 to vector<16xi32>
      %lt3A_1260 = arith.cmpi slt, %xor3A_1257, %lt3A_1259 : vector<16xi32>
      %add3A_1261 = arith.constant 16 : i32
      %add3A_1262 = vector.broadcast %add3A_1261 : i32 to vector<16xi32>
      %add3A_1263 = arith.addi %xor3A_1257, %add3A_1262 : vector<16xi32>
      %select_n3A_1264 = arith.select %lt3A_1260, %add3A_1263, %xor3A_1257 : vector<16xi1>, vector<16xi32>
      %broadcast_in_dim3A_1265 = vector.shape_cast %select_n3A_1264 : vector<16xi32> to vector<16x1xi32>
      %gather3A_1266 = vector.shape_cast %broadcast_in_dim3A_1265 : vector<16x1xi32> to vector<16xi32>
      %gather3A_1267 = tpu.dynamic_gather %add3A_1254[%gather3A_1266] in [0] : vector<16xf32>, vector<16xi32> -> vector<16xf32>
      %add3A_1268 = arith.addf %add3A_1254, %gather3A_1267 : vector<16xf32>
      %eq3A_1269 = arith.constant 15 : i32
      %eq3A_1270 = vector.broadcast %eq3A_1269 : i32 to vector<16xi32>
      %eq3A_1271 = arith.cmpi eq, %iota3A, %eq3A_1270 : vector<16xi32>
      %select_n3A_1272 = arith.select %eq3A_1271, %add3A_1268, %select_n3A_1212 : vector<16xi1>, vector<16xf32>
      %neg3A = arith.constant 0.000000e+00 : f32
      %neg3A_1273 = vector.broadcast %neg3A : f32 to vector<16xf32>
      %neg3A_1274 = arith.subf %neg3A_1273, %select_n3A_1272 : vector<16xf32>
      %div3A = arith.constant 5.000000e-01 : f32
      %div3A_1275 = vector.broadcast %div3A : f32 to vector<16xf32>
      %div3A_1276 = arith.divf %neg3A_1274, %div3A_1275 : vector<16xf32>
      %exp3A = math.exp %div3A_1276 : vector<16xf32>
      %mul3A_1277 = arith.mulf %get3A_38, %exp3A : vector<16xf32>
      %mul3A_1278 = arith.constant 16 : i32
      %mul3A_1279 = arith.muli %scan3A_18, %mul3A_1278 : i32
      %swap3A = arith.index_cast %mul3A_1279 : i32 to index
      %swap3A_1280 = tpu.vector_load %arg14[%swap3A] {strides = array<i32>} : memref<48xf32, #tpu.memory_space<vmem>>, vector<16xf32>,
      %swap3A_1281 = vector.shape_cast %swap3A_1280 : vector<16xf32> to vector<16xf32>
      %swap3A_1282 = vector.shape_cast %mul3A_1277 : vector<16xf32> to vector<16xf32>
      tpu.vector_store %arg14[%swap3A], %swap3A_1282 {strides = array<i32>} : memref<48xf32, #tpu.memory_space<vmem>>, vector<16xf32>,
    }
    %scan3A_15 = arith.constant 3 : i32
    %mul3A_16 = arith.constant 48 : i32
    %mul3A_17 = arith.muli %add3A, %mul3A_16 : i32
    "tpu.region"() ({
      %run_scoped3A = tpu.sem_alloc : memref<!tpu.dma_semaphore, #tpu.memory_space<semaphore_mem>>
      %dma_start3A = tpu.memref_slice %arg7[%mul3A_17] : memref<1536xf32, #tpu.memory_space<hbm>> -> memref<48xf32, #tpu.memory_space<hbm>>
      %dma_start3A_18 = tpu.memref_slice %arg7[%mul3A_17] : memref<1536xf32, #tpu.memory_space<hbm>> -> memref<48xf32, #tpu.memory_space<hbm>>
      tpu.enqueue_dma source(%arg14 : memref<48xf32, #tpu.memory_space<vmem>>) target(%dma_start3A_18 : memref<48xf32, #tpu.memory_space<hbm>>) target_semaphore(%run_scoped3A : memref<!tpu.dma_semaphore, #tpu.memory_space<semaphore_mem>>)
      %dma_wait3A = tpu.memref_slice %arg7[%mul3A_17] : memref<1536xf32, #tpu.memory_space<hbm>> -> memref<48xf32, #tpu.memory_space<hbm>>
      %dma_wait3A_19 = tpu.memref_slice %arg7[%mul3A_17] : memref<1536xf32, #tpu.memory_space<hbm>> -> memref<48xf32, #tpu.memory_space<hbm>>
      tpu.wait_dma2 semaphore(%run_scoped3A : memref<!tpu.dma_semaphore, #tpu.memory_space<semaphore_mem>>) src(%arg14 : memref<48xf32, #tpu.memory_space<vmem>>) dst(%dma_wait3A_19 : memref<48xf32, #tpu.memory_space<hbm>>)
      tpu.yield
    }) : () -> ()
    return
  }
}

module attributes {stable_mosaic.version = 14 : i64} {
  func.func @_tc_body(%arg0: i32, %arg1: i32, %arg2: memref<512x1xf32, #tpu.memory_space<vmem>>, %arg3: memref<512x1xf32, #tpu.memory_space<vmem>>, %arg4: memref<512x1xf32, #tpu.memory_space<vmem>>, %arg5: memref<512x1xf32, #tpu.memory_space<vmem>>, %arg6: memref<512x1xf32, #tpu.memory_space<vmem>>, %arg7: memref<1x2560xf32, #tpu.memory_space<vmem>>, %arg8: memref<1x2560xf32, #tpu.memory_space<vmem>>, %arg9: memref<1x2560xf32, #tpu.memory_space<vmem>>, %arg10: memref<1x2560xf32, #tpu.memory_space<vmem>>, %arg11: memref<1x2560xf32, #tpu.memory_space<vmem>>, %arg12: memref<512x1xf32, #tpu.memory_space<vmem>>) attributes {dimension_semantics = [#tpu.dimension_semantics<arbitrary>, #tpu.dimension_semantics<arbitrary>], iteration_bounds = array<i64: 7, 2>, scalar_prefetch = 0 : i64, scratch_operands = 0 : i64, tpu.core_type = #tpu.core_type<tc>, window_params = [{transform_indices = @transform_0, window_bounds = array<i64: 512, 1>}, {transform_indices = @transform_1, window_bounds = array<i64: 512, 1>}, {transform_indices = @transform_2, window_bounds = array<i64: 512, 1>}, {transform_indices = @transform_3, window_bounds = array<i64: 512, 1>}, {transform_indices = @transform_4, window_bounds = array<i64: 512, 1>}, {transform_indices = @transform_5, window_bounds = array<i64: 1, 2560>}, {transform_indices = @transform_6, window_bounds = array<i64: 1, 2560>}, {transform_indices = @transform_7, window_bounds = array<i64: 1, 2560>}, {transform_indices = @transform_8, window_bounds = array<i64: 1, 2560>}, {transform_indices = @transform_9, window_bounds = array<i64: 1, 2560>}, {transform_indices = @transform_10, window_bounds = array<i64: 512, 1>}]} {
    %eq3A = arith.constant 0 : i32
    %eq3A_0 = arith.cmpi eq, %arg1, %eq3A : i32
    %convert_element_type3A = arith.extui %eq3A_0 : i1 to i32
    %cond3A = arith.constant 0 : i32
    %cond3A_1 = arith.cmpi ne, %convert_element_type3A, %cond3A : i32
    scf.if %cond3A_1 {
      %broadcast_in_dim3A_76 = arith.constant 0.000000e+00 : f32
      %broadcast_in_dim3A_77 = vector.broadcast %broadcast_in_dim3A_76 : f32 to vector<512x1xf32>
      %swap3A_78 = arith.constant 0 : index
      %swap3A_79 = arith.constant 0 : index
      %swap3A_80 = vector.load %arg12[%swap3A_78, %swap3A_79] : memref<512x1xf32, #tpu.memory_space<vmem>>, vector<512x1xf32>
      tpu.vector_store %arg12[%swap3A_78, %swap3A_79], %broadcast_in_dim3A_77 {strides = array<i32>} : memref<512x1xf32, #tpu.memory_space<vmem>>, vector<512x1xf32>,
    } else {
    }
    %get3A = arith.constant 0 : index
    %get3A_2 = arith.constant 0 : index
    %get3A_3 = vector.load %arg2[%get3A, %get3A_2] : memref<512x1xf32, #tpu.memory_space<vmem>>, vector<512x1xf32>
    %get3A_4 = arith.constant 0 : index
    %get3A_5 = arith.constant 0 : index
    %get3A_6 = vector.load %arg3[%get3A_4, %get3A_5] : memref<512x1xf32, #tpu.memory_space<vmem>>, vector<512x1xf32>
    %get3A_7 = arith.constant 0 : index
    %get3A_8 = arith.constant 0 : index
    %get3A_9 = vector.load %arg4[%get3A_7, %get3A_8] : memref<512x1xf32, #tpu.memory_space<vmem>>, vector<512x1xf32>
    %get3A_10 = arith.constant 0 : index
    %get3A_11 = arith.constant 0 : index
    %get3A_12 = vector.load %arg5[%get3A_10, %get3A_11] : memref<512x1xf32, #tpu.memory_space<vmem>>, vector<512x1xf32>
    %get3A_13 = arith.constant 0 : index
    %get3A_14 = arith.constant 0 : index
    %get3A_15 = vector.load %arg6[%get3A_13, %get3A_14] : memref<512x1xf32, #tpu.memory_space<vmem>>, vector<512x1xf32>
    %get3A_16 = arith.constant 0 : index
    %get3A_17 = arith.constant 0 : index
    %get3A_18 = vector.load %arg7[%get3A_16, %get3A_17] : memref<1x2560xf32, #tpu.memory_space<vmem>>, vector<1x2560xf32>
    %get3A_19 = arith.constant 0 : index
    %get3A_20 = arith.constant 0 : index
    %get3A_21 = vector.load %arg8[%get3A_19, %get3A_20] : memref<1x2560xf32, #tpu.memory_space<vmem>>, vector<1x2560xf32>
    %get3A_22 = arith.constant 0 : index
    %get3A_23 = arith.constant 0 : index
    %get3A_24 = vector.load %arg9[%get3A_22, %get3A_23] : memref<1x2560xf32, #tpu.memory_space<vmem>>, vector<1x2560xf32>
    %get3A_25 = arith.constant 0 : index
    %get3A_26 = arith.constant 0 : index
    %get3A_27 = vector.load %arg10[%get3A_25, %get3A_26] : memref<1x2560xf32, #tpu.memory_space<vmem>>, vector<1x2560xf32>
    %get3A_28 = arith.constant 0 : index
    %get3A_29 = arith.constant 0 : index
    %get3A_30 = vector.load %arg11[%get3A_28, %get3A_29] : memref<1x2560xf32, #tpu.memory_space<vmem>>, vector<1x2560xf32>
    %sub3A = arith.subf %get3A_9, %get3A_3 : vector<512x1xf32>
    %sub3A_31 = arith.subf %get3A_12, %get3A_6 : vector<512x1xf32>
    %mul3A = arith.mulf %sub3A, %sub3A_31 : vector<512x1xf32>
    %add3A = arith.constant 9.99999993E-9 : f32
    %add3A_32 = vector.broadcast %add3A : f32 to vector<512x1xf32>
    %add3A_33 = arith.addf %mul3A, %add3A_32 : vector<512x1xf32>
    %sub3A_34 = arith.subf %get3A_24, %get3A_18 : vector<1x2560xf32>
    %sub3A_35 = arith.subf %get3A_27, %get3A_21 : vector<1x2560xf32>
    %mul3A_36 = arith.mulf %sub3A_34, %sub3A_35 : vector<1x2560xf32>
    %max3A = vector.broadcast %get3A_3 : vector<512x1xf32> to vector<512x2560xf32>
    %max3A_37 = vector.broadcast %get3A_18 : vector<1x2560xf32> to vector<512x2560xf32>
    %max3A_38 = arith.maximumf %max3A, %max3A_37 : vector<512x2560xf32>
    %max3A_39 = vector.broadcast %get3A_6 : vector<512x1xf32> to vector<512x2560xf32>
    %max3A_40 = vector.broadcast %get3A_21 : vector<1x2560xf32> to vector<512x2560xf32>
    %max3A_41 = arith.maximumf %max3A_39, %max3A_40 : vector<512x2560xf32>
    %min3A = vector.broadcast %get3A_9 : vector<512x1xf32> to vector<512x2560xf32>
    %min3A_42 = vector.broadcast %get3A_24 : vector<1x2560xf32> to vector<512x2560xf32>
    %min3A_43 = arith.minimumf %min3A, %min3A_42 : vector<512x2560xf32>
    %min3A_44 = vector.broadcast %get3A_12 : vector<512x1xf32> to vector<512x2560xf32>
    %min3A_45 = vector.broadcast %get3A_27 : vector<1x2560xf32> to vector<512x2560xf32>
    %min3A_46 = arith.minimumf %min3A_44, %min3A_45 : vector<512x2560xf32>
    %sub3A_47 = arith.subf %min3A_43, %max3A_38 : vector<512x2560xf32>
    %max3A_48 = arith.constant 0.000000e+00 : f32
    %max3A_49 = vector.broadcast %max3A_48 : f32 to vector<512x2560xf32>
    %max3A_50 = arith.maximumf %sub3A_47, %max3A_49 : vector<512x2560xf32>
    %sub3A_51 = arith.subf %min3A_46, %max3A_41 : vector<512x2560xf32>
    %max3A_52 = arith.constant 0.000000e+00 : f32
    %max3A_53 = vector.broadcast %max3A_52 : f32 to vector<512x2560xf32>
    %max3A_54 = arith.maximumf %sub3A_51, %max3A_53 : vector<512x2560xf32>
    %mul3A_55 = arith.mulf %max3A_50, %max3A_54 : vector<512x2560xf32>
    %add3A_56 = vector.broadcast %add3A_33 : vector<512x1xf32> to vector<512x2560xf32>
    %add3A_57 = vector.broadcast %mul3A_36 : vector<1x2560xf32> to vector<512x2560xf32>
    %add3A_58 = arith.addf %add3A_56, %add3A_57 : vector<512x2560xf32>
    %sub3A_59 = arith.subf %add3A_58, %mul3A_55 : vector<512x2560xf32>
    %div3A = arith.divf %mul3A_55, %sub3A_59 : vector<512x2560xf32>
    %mul3A_60 = arith.mulf %div3A, %div3A : vector<512x2560xf32>
    %gt3A = vector.broadcast %get3A_30 : vector<1x2560xf32> to vector<512x2560xf32>
    %gt3A_61 = vector.broadcast %get3A_15 : vector<512x1xf32> to vector<512x2560xf32>
    %gt3A_62 = arith.cmpf ogt, %gt3A, %gt3A_61 : vector<512x2560xf32>
    %jit3A = arith.constant 0.000000e+00 : f32
    %broadcast_in_dim3A = vector.broadcast %jit3A : f32 to vector<512x2560xf32>
    %select_n3A = arith.select %gt3A_62, %mul3A_60, %broadcast_in_dim3A : vector<512x2560xi1>, vector<512x2560xf32>
    %get3A_63 = arith.constant 0 : index
    %get3A_64 = arith.constant 0 : index
    %get3A_65 = vector.load %arg12[%get3A_63, %get3A_64] : memref<512x1xf32, #tpu.memory_space<vmem>>, vector<512x1xf32>
    %reduce_sum3A = arith.constant dense<0.000000e+00> : vector<512xf32>
    %reduce_sum3A_66 = vector.multi_reduction <add>, %select_n3A, %reduce_sum3A [1] : vector<512x2560xf32> to vector<512xf32>
    %broadcast_in_dim3A_67 = vector.shape_cast %reduce_sum3A_66 : vector<512xf32> to vector<512x1xf32>
    %add3A_68 = arith.addf %get3A_65, %broadcast_in_dim3A_67 : vector<512x1xf32>
    %swap3A = arith.constant 0 : index
    %swap3A_69 = arith.constant 0 : index
    %swap3A_70 = vector.load %arg12[%swap3A, %swap3A_69] : memref<512x1xf32, #tpu.memory_space<vmem>>, vector<512x1xf32>
    tpu.vector_store %arg12[%swap3A, %swap3A_69], %add3A_68 {strides = array<i32>} : memref<512x1xf32, #tpu.memory_space<vmem>>, vector<512x1xf32>,
    %eq3A_71 = arith.constant 1 : i32
    %eq3A_72 = arith.cmpi eq, %arg1, %eq3A_71 : i32
    %convert_element_type3A_73 = arith.extui %eq3A_72 : i1 to i32
    %cond3A_74 = arith.constant 0 : i32
    %cond3A_75 = arith.cmpi ne, %convert_element_type3A_73, %cond3A_74 : i32
    scf.if %cond3A_75 {
      %get3A_76 = arith.constant 0 : index
      %get3A_77 = arith.constant 0 : index
      %get3A_78 = vector.load %arg12[%get3A_76, %get3A_77] : memref<512x1xf32, #tpu.memory_space<vmem>>, vector<512x1xf32>
      %neg3A = arith.constant 0.000000e+00 : f32
      %neg3A_79 = vector.broadcast %neg3A : f32 to vector<512x1xf32>
      %neg3A_80 = arith.subf %neg3A_79, %get3A_78 : vector<512x1xf32>
      %div3A_81 = arith.constant 5.000000e-01 : f32
      %div3A_82 = vector.broadcast %div3A_81 : f32 to vector<512x1xf32>
      %div3A_83 = arith.divf %neg3A_80, %div3A_82 : vector<512x1xf32>
      %exp3A = math.exp %div3A_83 : vector<512x1xf32>
      %mul3A_84 = arith.mulf %get3A_15, %exp3A : vector<512x1xf32>
      %swap3A_85 = arith.constant 0 : index
      %swap3A_86 = arith.constant 0 : index
      %swap3A_87 = vector.load %arg12[%swap3A_85, %swap3A_86] : memref<512x1xf32, #tpu.memory_space<vmem>>, vector<512x1xf32>
      tpu.vector_store %arg12[%swap3A_85, %swap3A_86], %mul3A_84 {strides = array<i32>} : memref<512x1xf32, #tpu.memory_space<vmem>>, vector<512x1xf32>,
    } else {
    }
    return
  }
  func.func @transform_0(%arg0: i32, %arg1: i32) -> (i32, i32) {
    %c0_i32 = arith.constant 0 : i32
    %c0_i32_0 = arith.constant 0 : i32
    return %arg0, %c0_i32 : i32, i32
  }
  func.func @transform_1(%arg0: i32, %arg1: i32) -> (i32, i32) {
    %c0_i32 = arith.constant 0 : i32
    %c0_i32_0 = arith.constant 0 : i32
    return %arg0, %c0_i32 : i32, i32
  }
  func.func @transform_2(%arg0: i32, %arg1: i32) -> (i32, i32) {
    %c0_i32 = arith.constant 0 : i32
    %c0_i32_0 = arith.constant 0 : i32
    return %arg0, %c0_i32 : i32, i32
  }
  func.func @transform_3(%arg0: i32, %arg1: i32) -> (i32, i32) {
    %c0_i32 = arith.constant 0 : i32
    %c0_i32_0 = arith.constant 0 : i32
    return %arg0, %c0_i32 : i32, i32
  }
  func.func @transform_4(%arg0: i32, %arg1: i32) -> (i32, i32) {
    %c0_i32 = arith.constant 0 : i32
    %c0_i32_0 = arith.constant 0 : i32
    return %arg0, %c0_i32 : i32, i32
  }
  func.func @transform_5(%arg0: i32, %arg1: i32) -> (i32, i32) {
    %c0_i32 = arith.constant 0 : i32
    %c0_i32_0 = arith.constant 0 : i32
    return %c0_i32, %arg1 : i32, i32
  }
  func.func @transform_6(%arg0: i32, %arg1: i32) -> (i32, i32) {
    %c0_i32 = arith.constant 0 : i32
    %c0_i32_0 = arith.constant 0 : i32
    return %c0_i32, %arg1 : i32, i32
  }
  func.func @transform_7(%arg0: i32, %arg1: i32) -> (i32, i32) {
    %c0_i32 = arith.constant 0 : i32
    %c0_i32_0 = arith.constant 0 : i32
    return %c0_i32, %arg1 : i32, i32
  }
  func.func @transform_8(%arg0: i32, %arg1: i32) -> (i32, i32) {
    %c0_i32 = arith.constant 0 : i32
    %c0_i32_0 = arith.constant 0 : i32
    return %c0_i32, %arg1 : i32, i32
  }
  func.func @transform_9(%arg0: i32, %arg1: i32) -> (i32, i32) {
    %c0_i32 = arith.constant 0 : i32
    %c0_i32_0 = arith.constant 0 : i32
    return %c0_i32, %arg1 : i32, i32
  }
  func.func @transform_10(%arg0: i32, %arg1: i32) -> (i32, i32) {
    %c0_i32 = arith.constant 0 : i32
    %c0_i32_0 = arith.constant 0 : i32
    return %arg0, %c0_i32 : i32, i32
  }
}

</mosaic_0001>

<sc_bundles>
// kernel: kernel.4.cloned.1.call-start
scs
__scs_entry_jumppad:
0x0: {  	(pc) =	sbr.rel $0x88, $3  }
0x1: {  	(tag) =	ssettag $0x0;
	lr =	simm.s32 $0x1  }
0x2: {  	[smem:$0x3F9F] =	sst lr;
	_ =	strace $0xD0000000  }
0x3: {  	_ = 	snop  }
0x4: {  	_ = 	snop  }
0x5: {  	_ = 	snop  }
0x6: {  	_ = 	snop  }
0x7: {  	_ = 	snop  }
__scs_overlays_trampoline_lowered:
0x8: {  	[smem:$0x3FAE] =	sst s0  }
0x9: {  	[smem:$0x3FAF] =	sst s1  }
0xa: {  	[smem:$0x3FB0] =	sst s2  }
0xb: {  	[smem:$0x3FB1] =	sst s3  }
0xc: {  	[smem:$0x3FB2] =	sst s4  }
0xd: {  	[smem:$0x3FB3] =	sst s5  }
0xe: {  	[smem:$0x3FB4] =	sst s6  }
0xf: {  	[smem:$0x3FB5] =	sst s7  }
0x10: {  	[smem:$0x3FB6] =	sst s8  }
0x11: {  	[smem:$0x3FB7] =	sst s9;
	s0 =	simm.s32 @!p0 $0x0  }
0x12: {  	s1 =	sld [smem:$0x3F9D];
	s0 =	simm.s32 @p0 $0x1  }
0x13: {  	[smem:$0x3FB8] =	sst s0;
	s0 =	simm.s32 @!p1 $0x0  }
0x14: {  	s2 =	sld [smem:$0x3F9C];
	s0 =	simm.s32 @p1 $0x1  }
0x15: {  	[smem:$0x3FB9] =	sst s0;
	s0 =	simm.s32 @!p2 $0x0  }
0x16: {  	s3 =	sld [smem:$0x3FDB];
	s0 =	simm.s32 @p2 $0x1  }
0x17: {  	s4 =	simm.s32 $0x1BF5;
	[smem:$0x3FBB] =	sst s0  }
0x18: {  	s0 =	sld [smem:$0x3F9E];
	_ =	swait.ge [sflag:s4], $0x0  }
0x19: {  	s7 =	sld [smem:$0x3F9F]  }
0x1a: {  	s8 =	sadd.s32 $0xFFFFE003, lr  }
0x1b: {  	s9 =	sadd.s32 $0xFFFFFEF7, lr;
	s5 =	simm.s32 $0xFFFFFFFF;
	p2 =	slt.u32 s8, $0xFFFFF086  }
0x1c: {  	p1 =	slt.u32 s9, $0xF7A;
	s5 =	simm.s32 @!p2 $0x0  }
0x1d: {  	s5 =	simm.s32 @p1 $0x1;
	p0 =	seq.s32 s7, s2  }
0x1e: {  	s7 =	smul.u32 @!p0 $0xF7A, s2;
	p2 =	seq.s32 @!p0 s5, $0x0  }
0x1f: {  	s9 =	smul.u32 $0xF7A, s1;
	s8 =	simm.s32 @!p0 $0x1BF5;
	p2 =	por !p2, p0  }
0x20: {  	[sflag:s8] =	ssyncset.s32 @!p0 $0xFFFFF086;
	s6 =	sadd.s32 @!p0 s3, s7;
	s7 =	simm.s32 @!p0 $0x108  }
0x21: {  	s3 =	sadd.s32 s3, s9;
	s6 =	sadd.s32 @!p0 $0x88, s6;
	s7 =	simm.s32 @p2 $0x1082  }
0x22: {  	[simem:s7], [sflag:s8] =	dma.local @!p0 [hbm:s6], $0xF7A  }
0x23: {  	s9 =	sor.u32 $0xD0000000, s2;
	s6 =	simm.s32 $0x108;
	_ =	swait.ge @!p0 [sflag:s8], $0x0  }
0x24: {  	s3 =	sadd.s32 $0x88, s3;
	s6 =	simm.s32 @!p1 $0x1082;
	[sflag:s4] =	ssyncset.s32 $0xFFFFF086  }
0x25: {  	[simem:s6], [sflag:s4] =	dma.local [hbm:s3], $0xF7A  }
0x26: {  	[smem:$0x3F9F] =	sst s1;
	(tag) =	ssettag s2;
	_ =	strace s9  }
0x27: {  	s1 =	sld [smem:$0x3FAF]  }
0x28: {  	s2 =	sld [smem:$0x3FB0]  }
0x29: {  	s4 =	sld [smem:$0x3FB2]  }
0x2a: {  	p0 =	seq.s32 s5, $0x0;
	s5 =	sld [smem:$0x3FB3]  }
0x2b: {  	s6 =	sld [smem:$0x3FB4]  }
0x2c: {  	s7 =	sld [smem:$0x3FB5]  }
0x2d: {  	s3 =	simm.s32 $0x108;
	s8 =	sld [smem:$0x3FB6]  }
0x2e: {  	s3 =	simm.s32 @!p0 $0x1082;
	s9 =	sld [smem:$0x3FB7]  }
0x2f: {  	lr =	sadd.s32 s0, s3;
	s0 =	sld [smem:$0x3FAE]  }
0x30: {  	s3 =	sld [smem:$0x3FB1]  }
0x31: {  	[smem:$0x3FBA] =	sst s10  }
0x32: {  	s10 =	sld [smem:$0x3FB8];
	_ =	sdelay $0x3  }
0x33: {  	p0 =	seq.s32 s10, $0x1;
	s10 =	sld [smem:$0x3FBA];
	_ =	sdelay $0x3  }
0x34: {  	[smem:$0x3FBA] =	sst s10  }
0x35: {  	s10 =	sld [smem:$0x3FB9];
	_ =	sdelay $0x3  }
0x36: {  	p1 =	seq.s32 s10, $0x1;
	s10 =	sld [smem:$0x3FBA];
	_ =	sdelay $0x3  }
0x37: {  	[smem:$0x3FBA] =	sst s10  }
0x38: {  	s10 =	sld [smem:$0x3FBB]  }
0x39: {  	_ = 	snop;
	(pc) =	sbr.ind lr, $3  }
0x3a: {  	_ = 	snop  }
0x3b: {  	_ = 	snop  }
0x3c: {  	p2 =	seq.s32 s10, $0x1;
	s10 =	sld [smem:$0x3FBA]  }
0x3d: {  	_ =	shalt  }
0x3e: {  	_ =	shalt  }
0x3f: {  	_ =	shalt  }
0x40: {  	_ =	shalt  }
0x41: {  	_ =	shalt  }
0x42: {  	_ =	shalt  }
0x43: {  	_ =	shalt  }
0x44: {  	_ =	shalt  }
0x45: {  	_ =	shalt  }
0x46: {  	_ =	shalt  }
0x47: {  	_ =	shalt  }
0x48: {  	_ =	shalt  }
0x49: {  	_ =	shalt  }
0x4a: {  	_ =	shalt  }
0x4b: {  	_ =	shalt  }
0x4c: {  	_ =	shalt  }
0x4d: {  	_ =	shalt  }
0x4e: {  	_ =	shalt  }
0x4f: {  	_ =	shalt  }
0x50: {  	_ =	shalt  }
0x51: {  	_ =	shalt  }
0x52: {  	_ =	shalt  }
0x53: {  	_ =	shalt  }
0x54: {  	_ =	shalt  }
0x55: {  	_ =	shalt  }
0x56: {  	_ =	shalt  }
0x57: {  	_ =	shalt  }
0x58: {  	_ =	shalt  }
0x59: {  	_ =	shalt  }
0x5a: {  	_ =	shalt  }
0x5b: {  	_ =	shalt  }
0x5c: {  	_ =	shalt  }
0x5d: {  	_ =	shalt  }
0x5e: {  	_ =	shalt  }
0x5f: {  	_ =	shalt  }
0x60: {  	_ =	shalt  }
0x61: {  	_ =	shalt  }
0x62: {  	_ =	shalt  }
0x63: {  	_ =	shalt  }
0x64: {  	_ =	shalt  }
0x65: {  	_ =	shalt  }
0x66: {  	_ =	shalt  }
0x67: {  	_ =	shalt  }
0x68: {  	_ =	shalt  }
0x69: {  	_ =	shalt  }
0x6a: {  	_ =	shalt  }
0x6b: {  	_ =	shalt  }
0x6c: {  	_ =	shalt  }
0x6d: {  	_ =	shalt  }
0x6e: {  	_ =	shalt  }
0x6f: {  	_ =	shalt  }
0x70: {  	_ =	shalt  }
0x71: {  	_ =	shalt  }
0x72: {  	_ =	shalt  }
0x73: {  	_ =	shalt  }
0x74: {  	_ =	shalt  }
0x75: {  	_ =	shalt  }
0x76: {  	_ =	shalt  }
0x77: {  	_ =	shalt  }
0x78: {  	_ =	shalt  }
0x79: {  	_ =	shalt  }
0x7a: {  	_ =	shalt  }
0x7b: {  	_ =	shalt  }
0x7c: {  	_ =	shalt  }
0x7d: {  	_ =	shalt  }
0x7e: {  	_ =	shalt  }
0x7f: {  	_ =	shalt  }
0x80: {  	_ =	shalt  }
0x81: {  	_ =	shalt  }
0x82: {  	_ =	shalt  }
0x83: {  	_ =	shalt  }
0x84: {  	_ =	shalt  }
0x85: {  	_ =	shalt  }
0x86: {  	_ =	shalt  }
0x87: {  	_ =	shalt  }
.Lfunc_end0:
.L_simem_size_0:
called_computation_lowered:
.L_overlay_start_0:
0x88: {  	s2 =	sld [smem:$0x3FD9]  }
0x89: {  	s3 =	sld [smem:$0x3FFE];
	_ =	sdelay $0x1  }
0x8a: {  	s1 =	srdreg.scid  }
0x8b: {  	s0 =	sand.u32 $0x1, s1  }
0x8c: {  	s14 =	sshll.u32 s0, $0xA;
	s2 =	sadd.s32 s3, s2  }
0x8d: {  	s2 =	sadd.s32 s2, s14  }
0x8e: {  	[smem:$0x3FC6] =	sst s2  }
0x8f: {  	_ = 	snop  }
0x90: {  	s2 =	sld [smem:$0x3FD0];
	_ =	sdelay $0x2  }
0x91: {  	s15 =	simm.s32 $0xA;
	s4 =	simm.s32 $0x10  }
0x92: {  	[smem:s4], [sflag:s15] =	dma.local [hbm:s2], $0x1  }
0x93: {  	_ =	swait.eq [sflag:s15], $0x1  }
0x94: {  	[sflag:s15] =	ssyncset.done $0x0  }
0x95: {  	[sflag:s15] =	ssyncadd.s32 $0xFFFFFFFF  }
0x96: {  	s16 =	sld [smem:$0x10];
	(tm) =	ssettm $0x1  }
0x97: {  	s17 =	sld [smem:$0x3FFB];
	_ =	sdelay $0x3  }
0x98: {  	_ =	strace s17  }
0x99: {  	s3 =	sld [smem:$0x3FFC];
	_ =	sdelay $0x3  }
0x9a: {  	_ =	strace s3  }
0x9b: {  	s3 =	sld [smem:$0x3FFD];
	_ =	sdelay $0x3  }
0x9c: {  	_ =	strace s3  }
0x9d: {  	_ =	strace $0x8FFFFFFF  }
0x9e: {  	s18 =	sld [smem:$0x3FDB];
	_ =	sdelay $0x1  }
0x9f: {  	s19 =	simm.s32 $_scs_section_size  }
0xa0: {  	s5 =	simm.s32 $_size__tile_overlayer_lowered;
	s6 =	simm.s32 $_tile_overlayer_lowered  }
0xa1: {  	s22 =	simm.s32 $0x1BFF;
	s21 =	sshll.u32 s6, $0x1;
	s3 =	sadd.s32 s19, s18  }
0xa2: {  	s7 =	simm.s32 $0x0;
	s20 =	sshll.u32 s5, $0x1;
	s5 =	sadd.s32 s21, s3  }
0xa3: {  	[timem:s7], [sflag:s22] =	dma.local [hbm:s5], s20  }
0xa4: {  	_ =	swait.ge [sflag:s22], s20  }
0xa5: {  	s4 =	ssub.s32 $0x0, s20;
	[sflag:s22] =	ssyncset.done $0x0  }
0xa6: {  	[sflag:s22] =	ssyncadd.s32 s4;
	_ =	sdelay $0x1  }
0xa7: {  	s23 =	simm.s32 $0x1B8B  }
0xa8: {  	_ =	swait.ge [sflag:s23], $0x1  }
0xa9: {  	[sflag:s23] =	ssyncset.done $0x0  }
0xaa: {  	s25 =	simm.s32 $0x1B8E;
	s24 =	sld [smem:$0x3FFE];
	[sflag:s23] =	ssyncadd.s32 $0xFFFFFFFF  }
0xab: {  	s26 =	simm.s32 $execute0_lowered;
	[smem:$0x3FD2] =	sst s25  }
0xac: {  	s5 =	sshll.u32 s26, $0x1;
	_ =	strace $0x80000046;
	[dreg:$0x1] =	wrdreg $0xFFFFFFFF  }
0xad: {  	s28 =	simm.s32 $_size_execute0_lowered;
	s3 =	sadd.s32 s3, s5;
	[dreg:$0x0] =	wrdreg $0x0  }
0xae: {  	s5 =	sshll.u32 s28, $0x1;
	[dreg:$0x2] =	wrdreg s3  }
0xaf: {  	[dreg:$0x3] =	wrdreg s5  }
0xb0: {  	[dreg:$0x4] =	wrdreg $0xC0  }
0xb1: {  	_ =	task [dreg:s7], $0x5FFFF  }
0xb2: {  	[dreg:$0x1] =	wrdreg $0xFFFFFFFF  }
0xb3: {  	[dreg:$0x0] =	wrdreg $0x60  }
0xb4: {  	[dreg:$0x2] =	wrdreg s16  }
0xb5: {  	[dreg:$0x3] =	wrdreg s24  }
0xb6: {  	[dreg:$0x4] =	wrdreg $0x9  }
0xb7: {  	_ =	task.clear_ibuf [dreg:s7], $0x5FFFF;
	_ =	strace $0x90000046  }
0xb8: {  	s29 =	simm.s32 $0x9;
	_ =	strace $0x80000048  }
0xb9: {  	_ =	swait.ge [sflag:s29], $0x1  }
0xba: {  	[sflag:s29] =	ssyncadd.s32 $0xFFFFFFFF  }
0xbb: {  	_ =	strace $0x90000048  }
0xbc: {  	_ =	sfence  }
0xbd: {  	s30 =	sld [smem:$0x0];
	_ =	sdelay $0x2  }
0xbe: {  	s31 =	sshll.u32 s1, $0xD;
	s1 =	sshrl.u32 s1, $0x2  }
0xbf: {  	s3 =	sand.u32 $0x4000, s31;
	s1 =	sadd.s32 s1, s30  }
0xc0: {  	s0 =	sor.u32 s3, s0;
	s1 =	sshll.u32 s1, $0x11  }
0xc1: {  	s0 =	sor.u32 s1, s0  }
0xc2: {  	s0 =	sadd.s32 $0x8F2B, s0  }
0xc3: {  	[sflag:s0] =	ssyncadd.remote.s32 $0x1  }
0xc4: {  	_ =	sfence.sel $0xFFFF  }
0xc5: {  	[dreg:$0x0] =	wrdreg $0xFFFFFFFF;
	(pc) =	sbr.abs _section_cstart, $3  }
0xc6: {  	[dreg:$0x1] =	wrdreg $0xFFFFFFFF  }
0xc7: {  	_ =	task.clear_ibuf [dreg:s7], $0x2FFFF;
	_ =	strace $0x9FFFFFFF  }
0xc8: {  	(tm) =	ssettm $0x7FFFFFFF  }
0xc9: {  	_ =	shalt  }
tec
execute0_lowered:
.L_overlay_start_1:
0x0: {  	(tag) =	ssettag $0x1  }
0x1: {  	s1 =	rddreg [dreg:$0x0]  }
0x2: {  	s2 =	rddreg [dreg:$0x1];
	s3 =	simm.s32 $0x0  }
0x3: {  	v0 =	vimm.s32 $0xFEDCBA98;
	[smem:$0x7FF] =	sst s3  }
0x4: {  	s0 =	rddreg [dreg:$0x2];
	v1 =	vimm.f32 $5.000000000e-01;
	v2 =	vimm.s32 $0x76543210;
	v3 =	vimm.s32 $0x32107654;
	_ =	strace $0x80000047  }
0x5: {  	(erf) = vrcp.f32 v1;
	v1 =	vunpack.c.l.s4.s8 v2;
	v2 =	vimm.s32 $0xBA98FEDC  }
0x6: {  	v4 =	vimm.s32 $0xDCFE98BA;
	v3 =	vunpack.c.l.s4.s8 v3;
	v2 =	vunpack.c.l.s4.s8 v2  }
0x7: {  	v5 =	vimm.s32 $0x54761032;
	v6 =	vimm.s32 $0xEFCDAB89;
	v7 =	vimm.s32 $0x67452301  }
0x8: {  	v0 =	vunpack.c.l.s4.s8 v0;
	v3 =	vunpack.c.0.s8.s32 v3;
	v2 =	vunpack.c.0.s8.s32 v2  }
0x9: {  	s5 =	srdreg.scid;
	s4 =	stileid.u32;
	s12 =	simm.s32 $0x2800;
	v4 =	vunpack.c.l.s4.s8 v4;
	v5 =	vunpack.c.l.s4.s8 v5;
	v6 =	vunpack.c.l.s4.s8 v6  }
0xa: {  	s13 =	simm.s32 $0x3C00;
	s7 =	sand.u32 $0x1, s5;
	s31 =	sshll.u32 s4, $0x1;
	v7 =	vunpack.c.l.s4.s8 v7;
	v0 =	vunpack.c.0.s8.s32 v0;
	v2 =	vcombine.low v3, v2  }
0xb: {  	s14 =	simm.s32 $0x5000;
	s15 =	simm.s32 $0x7800;
	s5 =	sor.u32 s7, s31;
	v4 =	vunpack.c.0.s8.s32 v4;
	v5 =	vunpack.c.0.s8.s32 v5;
	v1 =	vunpack.c.0.s8.s32 v1  }
0xc: {  	s6 =	sadd.s32 $0x800, s2;
	s9 =	ssub.s32 $0x2, s7;
	s8 =	smul.u32 $0x30, s5;
	v6 =	vunpack.c.0.s8.s32 v6;
	v7 =	vunpack.c.0.s8.s32 v7;
	v0 =	vand.u32 $0xF, v0  }
0xd: {  	s7 =	sadd.s32 $0xC00, s2;
	s5 =	sadd.s32 $0x400, s2;
	s11 =	sshrl.u32 s9, $0x1;
	v0 =	vcombine.low v0, v1  }
0xe: {  	s9 =	ssub.s32 s9, s11;
	s10 =	sshrl.u32 s8, $0x3;
	s16 =	sadd.s32 $0xE00, s8;
	v3 =	vcombine.low v5, v4;
	v4 =	vcombine.low v7, v6;
	v1 =	vand.u32 $0xF, v2;
	v2 =	vpop (erf)  }
0xf: {  	s11 =	simm.s32 $0x1400;
	s9 =	smax.u32 s9, $0x1;
	s10 =	sadd.s32 s10, s2;
	[tilespmem:$0x1FFE0] =	vst v2;
	v2 =	vmov s16  }
0x10: {  	s8 =	sadd.s32 $0x1000, s10;
	s10 =	simm.s32 $0x1;
	v3 =	vand.u32 $0xF, v3;
	v4 =	vand.u32 $0xF, v4;
	s16 =	simm.s32 $0x0;
	[tilespmem:$0x1FFF0] =	vst v2  }
.LBB2_1:
0x11: {  	[tilespmem:s3], [sflag:$0x1] =	stream.linear.gather [hbm4b:s1+s3], $0x1400, $0x38;
	[tilespmem:$0x7880] =	vst v63  }
0x12: {  	_ =	swait.ge [sflag:s10], $0x1400  }
0x13: {  	[sflag:s10] =	ssyncset.done $0x0  }
0x14: {  	[sflag:s10] =	ssyncadd.s32 $0xFFFFEC00  }
0x15: {  	[tilespmem:s11], [sflag:$0x1] =	stream.linear.gather [hbm4b:s2+s3], $0x1400, $0x38;
	[tilespmem:$0x7880] =	vst v63  }
0x16: {  	_ =	swait.ge [sflag:s10], $0x1400  }
0x17: {  	[sflag:s10] =	ssyncset.done $0x0  }
0x18: {  	[sflag:s10] =	ssyncadd.s32 $0xFFFFEC00  }
0x19: {  	[tilespmem:s12], [sflag:$0x1] =	stream.linear.gather [hbm4b:s5+s3], $0x1400, $0x38;
	[tilespmem:$0x7880] =	vst v63  }
0x1a: {  	_ =	swait.ge [sflag:s10], $0x1400  }
0x1b: {  	[sflag:s10] =	ssyncset.done $0x0  }
0x1c: {  	[sflag:s10] =	ssyncadd.s32 $0xFFFFEC00  }
0x1d: {  	[tilespmem:s13], [sflag:$0x1] =	stream.linear.gather [hbm4b:s6+s3], $0x1400, $0x38;
	[tilespmem:$0x7880] =	vst v63  }
0x1e: {  	_ =	swait.ge [sflag:s10], $0x1400  }
0x1f: {  	[sflag:s10] =	ssyncset.done $0x0  }
0x20: {  	[sflag:s10] =	ssyncadd.s32 $0xFFFFEC00  }
0x21: {  	[tilespmem:s14], [sflag:$0x1] =	stream.linear.gather [hbm4b:s7+s3], $0x1400, $0x38;
	[tilespmem:$0x7880] =	vst v63  }
0x22: {  	_ =	swait.ge [sflag:s10], $0x1400  }
0x23: {  	[sflag:s10] =	ssyncset.done $0x0  }
0x24: {  	s17 =	simm.s32 $0x0;
	[sflag:s10] =	ssyncadd.s32 $0xFFFFEC00  }
0x25: {  	v7 =	vld [tilespmem:s17+$0x2800]  }
0x26: {  	v8 =	vld [tilespmem:s17+$0x0]  }
0x27: {  	v9 =	vld [tilespmem:s17+$0x3C00]  }
0x28: {  	v10 =	vld [tilespmem:s17+$0x1400];
	_ =	sdelay $0x1  }
0x29: {  	s18 =	simm.s32 $0x10  }
0x2a: {  	v2 =	vld [tilespmem:s18+$0x2800]  }
0x2b: {  	v6 =	vld [tilespmem:s18+$0x0]  }
0x2c: {  	v11 =	vsub.f32 v7, v8;
	v9 =	vsub.f32 v9, v10;
	v7 =	vld [tilespmem:s18+$0x3C00]  }
0x2d: {  	v8 =	vld [tilespmem:s18+$0x1400]  }
0x2e: {  	s19 =	simm.s32 $0x80;
	v9 =	vmul.f32 v9, v11  }
.LBB2_2:
0x2f: {  	s20 =	sshra.s32 s19, $0x2;
	v10 =	vmov v2;
	p0 =	sne.s32 s19, $0x4FC0  }
.Ltmp0:
0x30: {  	v2 =	vld [tilespmem:s20+$0x2800];
	[tilespmem:s17+$0x6400] =	vst v9;
	v9 =	vmov v6;
	s17 =	smov.u32 s18;
	(pc) =	sbr.rel @p0 .LBB2_2-.Ltmp0, $4  }
0x31: {  	s18 =	smov.u32 s20;
	v6 =	vld [tilespmem:s20+$0x0]  }
0x32: {  	s19 =	sadd.s32 $0x40, s19;
	v9 =	vsub.f32 v10, v9;
	v10 =	vsub.f32 v7, v8;
	v7 =	vld [tilespmem:s18+$0x3C00]  }
0x33: {  	v8 =	vld [tilespmem:s18+$0x1400]  }
0x34: {  	v9 =	vmul.f32 v10, v9  }
0x35: {  	_ =	sdelay $0x2  }
0x36: {  	v2 =	vsub.f32 v2, v6;
	v6 =	vsub.f32 v7, v8;
	_ =	sdelay $0x1  }
0x37: {  	v2 =	vmul.f32 v6, v2  }
0x38: {  	[tilespmem:s17+$0x6400] =	vst v9  }
0x39: {  	s17 =	simm.s32 $0x0;
	[tilespmem:s18+$0x6400] =	vst v2  }
.LBB2_4:
0x3a: {  	v5 =	vld [tilespmem:$0x1FFF0];
	_ =	sdelay $0x6  }
0x3b: {  	s18 =	sshll.u32 s17, $0x4  }
0x3c: {  	v11 =	vld.idx.msk [tilespmem:v5+s18+$0x6400 ss:$0x1], $0xffff  }
0x3d: {  	v10 =	vld.idx.msk [tilespmem:v5+s18+$0x0 ss:$0x1], $0xffff  }
0x3e: {  	v8 =	vld.idx.msk [tilespmem:v5+s18+$0x1400 ss:$0x1], $0xffff  }
0x3f: {  	v9 =	vld.idx.msk [tilespmem:v5+s18+$0x2800 ss:$0x1], $0xffff  }
0x40: {  	v7 =	vld.idx.msk [tilespmem:v5+s18+$0x3C00 ss:$0x1], $0xffff;
	_ =	sdelay $0x2  }
0x41: {  	s19 =	simm.s32 $0x0;
	(v2sf) =	vpush v11, $0x0  }
0x42: {  	v2 =	vld [tilespmem:s19+$0x0];
	v22 =	vbroadcast v10, $0x0;
	v17 =	vbroadcast v8, $0x0;
	(v2sf) =	vpush v11, $0x1  }
0x43: {  	v6 =	vld [tilespmem:s19+$0x1400];
	v15 =	vbroadcast v9, $0x0;
	v16 =	vbroadcast v7, $0x0;
	(v2sf) =	vpush v11, $0x2  }
0x44: {  	v12 =	vld [tilespmem:s19+$0x2800];
	v29 =	vbroadcast v10, $0x1;
	v26 =	vbroadcast v8, $0x1;
	(v2sf) =	vpush v11, $0x3  }
0x45: {  	v23 =	vld [tilespmem:s19+$0x3C00];
	v20 =	vbroadcast v9, $0x1;
	v21 =	vbroadcast v7, $0x1  }
0x46: {  	v19 =	vbroadcast v10, $0x2;
	v32 =	vbroadcast v10, $0x3  }
0x47: {  	v33 =	vbroadcast v8, $0x3;
	v34 =	vbroadcast v9, $0x3  }
0x48: {  	v35 =	vbroadcast v7, $0x3;
	v30 =	vbroadcast v8, $0x2  }
0x49: {  	s31 =	simm.s32 $0x10;
	v28 =	vbroadcast v9, $0x2;
	v31 =	vbroadcast v7, $0x2;
	v18 =	vmax.f32 v2, v32  }
0x4a: {  	v57 =	vld [tilespmem:s31+$0x1400];
	v25 =	vmax.f32 v6, v33;
	v27 =	vmin.f32 v12, v34;
	v36 =	vmin.f32 v23, v35  }
0x4b: {  	v58 =	vld [tilespmem:s31+$0x2800];
	v37 =	vmax.f32 v2, v22;
	v38 =	vmax.f32 v2, v29;
	v39 =	vmax.f32 v6, v17  }
0x4c: {  	v46 =	vld [tilespmem:s31+$0x3C00];
	v40 =	vmax.f32 v6, v26;
	v41 =	vmin.f32 v12, v15;
	v42 =	vmin.f32 v23, v16  }
0x4d: {  	v43 =	vmin.f32 v12, v20;
	v44 =	vmin.f32 v23, v21;
	v2 =	vmax.f32 v2, v19  }
0x4e: {  	v45 =	vmax.f32 v6, v30;
	v12 =	vmin.f32 v12, v28;
	v23 =	vmin.f32 v23, v31  }
0x4f: {  	v48 =	vmax.f32 v57, v17;
	v49 =	vmax.f32 v57, v26;
	v50 =	vmax.f32 v57, v33  }
0x50: {  	v51 =	vmin.f32 v58, v34;
	v27 =	vsub.f32 v27, v18;
	v25 =	vsub.f32 v36, v25;
	s20 =	spop (v2sf)  }
0x51: {  	v62 =	vmin.f32 v46, v16;
	v37 =	vsub.f32 v41, v37;
	v39 =	vsub.f32 v42, v39;
	s21 =	spop (v2sf)  }
0x52: {  	v24 =	vld [tilespmem:s19+$0x6400];
	v63 =	vmin.f32 v58, v20;
	v52 =	vsub.f32 v44, v40;
	v2 =	vsub.f32 v12, v2;
	s21 =	sadd.f32 $9.999999930e-09, s21;
	s29 =	spop (v2sf)  }
0x53: {  	v12 =	vsub.f32 v23, v45;
	v42 =	vld [tilespmem:s31+$0x0];
	v44 =	vmin.f32 v58, v28;
	v48 =	vsub.f32 v62, v48;
	s30 =	spop (v2sf)  }
0x54: {  	v27 =	vmax.f32 v27, $0.0e+00;
	v25 =	vmax.f32 v25, $0.0e+00;
	v14 =	vmov s21;
	s21 =	sadd.f32 $9.999999930e-09, s30  }
0x55: {  	v37 =	vmax.f32 v37, $0.0e+00;
	v23 =	vmax.f32 v39, $0.0e+00;
	v2 =	vmax.f32 v2, $0.0e+00  }
0x56: {  	v12 =	vmax.f32 v12, $0.0e+00;
	v27 =	vmul.f32 v25, v27;
	s20 =	sadd.f32 $9.999999930e-09, s20;
	v36 =	vmov s21  }
0x57: {  	v39 =	vmul.f32 v23, v37;
	v2 =	vmul.f32 v12, v2;
	v25 =	vadd.f32 v24, v36  }
0x58: {  	v6 =	vld.idx.msk [tilespmem:v5+s18+$0x5000 ss:$0x1], $0xffff;
	v60 =	vmax.f32 v42, v22;
	v47 =	vmax.f32 v42, v29;
	v13 =	vmov s20;
	s20 =	sadd.f32 $9.999999930e-09, s29  }
0x59: {  	v55 =	vld [tilespmem:s19+$0x5000];
	v61 =	vmax.f32 v42, v32;
	v42 =	vmax.f32 v42, v19;
	v25 =	vsub.f32 v25, v27  }
0x5a: {  	v41 =	vld [tilespmem:s31+$0x6400];
	v44 =	vsub.f32 v44, v42;
	v23 =	vadd.f32 v24, v13;
	v18 =	vmov s20  }
0x5b: {  	v53 =	vadd.f32 v24, v14;
	v12 =	vadd.f32 v24, v18;
	(erf) = vrcp.f32 v25  }
0x5c: {  	v40 =	vmax.f32 v57, v30;
	v54 =	vsub.f32 v23, v39;
	v25 =	vsub.f32 v43, v38  }
0x5d: {  	v23 =	vbroadcast v6, $0x1;
	v24 =	vbroadcast v6, $0x2;
	v56 =	vsub.f32 v12, v2  }
0x5e: {  	v12 =	vbroadcast v6, $0x3;
	v38 =	vmax.f32 v52, $0.0e+00;
	v25 =	vmax.f32 v25, $0.0e+00  }
0x5f: {  	v57 =	vadd.f32 v41, v36;
	vm1 =	vgt.f32 v55, v23;
	v38 =	vmul.f32 v38, v25  }
0x60: {  	vm0 =	vgt.f32 v55, v24;
	vm3 =	vgt.f32 v55, v12;
	v52 =	vmin.f32 v46, v35  }
0x61: {  	v43 =	vsub.f32 v51, v61;
	(erf) = vrcp.f32 v54;
	v37 =	vsub.f32 v53, v38  }
0x62: {  	v61 =	vmax.f32 v48, $0.0e+00;
	v50 =	vsub.f32 v52, v50;
	v54 =	vmin.f32 v46, v21  }
0x63: {  	v46 =	vmin.f32 v46, v31;
	v43 =	vmax.f32 v43, $0.0e+00;
	(erf) = vrcp.f32 v37  }
0x64: {  	v40 =	vsub.f32 v46, v40;
	v50 =	vmax.f32 v50, $0.0e+00;
	v59 =	vpop (erf);
	(erf) = vrcp.f32 v56  }
0x65: {  	v25 =	vbroadcast v6, $0x0;
	v43 =	vmul.f32 v50, v43;
	v53 =	vmin.f32 v58, v15  }
0x66: {  	v52 =	vmax.f32 v40, $0.0e+00;
	v45 =	vsub.f32 v53, v60;
	v60 =	vsub.f32 v54, v49  }
0x67: {  	vm2 =	vgt.f32 v55, v25;
	v50 =	vsub.f32 v57, v43;
	v54 =	vadd.f32 v41, v13  }
0x68: {  	v37 =	vimm.f32 $0.0e+00;
	v58 =	vmax.f32 v45, $0.0e+00;
	v62 =	vmax.f32 v60, $0.0e+00  }
0x69: {  	v27 =	vmul.f32 v59, v27;
	v59 =	vsub.f32 v63, v47;
	(erf) = vrcp.f32 v50  }
0x6a: {  	v42 =	vmul.f32 v61, v58;
	v56 =	vadd.f32 v41, v14;
	v55 =	vpop (erf);
	v63 =	vmax.f32 v44, $0.0e+00  }
0x6b: {  	v51 =	vmul.f32 v55, v39;
	v39 =	vmul.f32 v52, v63;
	v45 =	vmax.f32 v59, $0.0e+00  }
0x6c: {  	v41 =	vadd.f32 v41, v18;
	v27 =	vmul.f32 v27, v27;
	v40 =	vmul.f32 v62, v45;
	v53 =	vpop (erf)  }
0x6d: {  	v57 =	vsub.f32 v54, v42;
	v58 =	vmul.f32 v51, v51;
	v38 =	vmul.f32 v53, v38;
	v55 =	vpop (erf)  }
0x6e: {  	v41 =	vsub.f32 v41, v39;
	v27 =	vnsel vm3, $0x0, v27;
	v2 =	vmul.f32 v55, v2  }
0x6f: {  	s19 =	simm.s32 $0x20;
	v44 =	vld [tilespmem:s31+$0x5000];
	v27 =	vadd.f32 v27, v37;
	v59 =	vsub.f32 v56, v40;
	v60 =	vmul.f32 v38, v38  }
0x70: {  	v45 =	vld [tilespmem:s19+$0x0];
	v61 =	vnsel vm2, $0x0, v58;
	(erf) = vrcp.f32 v57;
	v62 =	vmul.f32 v2, v2  }
0x71: {  	v46 =	vld [tilespmem:s19+$0x1400];
	(erf) = vrcp.f32 v59;
	v38 =	vadd.f32 v61, v37;
	v63 =	vnsel vm1, $0x0, v60  }
0x72: {  	s20 =	simm.s32 $0xC0;
	v47 =	vld [tilespmem:s19+$0x2800];
	(erf) = vrcp.f32 v41;
	v41 =	vadd.f32 v63, v37;
	v2 =	vpop (erf);
	v48 =	vnsel vm0, $0x0, v62  }
.LBB2_5:
0x73: {  	p0 =	sne.s32 s20, $0x4FC0;
	v49 =	vld [tilespmem:s19+$0x3C00];
	v2 =	vmul.f32 v2, v43;
	v37 =	vadd.f32 v48, v37  }
0x74: {  	vm2 =	vgt.f32 v44, v25;
	vm1 =	vgt.f32 v44, v23;
	vm0 =	vgt.f32 v44, v24  }
0x75: {  	v48 =	vmax.f32 v45, v22;
	v50 =	vmax.f32 v45, v29;
	v2 =	vmul.f32 v2, v2  }
0x76: {  	vm3 =	vgt.f32 v44, v12;
	v51 =	vmax.f32 v46, v17;
	v52 =	vmax.f32 v46, v26  }
0x77: {  	v43 =	vmax.f32 v45, v32;
	v53 =	vmax.f32 v46, v33;
	v44 =	vld [tilespmem:s19+$0x6400];
	v2 =	vnsel vm3, $0x0, v2  }
0x78: {  	v5 =	vmin.f32 v47, v34;
	v55 =	vmin.f32 v49, v35;
	v27 =	vadd.f32 v2, v27  }
0x79: {  	v2 =	vmin.f32 v47, v15;
	v43 =	vsub.f32 v5, v43;
	v53 =	vsub.f32 v55, v53;
	v54 =	vpop (erf)  }
0x7a: {  	v56 =	vmin.f32 v47, v20;
	v57 =	vmin.f32 v49, v21;
	v55 =	vmin.f32 v49, v16;
	v58 =	vpop (erf)  }
0x7b: {  	v45 =	vmax.f32 v45, v19;
	v43 =	vmax.f32 v43, $0.0e+00;
	v53 =	vmax.f32 v53, $0.0e+00;
	v59 =	vpop (erf)  }
0x7c: {  	v46 =	vmax.f32 v46, v30;
	v43 =	vmul.f32 v53, v43;
	v53 =	vadd.f32 v44, v36  }
0x7d: {  	v47 =	vmin.f32 v47, v28;
	v2 =	vsub.f32 v2, v48;
	v48 =	vmin.f32 v49, v31  }
0x7e: {  	v49 =	vsub.f32 v55, v51;
	v51 =	vsub.f32 v53, v43;
	v53 =	vmul.f32 v54, v42  }
0x7f: {  	v2 =	vmax.f32 v2, $0.0e+00;
	v42 =	vsub.f32 v56, v50;
	v50 =	vsub.f32 v57, v52  }
0x80: {  	v45 =	vsub.f32 v47, v45;
	v46 =	vsub.f32 v48, v46;
	(erf) = vrcp.f32 v51  }
0x81: {  	v47 =	vmax.f32 v49, $0.0e+00;
	v48 =	vmax.f32 v42, $0.0e+00;
	v49 =	vmax.f32 v50, $0.0e+00  }
0x82: {  	v42 =	vmul.f32 v47, v2;
	v2 =	vmax.f32 v45, $0.0e+00;
	v45 =	vmax.f32 v46, $0.0e+00  }
0x83: {  	v46 =	vadd.f32 v44, v13;
	v47 =	vmul.f32 v49, v48;
	v2 =	vmul.f32 v45, v2  }
0x84: {  	v45 =	vadd.f32 v44, v14;
	v48 =	vadd.f32 v44, v18;
	v49 =	vmul.f32 v58, v40  }
.Ltmp1:
0x85: {  	v50 =	vmul.f32 v53, v53;
	v51 =	vmul.f32 v59, v39;
	v46 =	vsub.f32 v46, v42;
	v40 =	vmovc v47;
	(pc) =	sbr.rel @p0 .LBB2_5-.Ltmp1, $4  }
0x86: {  	v48 =	vsub.f32 v48, v2;
	v49 =	vmul.f32 v49, v49;
	v39 =	vmovc v2;
	v47 =	vsub.f32 v45, v40;
	v44 =	vld [tilespmem:s19+$0x5000];
	s19 =	sshra.s32 s20, $0x2  }
0x87: {  	v5 =	vnsel vm2, $0x0, v50;
	v50 =	vmul.f32 v51, v51;
	v45 =	vld [tilespmem:s19+$0x0];
	(erf) = vrcp.f32 v46  }
0x88: {  	v38 =	vadd.f32 v5, v38;
	v49 =	vnsel vm1, $0x0, v49;
	v46 =	vld [tilespmem:s19+$0x1400];
	(erf) = vrcp.f32 v47  }
0x89: {  	s20 =	sadd.s32 $0x40, s20;
	v41 =	vadd.f32 v49, v41;
	v47 =	vld [tilespmem:s19+$0x2800];
	(erf) = vrcp.f32 v48;
	v2 =	vpop (erf);
	v48 =	vnsel vm0, $0x0, v50  }
0x8a: {  	_ = 	snop  }
0x8b: {  	v49 =	vld [tilespmem:s19+$0x3C00]  }
0x8c: {  	v50 =	vld [tilespmem:s19+$0x6400];
	v2 =	vmul.f32 v2, v43;
	(v2sf) =	vpush v11, $0x4;
	v22 =	vmax.f32 v45, v22  }
0x8d: {  	v29 =	vmax.f32 v45, v29;
	v32 =	vmax.f32 v45, v32;
	v19 =	vmax.f32 v45, v19  }
0x8e: {  	v33 =	vmax.f32 v46, v33;
	v17 =	vmax.f32 v46, v17;
	v26 =	vmax.f32 v46, v26  }
0x8f: {  	v30 =	vmax.f32 v46, v30;
	v34 =	vmin.f32 v47, v34;
	v15 =	vmin.f32 v47, v15  }
0x90: {  	v20 =	vmin.f32 v47, v20;
	v35 =	vmin.f32 v49, v35;
	v32 =	vsub.f32 v34, v32  }
0x91: {  	v16 =	vmin.f32 v49, v16;
	v58 =	vadd.f32 v50, v36;
	v15 =	vsub.f32 v15, v22  }
0x92: {  	v21 =	vmin.f32 v49, v21;
	v20 =	vsub.f32 v20, v29;
	v13 =	vadd.f32 v50, v13  }
0x93: {  	v22 =	vmin.f32 v47, v28;
	v14 =	vadd.f32 v50, v14;
	v33 =	vsub.f32 v35, v33  }
0x94: {  	v28 =	vmin.f32 v49, v31;
	v16 =	vsub.f32 v16, v17;
	v21 =	vsub.f32 v21, v26  }
0x95: {  	v43 =	vbroadcast v7, $0x7;
	v19 =	vsub.f32 v22, v19;
	v22 =	vsub.f32 v28, v30  }
0x96: {  	v32 =	vmax.f32 v32, $0.0e+00;
	v15 =	vmax.f32 v15, $0.0e+00;
	v33 =	vmax.f32 v33, $0.0e+00  }
0x97: {  	v20 =	vmax.f32 v20, $0.0e+00;
	v16 =	vmax.f32 v16, $0.0e+00;
	v32 =	vmul.f32 v33, v32  }
0x98: {  	v21 =	vmax.f32 v21, $0.0e+00;
	v15 =	vmul.f32 v16, v15;
	v16 =	vmax.f32 v19, $0.0e+00  }
0x99: {  	v19 =	vmax.f32 v22, $0.0e+00;
	v20 =	vmul.f32 v21, v20;
	v17 =	vsub.f32 v58, v32  }
0x9a: {  	v18 =	vadd.f32 v50, v18;
	v16 =	vmul.f32 v19, v16;
	v13 =	vsub.f32 v13, v15  }
0x9b: {  	vm0 =	vgt.f32 v44, v25;
	v14 =	vsub.f32 v14, v20;
	(erf) = vrcp.f32 v17  }
0x9c: {  	vm1 =	vgt.f32 v44, v23;
	v17 =	vsub.f32 v18, v16;
	(erf) = vrcp.f32 v13  }
0x9d: {  	(v2sf) =	vpush v11, $0x5;
	v2 =	vmul.f32 v2, v2;
	(erf) = vrcp.f32 v14  }
0x9e: {  	s31 =	simm.s32 $0x10;
	vm11 =	vgt.f32 v44, v12;
	(v2sf) =	vpush v11, $0x6;
	(erf) = vrcp.f32 v17  }
0x9f: {  	v2 =	vnsel vm11, $0x0, v2;
	v36 =	vbroadcast v10, $0x5;
	v31 =	vbroadcast v9, $0x5;
	v50 =	vld [tilespmem:s31+$0x3C00]  }
0xa0: {  	v2 =	vadd.f32 v2, v27;
	v27 =	vbroadcast v7, $0x5;
	v29 =	vbroadcast v10, $0x6;
	v19 =	vld [tilespmem:s19+$0x5000]  }
0xa1: {  	vm2 =	vgt.f32 v44, v24;
	v34 =	vbroadcast v9, $0x6;
	v28 =	vbroadcast v8, $0x5;
	v13 =	vpop (erf)  }
0xa2: {  	v45 =	vimm.f32 $0.0e+00;
	v30 =	vbroadcast v8, $0x6;
	v33 =	vbroadcast v10, $0x4;
	v14 =	vpop (erf)  }
0xa3: {  	(v2sf) =	vpush v11, $0x7;
	v13 =	vmul.f32 v13, v42;
	v14 =	vmul.f32 v14, v40;
	v17 =	vpop (erf)  }
0xa4: {  	v51 =	vmin.f32 v50, v43;
	v18 =	vadd.f32 v48, v37;
	v17 =	vmul.f32 v17, v39;
	v21 =	vpop (erf)  }
0xa5: {  	vm8 =	vgt.f32 v19, v25;
	v13 =	vmul.f32 v13, v13;
	v14 =	vmul.f32 v14, v14;
	v22 =	vpop (erf)  }
0xa6: {  	vm9 =	vgt.f32 v19, v23;
	v17 =	vmul.f32 v17, v17;
	v26 =	vpop (erf);
	v15 =	vmul.f32 v22, v15  }
0xa7: {  	v13 =	vnsel vm0, $0x0, v13;
	v14 =	vnsel vm1, $0x0, v14;
	v22 =	vpop (erf);
	v20 =	vmul.f32 v26, v20  }
0xa8: {  	v17 =	vnsel vm2, $0x0, v17;
	v15 =	vmul.f32 v15, v15;
	v16 =	vmul.f32 v22, v16  }
0xa9: {  	v13 =	vadd.f32 v13, v38;
	v17 =	vadd.f32 v17, v18;
	v18 =	vmul.f32 v20, v20  }
0xaa: {  	v14 =	vadd.f32 v14, v41;
	v15 =	vnsel vm8, $0x0, v15;
	v16 =	vmul.f32 v16, v16  }
0xab: {  	vm10 =	vgt.f32 v19, v24;
	v13 =	vadd.f32 v15, v13;
	v15 =	vnsel vm9, $0x0, v18  }
0xac: {  	v37 =	vbroadcast v6, $0x5;
	v14 =	vadd.f32 v15, v14;
	v15 =	vnsel vm10, $0x0, v16  }
0xad: {  	v24 =	vbroadcast v9, $0x4;
	s20 =	spop (v2sf);
	v15 =	vadd.f32 v15, v17;
	v16 =	vperm.xlane v13, v0  }
0xae: {  	s29 =	simm.s32 $0x0;
	vm12 =	vgt.f32 v19, v12;
	s21 =	spop (v2sf);
	v17 =	vmul.f32 v21, v32;
	v18 =	vperm.xlane v14, v0  }
0xaf: {  	v25 =	vbroadcast v7, $0x4;
	v19 =	vld [tilespmem:s29+$0x3C00];
	s22 =	spop (v2sf);
	v13 =	vadd.f32 v16, v13;
	v16 =	vperm.xlane v15, v0  }
0xb0: {  	v42 =	vbroadcast v9, $0x7;
	s22 =	sadd.f32 $9.999999930e-09, s22;
	v17 =	vmul.f32 v17, v17;
	v14 =	vadd.f32 v18, v14  }
0xb1: {  	v40 =	vbroadcast v10, $0x7;
	v15 =	vadd.f32 v16, v15;
	v16 =	vperm.xlane v13, v1  }
0xb2: {  	v23 =	vmov s22;
	v17 =	vnsel vm12, $0x0, v17;
	v18 =	vperm.xlane v14, v1  }
0xb3: {  	v2 =	vadd.f32 v17, v2;
	v12 =	vperm.xlane v15, v1;
	v13 =	vadd.f32 v16, v13  }
0xb4: {  	v61 =	vmin.f32 v19, v43;
	v55 =	vmin.f32 v19, v25;
	v14 =	vadd.f32 v18, v14  }
0xb5: {  	v18 =	vperm.xlane v2, v0;
	v12 =	vadd.f32 v12, v15;
	v15 =	vperm.xlane v13, v3  }
0xb6: {  	s20 =	sadd.f32 $9.999999930e-09, s20;
	v58 =	vmin.f32 v19, v27;
	v41 =	vbroadcast v8, $0x7;
	v16 =	vperm.xlane v14, v3  }
0xb7: {  	s21 =	sadd.f32 $9.999999930e-09, s21;
	s30 =	spop (v2sf);
	v2 =	vadd.f32 v18, v2;
	v18 =	vld [tilespmem:s29+$0x2800];
	v17 =	vperm.xlane v12, v3;
	v13 =	vadd.f32 v15, v13  }
0xb8: {  	v20 =	vmov s20;
	s20 =	sadd.f32 $9.999999930e-09, s30;
	v32 =	vbroadcast v7, $0x6;
	v14 =	vadd.f32 v16, v14;
	v16 =	vld [tilespmem:s29+$0x0]  }
0xb9: {  	v15 =	vperm.xlane v2, v1;
	v5 =	vadd.f32 v17, v12;
	v12 =	vperm.xlane v13, v4;
	v17 =	vld [tilespmem:s29+$0x1400]  }
0xba: {  	v26 =	vbroadcast v8, $0x4;
	v22 =	vmov s21;
	v39 =	vmov s20  }
0xbb: {  	v19 =	vmin.f32 v19, v32;
	v2 =	vadd.f32 v15, v2;
	[tilespmem:$0x1FF70] =	vst v12;
	v12 =	vperm.xlane v14, v4  }
0xbc: {  	[tilespmem:$0x1FFA0] =	vst v5;
	v5 =	vperm.xlane v5, v4;
	v60 =	vmin.f32 v18, v42;
	v54 =	vmin.f32 v18, v24  }
0xbd: {  	v15 =	vld [tilespmem:s29+$0x6400];
	v57 =	vmin.f32 v18, v31;
	v18 =	vmin.f32 v18, v34;
	v21 =	vmax.f32 v16, v40  }
0xbe: {  	v62 =	vmax.f32 v16, v33;
	v63 =	vmax.f32 v16, v36;
	v59 =	vmax.f32 v17, v41  }
0xbf: {  	v47 =	vld [tilespmem:s31+$0x1400];
	v16 =	vmax.f32 v16, v29;
	v21 =	vsub.f32 v60, v21;
	v35 =	vsub.f32 v61, v59  }
0xc0: {  	v49 =	vld [tilespmem:s31+$0x2800];
	v52 =	vmax.f32 v17, v26;
	v53 =	vmax.f32 v17, v28;
	v17 =	vmax.f32 v17, v30  }
0xc1: {  	v44 =	vsub.f32 v54, v62;
	v21 =	vmax.f32 v21, $0.0e+00;
	v35 =	vmax.f32 v35, $0.0e+00  }
0xc2: {  	v16 =	vsub.f32 v18, v16;
	v56 =	vmul.f32 v35, v21;
	v21 =	vadd.f32 v15, v39  }
0xc3: {  	v54 =	vmin.f32 v50, v25;
	v38 =	vsub.f32 v55, v52;
	v59 =	vsub.f32 v58, v53  }
0xc4: {  	v17 =	vsub.f32 v19, v17;
	v61 =	vld [tilespmem:s29+$0x5000];
	v52 =	vmax.f32 v47, v26;
	v21 =	vsub.f32 v21, v56  }
0xc5: {  	v58 =	vmin.f32 v49, v24;
	v16 =	vmax.f32 v16, $0.0e+00;
	v18 =	vmax.f32 v38, $0.0e+00  }
0xc6: {  	v17 =	vmax.f32 v17, $0.0e+00;
	v35 =	vsub.f32 v57, v63;
	(erf) = vrcp.f32 v21  }
0xc7: {  	v60 =	vmax.f32 v59, $0.0e+00;
	v38 =	vbroadcast v6, $0x6;
	v16 =	vmul.f32 v17, v16  }
0xc8: {  	v63 =	vld [tilespmem:s31+$0x0];
	v19 =	vmax.f32 v35, $0.0e+00;
	v35 =	vbroadcast v6, $0x4;
	v21 =	vmax.f32 v44, $0.0e+00  }
0xc9: {  	vm14 =	vgt.f32 v61, v37;
	v62 =	vmul.f32 v18, v21;
	v18 =	vadd.f32 v15, v20  }
0xca: {  	vm15 =	vgt.f32 v61, v38;
	v19 =	vmul.f32 v60, v19;
	v21 =	vadd.f32 v15, v22  }
0xcb: {  	v60 =	vmax.f32 v47, v28;
	v15 =	vadd.f32 v15, v23;
	v17 =	vsub.f32 v18, v62  }
0xcc: {  	vm13 =	vgt.f32 v61, v35;
	v18 =	vperm.xlane v2, v3;
	v21 =	vsub.f32 v21, v19  }
0xcd: {  	v57 =	vmax.f32 v63, v33;
	v15 =	vsub.f32 v15, v16;
	(erf) = vrcp.f32 v17  }
0xce: {  	[tilespmem:$0x1FFB0] =	vst v5;
	v53 =	vld [tilespmem:s31+$0x6400];
	v5 =	vadd.f32 v18, v2;
	v17 =	vmax.f32 v47, v41;
	(erf) = vrcp.f32 v21  }
0xcf: {  	v21 =	vbroadcast v6, $0x7;
	v17 =	vsub.f32 v51, v17;
	(erf) = vrcp.f32 v15;
	v2 =	vpop (erf)  }
0xd0: {  	v15 =	vmax.f32 v63, v40;
	v2 =	vmul.f32 v2, v56;
	v56 =	vmin.f32 v49, v42  }
0xd1: {  	v51 =	vsub.f32 v54, v52;
	[tilespmem:$0x1FFC0] =	vst v5;
	v5 =	vperm.xlane v5, v4;
	v15 =	vsub.f32 v56, v15  }
0xd2: {  	vm3 =	vgt.f32 v61, v21;
	v17 =	vmax.f32 v17, $0.0e+00;
	v61 =	vmin.f32 v49, v31  }
0xd3: {  	v49 =	vmin.f32 v49, v34;
	v56 =	vadd.f32 v53, v39;
	v15 =	vmax.f32 v15, $0.0e+00  }
0xd4: {  	v2 =	vmul.f32 v2, v2;
	v48 =	vmul.f32 v17, v15;
	v15 =	vmax.f32 v63, v36  }
0xd5: {  	v17 =	vsub.f32 v58, v57;
	v63 =	vmax.f32 v63, v29;
	v57 =	vmax.f32 v47, v30  }
0xd6: {  	v59 =	vpop (erf);
	v58 =	vmin.f32 v50, v32;
	v2 =	vnsel vm3, $0x0, v2;
	v15 =	vsub.f32 v61, v15  }
0xd7: {  	v54 =	vmul.f32 v59, v62;
	v49 =	vsub.f32 v49, v63;
	v59 =	vsub.f32 v56, v48  }
0xd8: {  	v62 =	vmin.f32 v50, v27;
	v47 =	vsub.f32 v58, v57;
	v44 =	vadd.f32 v2, v45  }
0xd9: {  	v2 =	vmax.f32 v17, $0.0e+00;
	v17 =	vmax.f32 v51, $0.0e+00;
	(erf) = vrcp.f32 v59  }
0xda: {  	v55 =	vsub.f32 v62, v60;
	v51 =	vmul.f32 v17, v2;
	v2 =	vmax.f32 v49, $0.0e+00  }
0xdb: {  	v61 =	vadd.f32 v53, v20;
	v60 =	vpop (erf);
	v15 =	vmax.f32 v15, $0.0e+00;
	v17 =	vmax.f32 v47, $0.0e+00  }
0xdc: {  	v19 =	vmul.f32 v60, v19;
	v46 =	vmax.f32 v55, $0.0e+00;
	v47 =	vmul.f32 v17, v2  }
0xdd: {  	v17 =	vadd.f32 v53, v23;
	v49 =	vmul.f32 v46, v15;
	v15 =	vadd.f32 v53, v22;
	v2 =	vpop (erf)  }
0xde: {  	v63 =	vmul.f32 v54, v54;
	v62 =	vsub.f32 v61, v51;
	v2 =	vmul.f32 v2, v16  }
0xdf: {  	s19 =	simm.s32 $0x20;
	[tilespmem:$0x1FF60] =	vst v13;
	v52 =	vld [tilespmem:s31+$0x5000];
	v15 =	vsub.f32 v15, v49;
	v16 =	vsub.f32 v17, v47;
	v17 =	vmul.f32 v19, v19  }
0xe0: {  	[tilespmem:$0x1FF80] =	vst v14;
	v53 =	vld [tilespmem:s19+$0x0];
	(erf) = vrcp.f32 v62;
	v19 =	vnsel vm13, $0x0, v63;
	v56 =	vmul.f32 v2, v2  }
0xe1: {  	[tilespmem:$0x1FF90] =	vst v12;
	v54 =	vld [tilespmem:s19+$0x1400];
	v46 =	vadd.f32 v19, v45;
	(erf) = vrcp.f32 v15;
	v15 =	vnsel vm14, $0x0, v17  }
0xe2: {  	s20 =	simm.s32 $0xC0;
	[tilespmem:$0x1FFD0] =	vst v5;
	v55 =	vld [tilespmem:s19+$0x2800];
	(erf) = vrcp.f32 v16;
	v50 =	vadd.f32 v15, v45;
	v15 =	vnsel vm15, $0x0, v56;
	v2 =	vpop (erf)  }
.LBB2_7:
0xe3: {  	p0 =	sne.s32 s20, $0x4FC0;
	v16 =	vld [tilespmem:s19+$0x3C00];
	v2 =	vmul.f32 v2, v48;
	v45 =	vadd.f32 v15, v45  }
0xe4: {  	vm2 =	vgt.f32 v52, v35;
	vm1 =	vgt.f32 v52, v37;
	vm0 =	vgt.f32 v52, v38  }
0xe5: {  	v15 =	vmax.f32 v53, v33;
	v17 =	vmax.f32 v53, v36;
	v2 =	vmul.f32 v2, v2  }
0xe6: {  	vm3 =	vgt.f32 v52, v21;
	v19 =	vmax.f32 v54, v26;
	v56 =	vmax.f32 v54, v28  }
0xe7: {  	v48 =	vmax.f32 v53, v40;
	v57 =	vmax.f32 v54, v41;
	v52 =	vld [tilespmem:s19+$0x6400];
	v2 =	vnsel vm3, $0x0, v2  }
0xe8: {  	v5 =	vmin.f32 v55, v42;
	v59 =	vmin.f32 v16, v43;
	v44 =	vadd.f32 v2, v44  }
0xe9: {  	v2 =	vmin.f32 v55, v24;
	v48 =	vsub.f32 v5, v48;
	v57 =	vsub.f32 v59, v57;
	v58 =	vpop (erf)  }
0xea: {  	v60 =	vmin.f32 v55, v31;
	v61 =	vmin.f32 v16, v27;
	v59 =	vmin.f32 v16, v25;
	v62 =	vpop (erf)  }
0xeb: {  	v53 =	vmax.f32 v53, v29;
	v48 =	vmax.f32 v48, $0.0e+00;
	v57 =	vmax.f32 v57, $0.0e+00;
	v63 =	vpop (erf)  }
0xec: {  	v54 =	vmax.f32 v54, v30;
	v48 =	vmul.f32 v57, v48;
	v57 =	vadd.f32 v52, v39  }
0xed: {  	v2 =	vsub.f32 v2, v15;
	v15 =	vmin.f32 v55, v34;
	v16 =	vmin.f32 v16, v32  }
0xee: {  	v19 =	vsub.f32 v59, v19;
	v55 =	vsub.f32 v57, v48;
	v57 =	vmul.f32 v58, v51  }
0xef: {  	v17 =	vsub.f32 v60, v17;
	v2 =	vmax.f32 v2, $0.0e+00;
	v51 =	vsub.f32 v61, v56  }
0xf0: {  	v15 =	vsub.f32 v15, v53;
	v16 =	vsub.f32 v16, v54;
	(erf) = vrcp.f32 v55  }
0xf1: {  	v17 =	vmax.f32 v17, $0.0e+00;
	v19 =	vmax.f32 v19, $0.0e+00;
	v53 =	vmax.f32 v51, $0.0e+00  }
0xf2: {  	v51 =	vmul.f32 v19, v2;
	v2 =	vmax.f32 v15, $0.0e+00;
	v15 =	vmax.f32 v16, $0.0e+00  }
0xf3: {  	v16 =	vadd.f32 v52, v20;
	v17 =	vmul.f32 v53, v17;
	v2 =	vmul.f32 v15, v2  }
0xf4: {  	v19 =	vadd.f32 v52, v23;
	v15 =	vadd.f32 v52, v22;
	v53 =	vmul.f32 v62, v49  }
.Ltmp2:
0xf5: {  	v54 =	vmul.f32 v57, v57;
	v55 =	vmul.f32 v63, v47;
	v16 =	vsub.f32 v16, v51;
	v49 =	vmovc v17;
	(pc) =	sbr.rel @p0 .LBB2_7-.Ltmp2, $4  }
0xf6: {  	v17 =	vsub.f32 v19, v2;
	v19 =	vmul.f32 v53, v53;
	v47 =	vmovc v2;
	v15 =	vsub.f32 v15, v49;
	v52 =	vld [tilespmem:s19+$0x5000];
	s19 =	sshra.s32 s20, $0x2  }
0xf7: {  	v5 =	vnsel vm2, $0x0, v54;
	v53 =	vld [tilespmem:s19+$0x0];
	(erf) = vrcp.f32 v16;
	v16 =	vmul.f32 v55, v55  }
0xf8: {  	v46 =	vadd.f32 v5, v46;
	v54 =	vld [tilespmem:s19+$0x1400];
	(erf) = vrcp.f32 v15;
	v15 =	vnsel vm1, $0x0, v19  }
0xf9: {  	s20 =	sadd.s32 $0x40, s20;
	v55 =	vld [tilespmem:s19+$0x2800];
	(erf) = vrcp.f32 v17;
	v2 =	vpop (erf);
	v50 =	vadd.f32 v15, v50;
	v15 =	vnsel vm0, $0x0, v16  }
0xfa: {  	_ = 	snop  }
0xfb: {  	v16 =	vld [tilespmem:s19+$0x3C00];
	v2 =	vmul.f32 v2, v48;
	v15 =	vadd.f32 v15, v45;
	(v2sf) =	vpush v11, $0x8  }
0xfc: {  	v60 =	vld [tilespmem:s19+$0x6400];
	v48 =	vbroadcast v10, $0xB;
	vm0 =	vgt.f32 v52, v35;
	v17 =	vmax.f32 v53, v33  }
0xfd: {  	v19 =	vmax.f32 v53, v36;
	v61 =	vmax.f32 v53, v40;
	v29 =	vmax.f32 v53, v29  }
0xfe: {  	v62 =	vmax.f32 v54, v41;
	v26 =	vmax.f32 v54, v26;
	v28 =	vmax.f32 v54, v28  }
0xff: {  	v30 =	vmax.f32 v54, v30;
	v63 =	vmin.f32 v55, v42;
	v24 =	vmin.f32 v55, v24  }
0x100: {  	v31 =	vmin.f32 v55, v31;
	v18 =	vmin.f32 v16, v43;
	v36 =	vsub.f32 v63, v61  }
0x101: {  	v25 =	vmin.f32 v16, v25;
	v39 =	vadd.f32 v60, v39;
	v17 =	vsub.f32 v24, v17  }
0x102: {  	v27 =	vmin.f32 v16, v27;
	v19 =	vsub.f32 v31, v19;
	v20 =	vadd.f32 v60, v20  }
0x103: {  	v24 =	vmin.f32 v55, v34;
	v22 =	vadd.f32 v60, v22;
	v40 =	vsub.f32 v18, v62  }
0x104: {  	v16 =	vmin.f32 v16, v32;
	v25 =	vsub.f32 v25, v26;
	v27 =	vsub.f32 v27, v28  }
0x105: {  	vm1 =	vgt.f32 v52, v37;
	v24 =	vsub.f32 v24, v29;
	v16 =	vsub.f32 v16, v30  }
0x106: {  	v36 =	vmax.f32 v36, $0.0e+00;
	v17 =	vmax.f32 v17, $0.0e+00;
	v40 =	vmax.f32 v40, $0.0e+00  }
0x107: {  	v19 =	vmax.f32 v19, $0.0e+00;
	v25 =	vmax.f32 v25, $0.0e+00;
	v36 =	vmul.f32 v40, v36  }
0x108: {  	v27 =	vmax.f32 v27, $0.0e+00;
	v24 =	vmax.f32 v24, $0.0e+00;
	v17 =	vmul.f32 v25, v17  }
0x109: {  	v16 =	vmax.f32 v16, $0.0e+00;
	v19 =	vmul.f32 v27, v19;
	v26 =	vsub.f32 v39, v36  }
0x10a: {  	v23 =	vadd.f32 v60, v23;
	v16 =	vmul.f32 v16, v24;
	v20 =	vsub.f32 v20, v17  }
0x10b: {  	(v2sf) =	vpush v11, $0x9;
	v22 =	vsub.f32 v22, v19;
	(erf) = vrcp.f32 v26  }
0x10c: {  	v2 =	vmul.f32 v2, v2;
	v24 =	vld [tilespmem:s19+$0x5000];
	v23 =	vsub.f32 v23, v16;
	(erf) = vrcp.f32 v20  }
0x10d: {  	vm2 =	vgt.f32 v52, v38;
	v33 =	vbroadcast v8, $0x8;
	(erf) = vrcp.f32 v22  }
0x10e: {  	(v2sf) =	vpush v11, $0xA;
	v41 =	vbroadcast v9, $0xA;
	(erf) = vrcp.f32 v23  }
0x10f: {  	vm11 =	vgt.f32 v52, v21;
	v31 =	vbroadcast v9, $0x8;
	v32 =	vbroadcast v7, $0x8  }
0x110: {  	(v2sf) =	vpush v11, $0xB;
	v34 =	vbroadcast v7, $0x9;
	v55 =	vpop (erf);
	v40 =	vbroadcast v10, $0x8  }
0x111: {  	v39 =	vbroadcast v7, $0xA;
	v20 =	vmul.f32 v55, v51;
	vm8 =	vgt.f32 v24, v35  }
0x112: {  	v56 =	vpop (erf);
	vm10 =	vgt.f32 v24, v38;
	v35 =	vbroadcast v8, $0x9;
	v38 =	vbroadcast v9, $0x9  }
0x113: {  	v57 =	vpop (erf);
	vm9 =	vgt.f32 v24, v37;
	v37 =	vbroadcast v8, $0xA;
	v51 =	vbroadcast v7, $0xB  }
0x114: {  	v2 =	vnsel vm11, $0x0, v2;
	v22 =	vmul.f32 v56, v49;
	v49 =	vbroadcast v8, $0xB;
	v25 =	vpop (erf)  }
0x115: {  	v2 =	vadd.f32 v2, v44;
	v20 =	vmul.f32 v20, v20;
	v23 =	vmul.f32 v57, v47;
	v26 =	vpop (erf)  }
0x116: {  	vm12 =	vgt.f32 v24, v21;
	v22 =	vmul.f32 v22, v22;
	v27 =	vpop (erf);
	v17 =	vmul.f32 v26, v17  }
0x117: {  	v20 =	vnsel vm0, $0x0, v20;
	v23 =	vmul.f32 v23, v23;
	v26 =	vpop (erf);
	v19 =	vmul.f32 v27, v19  }
0x118: {  	v22 =	vnsel vm1, $0x0, v22;
	v17 =	vmul.f32 v17, v17;
	v16 =	vmul.f32 v26, v16  }
0x119: {  	s20 =	spop (v2sf);
	v20 =	vadd.f32 v20, v46;
	v22 =	vadd.f32 v22, v50;
	v19 =	vmul.f32 v19, v19  }
0x11a: {  	s20 =	sadd.f32 $9.999999930e-09, s20;
	v23 =	vnsel vm2, $0x0, v23;
	v17 =	vnsel vm8, $0x0, v17;
	v16 =	vmul.f32 v16, v16  }
0x11b: {  	s21 =	spop (v2sf);
	v15 =	vadd.f32 v23, v15;
	v17 =	vadd.f32 v17, v20;
	v19 =	vnsel vm9, $0x0, v19  }
0x11c: {  	s21 =	sadd.f32 $9.999999930e-09, s21;
	v28 =	vmov s20;
	v19 =	vadd.f32 v19, v22;
	v16 =	vnsel vm10, $0x0, v16  }
0x11d: {  	s22 =	spop (v2sf);
	v58 =	vmul.f32 v25, v36;
	v15 =	vadd.f32 v16, v15;
	v16 =	vperm.xlane v17, v0  }
0x11e: {  	s31 =	simm.s32 $0x10;
	s22 =	sadd.f32 $9.999999930e-09, s22;
	v46 =	vbroadcast v10, $0x9;
	v29 =	vmov s21;
	v22 =	vperm.xlane v19, v0  }
0x11f: {  	s29 =	simm.s32 $0x0;
	v57 =	vld [tilespmem:s31+$0x3C00];
	s30 =	spop (v2sf);
	v20 =	vmul.f32 v58, v58;
	v16 =	vadd.f32 v16, v17;
	v17 =	vperm.xlane v15, v0  }
0x120: {  	s20 =	sadd.f32 $9.999999930e-09, s30;
	v50 =	vbroadcast v9, $0xB;
	v30 =	vmov s22;
	v26 =	vld [tilespmem:s29+$0x3C00];
	v19 =	vadd.f32 v22, v19  }
0x121: {  	v20 =	vnsel vm12, $0x0, v20;
	v15 =	vadd.f32 v17, v15;
	v17 =	vperm.xlane v16, v1  }
0x122: {  	v47 =	vmov s20;
	v2 =	vadd.f32 v20, v2;
	v22 =	vperm.xlane v19, v1  }
0x123: {  	v55 =	vld [tilespmem:s31+$0x1400];
	v36 =	vbroadcast v10, $0xA;
	v59 =	vperm.xlane v15, v1;
	v16 =	vadd.f32 v17, v16  }
0x124: {  	v58 =	vmin.f32 v57, v51;
	v24 =	vperm.xlane v2, v0;
	v17 =	vadd.f32 v22, v19  }
0x125: {  	v18 =	vmin.f32 v26, v51;
	v19 =	vld [tilespmem:s29+$0x2800];
	v15 =	vadd.f32 v59, v15;
	v60 =	vperm.xlane v16, v3  }
0x126: {  	v56 =	vmin.f32 v26, v34;
	v2 =	vadd.f32 v24, v2;
	v61 =	vperm.xlane v17, v3  }
0x127: {  	v22 =	vmin.f32 v26, v32;
	v21 =	vperm.xlane v15, v3;
	v13 =	vadd.f32 v60, v16;
	v16 =	vld [tilespmem:s29+$0x0]  }
0x128: {  	v26 =	vmin.f32 v26, v39;
	v59 =	vmax.f32 v55, v33;
	v12 =	vadd.f32 v61, v17;
	v17 =	vld [tilespmem:s29+$0x1400]  }
0x129: {  	v5 =	vadd.f32 v21, v15;
	[tilespmem:$0x1FEF0] =	vst v13;
	v13 =	vperm.xlane v13, v4;
	v15 =	vperm.xlane v2, v1  }
0x12a: {  	v63 =	vmin.f32 v19, v50;
	v21 =	vmin.f32 v19, v31;
	v60 =	vmin.f32 v19, v38;
	[tilespmem:$0x1FF10] =	vst v12  }
0x12b: {  	v19 =	vmin.f32 v19, v41;
	v12 =	vperm.xlane v12, v4;
	[tilespmem:$0x1FF30] =	vst v5;
	v5 =	vperm.xlane v5, v4  }
0x12c: {  	v2 =	vadd.f32 v15, v2;
	v15 =	vld [tilespmem:s29+$0x6400];
	v27 =	vmax.f32 v16, v48;
	v20 =	vmax.f32 v16, v40  }
0x12d: {  	v61 =	vmax.f32 v16, v46;
	v62 =	vmax.f32 v17, v49;
	v27 =	vsub.f32 v63, v27  }
0x12e: {  	v16 =	vmax.f32 v16, v36;
	v45 =	vsub.f32 v21, v20;
	v42 =	vsub.f32 v18, v62  }
0x12f: {  	v63 =	vmax.f32 v17, v35;
	v43 =	vsub.f32 v60, v61;
	v16 =	vsub.f32 v19, v16  }
0x130: {  	v20 =	vperm.xlane v2, v3;
	v27 =	vmax.f32 v27, $0.0e+00;
	v42 =	vmax.f32 v42, $0.0e+00  }
0x131: {  	v62 =	vmax.f32 v17, v33;
	v23 =	vadd.f32 v15, v47;
	v27 =	vmul.f32 v42, v27  }
0x132: {  	v17 =	vmax.f32 v17, v37;
	v52 =	vsub.f32 v56, v63;
	v18 =	vmin.f32 v57, v39  }
0x133: {  	v44 =	vsub.f32 v22, v62;
	v61 =	vmax.f32 v45, $0.0e+00;
	v42 =	vsub.f32 v23, v27  }
0x134: {  	v17 =	vsub.f32 v26, v17;
	v26 =	vmax.f32 v43, $0.0e+00;
	v16 =	vmax.f32 v16, $0.0e+00  }
0x135: {  	v21 =	vld [tilespmem:s29+$0x5000];
	v43 =	vbroadcast v6, $0x9;
	v62 =	vmax.f32 v44, $0.0e+00;
	(erf) = vrcp.f32 v42  }
0x136: {  	v60 =	vld [tilespmem:s31+$0x6400];
	v63 =	vmax.f32 v52, $0.0e+00;
	v22 =	vadd.f32 v15, v28;
	v19 =	vmul.f32 v62, v61  }
0x137: {  	v45 =	vbroadcast v6, $0xA;
	v17 =	vmax.f32 v17, $0.0e+00;
	v54 =	vmul.f32 v63, v26  }
0x138: {  	v26 =	vadd.f32 v15, v29;
	v16 =	vmul.f32 v17, v16;
	v17 =	vsub.f32 v22, v19  }
0x139: {  	v56 =	vld [tilespmem:s31+$0x2800];
	v15 =	vadd.f32 v15, v30;
	v44 =	vbroadcast v6, $0xB;
	v63 =	vmax.f32 v55, v37  }
0x13a: {  	vm14 =	vgt.f32 v21, v43;
	vm15 =	vgt.f32 v21, v45;
	v23 =	vld [tilespmem:s31+$0x0];
	(erf) = vrcp.f32 v17  }
0x13b: {  	v61 =	vmin.f32 v57, v32;
	v62 =	vadd.f32 v60, v47;
	v26 =	vsub.f32 v26, v54  }
0x13c: {  	vm3 =	vgt.f32 v21, v44;
	v59 =	vsub.f32 v61, v59;
	v15 =	vsub.f32 v15, v16  }
0x13d: {  	v22 =	vmax.f32 v55, v35;
	v42 =	vbroadcast v6, $0x8;
	(erf) = vrcp.f32 v26  }
0x13e: {  	v17 =	vmax.f32 v55, v49;
	v26 =	vadd.f32 v20, v2;
	(erf) = vrcp.f32 v15;
	v2 =	vpop (erf)  }
0x13f: {  	v15 =	vmax.f32 v23, v48;
	v2 =	vmul.f32 v2, v27;
	v27 =	vmin.f32 v56, v50  }
0x140: {  	v17 =	vsub.f32 v58, v17;
	v15 =	vsub.f32 v27, v15;
	v27 =	vmax.f32 v23, v40  }
0x141: {  	v55 =	vsub.f32 v18, v63;
	vm13 =	vgt.f32 v21, v42;
	v21 =	vmin.f32 v56, v31  }
0x142: {  	v53 =	vmax.f32 v23, v36;
	v17 =	vmax.f32 v17, $0.0e+00;
	v15 =	vmax.f32 v15, $0.0e+00  }
0x143: {  	v2 =	vmul.f32 v2, v2;
	v58 =	vmul.f32 v17, v15;
	v17 =	vsub.f32 v21, v27;
	v27 =	vpop (erf)  }
0x144: {  	v15 =	vmax.f32 v23, v46;
	v19 =	vmul.f32 v27, v19;
	v27 =	vmin.f32 v56, v38  }
0x145: {  	v15 =	vsub.f32 v27, v15;
	v27 =	vmin.f32 v57, v34;
	v20 =	vsub.f32 v62, v58  }
0x146: {  	v2 =	vnsel vm3, $0x0, v2;
	v23 =	vsub.f32 v27, v22;
	v27 =	vmin.f32 v56, v41  }
0x147: {  	v56 =	vsub.f32 v27, v53;
	v53 =	vimm.f32 $0.0e+00;
	(erf) = vrcp.f32 v20  }
0x148: {  	v52 =	vadd.f32 v2, v53;
	v2 =	vmax.f32 v17, $0.0e+00;
	v17 =	vmax.f32 v59, $0.0e+00  }
0x149: {  	v62 =	vadd.f32 v60, v28;
	v59 =	vmul.f32 v17, v2;
	v2 =	vmax.f32 v56, $0.0e+00  }
0x14a: {  	v19 =	vmul.f32 v19, v19;
	v15 =	vmax.f32 v15, $0.0e+00;
	v21 =	vmax.f32 v23, $0.0e+00  }
0x14b: {  	v22 =	vpop (erf);
	v17 =	vmax.f32 v55, $0.0e+00;
	v56 =	vmul.f32 v21, v15;
	v15 =	vadd.f32 v60, v29  }
0x14c: {  	v54 =	vmul.f32 v22, v54;
	v55 =	vmul.f32 v17, v2;
	v17 =	vadd.f32 v60, v30;
	v2 =	vpop (erf)  }
0x14d: {  	v23 =	vsub.f32 v62, v59;
	v15 =	vsub.f32 v15, v56;
	v2 =	vmul.f32 v2, v16  }
0x14e: {  	s19 =	simm.s32 $0x20;
	[tilespmem:$0x1FF40] =	vst v5;
	v5 =	vperm.xlane v26, v4;
	v60 =	vld [tilespmem:s31+$0x5000];
	v16 =	vsub.f32 v17, v55;
	v17 =	vmul.f32 v54, v54  }
0x14f: {  	[tilespmem:$0x1FF00] =	vst v13;
	v61 =	vld [tilespmem:s19+$0x0];
	v19 =	vnsel vm13, $0x0, v19;
	(erf) = vrcp.f32 v23;
	v2 =	vmul.f32 v2, v2  }
0x150: {  	[tilespmem:$0x1FF20] =	vst v12;
	v62 =	vld [tilespmem:s19+$0x1400];
	v54 =	vadd.f32 v19, v53;
	(erf) = vrcp.f32 v15;
	v17 =	vnsel vm14, $0x0, v17  }
0x151: {  	s20 =	simm.s32 $0xC0;
	v63 =	vld [tilespmem:s19+$0x2800];
	[tilespmem:$0x1FF50] =	vst v5;
	(erf) = vrcp.f32 v16;
	v15 =	vpop (erf);
	v57 =	vadd.f32 v17, v53;
	v2 =	vnsel vm15, $0x0, v2  }
.LBB2_9:
0x152: {  	p0 =	sne.s32 s20, $0x4FC0;
	v16 =	vld [tilespmem:s19+$0x3C00];
	v15 =	vmul.f32 v15, v58;
	v53 =	vadd.f32 v2, v53  }
0x153: {  	vm2 =	vgt.f32 v60, v42;
	vm1 =	vgt.f32 v60, v43;
	vm0 =	vgt.f32 v60, v45  }
0x154: {  	v2 =	vmax.f32 v61, v40;
	v17 =	vmax.f32 v61, v46;
	v15 =	vmul.f32 v15, v15  }
0x155: {  	vm3 =	vgt.f32 v60, v44;
	v19 =	vmax.f32 v62, v33;
	v21 =	vmax.f32 v62, v35  }
0x156: {  	v58 =	vmax.f32 v61, v48;
	v5 =	vmax.f32 v62, v49;
	v60 =	vld [tilespmem:s19+$0x6400];
	v15 =	vnsel vm3, $0x0, v15  }
0x157: {  	v25 =	vmin.f32 v63, v50;
	v12 =	vmin.f32 v16, v51;
	v52 =	vadd.f32 v15, v52  }
0x158: {  	v15 =	vmin.f32 v63, v31;
	v25 =	vsub.f32 v25, v58;
	v12 =	vsub.f32 v12, v5;
	v24 =	vpop (erf)  }
0x159: {  	v14 =	vmin.f32 v63, v38;
	v13 =	vmin.f32 v16, v32;
	v18 =	vmin.f32 v16, v34;
	v27 =	vpop (erf)  }
0x15a: {  	v61 =	vmax.f32 v61, v36;
	v25 =	vmax.f32 v25, $0.0e+00;
	v12 =	vmax.f32 v12, $0.0e+00;
	v5 =	vpop (erf)  }
0x15b: {  	v62 =	vmax.f32 v62, v37;
	v58 =	vmul.f32 v12, v25;
	v12 =	vadd.f32 v60, v47  }
0x15c: {  	v16 =	vmin.f32 v16, v39;
	v2 =	vsub.f32 v15, v2;
	v15 =	vmin.f32 v63, v41  }
0x15d: {  	v13 =	vsub.f32 v13, v19;
	v19 =	vmul.f32 v24, v59;
	v12 =	vsub.f32 v12, v58  }
0x15e: {  	v14 =	vsub.f32 v14, v17;
	v17 =	vsub.f32 v18, v21;
	v2 =	vmax.f32 v2, $0.0e+00  }
0x15f: {  	v16 =	vsub.f32 v16, v62;
	v15 =	vsub.f32 v15, v61;
	(erf) = vrcp.f32 v12  }
0x160: {  	v12 =	vmax.f32 v13, $0.0e+00;
	v13 =	vmax.f32 v14, $0.0e+00;
	v14 =	vmax.f32 v17, $0.0e+00  }
0x161: {  	v59 =	vmul.f32 v12, v2;
	v2 =	vmax.f32 v15, $0.0e+00;
	v12 =	vmax.f32 v16, $0.0e+00  }
0x162: {  	v15 =	vadd.f32 v60, v28;
	v13 =	vmul.f32 v14, v13;
	v2 =	vmul.f32 v12, v2  }
0x163: {  	v14 =	vadd.f32 v60, v30;
	v16 =	vmul.f32 v27, v56;
	v12 =	vadd.f32 v60, v29  }
.Ltmp3:
0x164: {  	v5 =	vmul.f32 v5, v55;
	v17 =	vmul.f32 v19, v19;
	v15 =	vsub.f32 v15, v59;
	v56 =	vmovc v13;
	(pc) =	sbr.rel @p0 .LBB2_9-.Ltmp3, $4  }
0x165: {  	v12 =	vsub.f32 v12, v56;
	v13 =	vsub.f32 v14, v2;
	v14 =	vmul.f32 v16, v16;
	v55 =	vmovc v2;
	v60 =	vld [tilespmem:s19+$0x5000];
	s19 =	sshra.s32 s20, $0x2  }
0x166: {  	v5 =	vmul.f32 v5, v5;
	v2 =	vnsel vm2, $0x0, v17;
	v61 =	vld [tilespmem:s19+$0x0];
	(erf) = vrcp.f32 v15  }
0x167: {  	v54 =	vadd.f32 v2, v54;
	v2 =	vnsel vm1, $0x0, v14;
	v62 =	vld [tilespmem:s19+$0x1400];
	(erf) = vrcp.f32 v12  }
0x168: {  	s20 =	sadd.s32 $0x40, s20;
	v57 =	vadd.f32 v2, v57;
	v2 =	vnsel vm0, $0x0, v5;
	v63 =	vld [tilespmem:s19+$0x2800];
	(erf) = vrcp.f32 v13;
	v15 =	vpop (erf)  }
0x169: {  	v5 =	vld [tilespmem:s19+$0x3C00];
	_ =	sdelay $0x2  }
0x16a: {  	v14 =	vld [tilespmem:s19+$0x6400];
	v12 =	vmax.f32 v61, v40;
	v13 =	vmax.f32 v61, v46;
	v16 =	vmax.f32 v61, v48  }
0x16b: {  	v17 =	vmax.f32 v62, v49;
	v21 =	vmax.f32 v62, v33;
	v18 =	vmin.f32 v63, v50  }
0x16c: {  	v25 =	vmin.f32 v63, v38;
	v50 =	vmax.f32 v62, v37;
	v19 =	vmin.f32 v5, v51  }
0x16d: {  	v16 =	vsub.f32 v18, v16;
	v18 =	vmax.f32 v62, v35;
	v24 =	vmin.f32 v5, v32  }
0x16e: {  	v27 =	vmin.f32 v5, v34;
	v5 =	vmin.f32 v5, v39;
	v13 =	vsub.f32 v25, v13  }
0x16f: {  	v51 =	vadd.f32 v14, v28;
	v17 =	vsub.f32 v19, v17;
	v19 =	vmin.f32 v63, v31  }
0x170: {  	v31 =	vmax.f32 v61, v36;
	v21 =	vsub.f32 v24, v21;
	v18 =	vsub.f32 v27, v18  }
0x171: {  	v5 =	vsub.f32 v5, v50;
	v16 =	vmax.f32 v16, $0.0e+00;
	v12 =	vsub.f32 v19, v12  }
0x172: {  	v19 =	vmin.f32 v63, v41;
	v13 =	vmax.f32 v13, $0.0e+00;
	v17 =	vmax.f32 v17, $0.0e+00  }
0x173: {  	v19 =	vsub.f32 v19, v31;
	v21 =	vmax.f32 v21, $0.0e+00;
	v18 =	vmax.f32 v18, $0.0e+00  }
0x174: {  	v16 =	vmul.f32 v17, v16;
	v17 =	vadd.f32 v14, v47;
	v12 =	vmax.f32 v12, $0.0e+00  }
0x175: {  	v5 =	vmax.f32 v5, $0.0e+00;
	v13 =	vmul.f32 v18, v13;
	v12 =	vmul.f32 v21, v12  }
0x176: {  	v18 =	vadd.f32 v14, v29;
	v19 =	vmax.f32 v19, $0.0e+00;
	v17 =	vsub.f32 v17, v16  }
0x177: {  	v14 =	vadd.f32 v14, v30;
	v5 =	vmul.f32 v5, v19;
	v19 =	vsub.f32 v51, v12  }
0x178: {  	(erf) = vrcp.f32 v17;
	v17 =	vsub.f32 v18, v13  }
0x179: {  	v14 =	vsub.f32 v14, v5;
	(erf) = vrcp.f32 v19  }
0x17a: {  	(erf) = vrcp.f32 v17  }
0x17b: {  	(erf) = vrcp.f32 v14  }
0x17c: {  	v15 =	vmul.f32 v15, v58;
	v19 =	vld [tilespmem:s19+$0x5000]  }
0x17d: {  	v2 =	vadd.f32 v2, v53;
	(v2sf) =	vpush v11, $0xC;
	vm0 =	vgt.f32 v60, v44  }
0x17e: {  	vm8 =	vgt.f32 v60, v42;
	(v2sf) =	vpush v11, $0xD;
	v15 =	vmul.f32 v15, v15;
	v14 =	vpop (erf)  }
0x17f: {  	vm1 =	vgt.f32 v60, v43;
	vm9 =	vgt.f32 v60, v45;
	(v2sf) =	vpush v11, $0xE;
	v17 =	vpop (erf)  }
0x180: {  	(v2sf) =	vpush v11, $0xF;
	v15 =	vnsel vm0, $0x0, v15;
	v14 =	vmul.f32 v14, v59;
	v18 =	vpop (erf)  }
0x181: {  	v15 =	vadd.f32 v15, v52;
	v17 =	vmul.f32 v17, v56;
	vm10 =	vgt.f32 v19, v42;
	v58 =	vpop (erf)  }
0x182: {  	vm11 =	vgt.f32 v19, v43;
	v14 =	vmul.f32 v14, v14;
	v18 =	vmul.f32 v18, v55;
	v24 =	vpop (erf)  }
0x183: {  	vm2 =	vgt.f32 v19, v45;
	vm3 =	vgt.f32 v19, v44;
	v17 =	vmul.f32 v17, v17;
	v25 =	vpop (erf)  }
0x184: {  	v14 =	vnsel vm8, $0x0, v14;
	v18 =	vmul.f32 v18, v18;
	v12 =	vmul.f32 v24, v12;
	v59 =	vpop (erf)  }
0x185: {  	v17 =	vnsel vm1, $0x0, v17;
	v16 =	vmul.f32 v58, v16;
	v5 =	vmul.f32 v59, v5  }
0x186: {  	v18 =	vnsel vm9, $0x0, v18;
	v13 =	vmul.f32 v25, v13;
	v12 =	vmul.f32 v12, v12  }
0x187: {  	v14 =	vadd.f32 v14, v54;
	v2 =	vadd.f32 v18, v2;
	v5 =	vmul.f32 v5, v5  }
0x188: {  	v16 =	vmul.f32 v16, v16;
	v13 =	vmul.f32 v13, v13;
	v12 =	vnsel vm10, $0x0, v12  }
0x189: {  	v17 =	vadd.f32 v17, v57;
	v12 =	vadd.f32 v12, v14;
	v5 =	vnsel vm2, $0x0, v5  }
0x18a: {  	v13 =	vnsel vm11, $0x0, v13;
	v14 =	vnsel vm3, $0x0, v16;
	v2 =	vadd.f32 v5, v2  }
0x18b: {  	v13 =	vadd.f32 v13, v17;
	v5 =	vadd.f32 v14, v15;
	v14 =	vperm.xlane v12, v0  }
0x18c: {  	v53 =	vbroadcast v7, $0xF;
	v16 =	vperm.xlane v2, v0  }
0x18d: {  	v15 =	vperm.xlane v13, v0;
	v12 =	vadd.f32 v14, v12;
	v14 =	vperm.xlane v5, v0  }
0x18e: {  	v40 =	vbroadcast v8, $0xC;
	v48 =	vbroadcast v7, $0xE;
	v2 =	vadd.f32 v16, v2  }
0x18f: {  	v13 =	vadd.f32 v15, v13;
	v15 =	vperm.xlane v12, v1;
	v5 =	vadd.f32 v14, v5  }
0x190: {  	v46 =	vbroadcast v6, $0xE;
	v16 =	vperm.xlane v2, v1  }
0x191: {  	v14 =	vperm.xlane v13, v1;
	v12 =	vadd.f32 v15, v12;
	v15 =	vperm.xlane v5, v1  }
0x192: {  	v49 =	vbroadcast v8, $0xE;
	v37 =	vbroadcast v9, $0xC;
	v2 =	vadd.f32 v16, v2  }
0x193: {  	v11 =	vadd.f32 v14, v13;
	v13 =	vperm.xlane v12, v3;
	v5 =	vadd.f32 v15, v5  }
0x194: {  	s28 =	simm.s32 $0x0;
	v38 =	vbroadcast v7, $0xD;
	v15 =	vperm.xlane v2, v3  }
0x195: {  	v14 =	vperm.xlane v11, v3;
	v33 =	vadd.f32 v13, v12;
	v12 =	vperm.xlane v5, v3;
	v13 =	vld [tilespmem:s28+$0x3C00]  }
0x196: {  	v39 =	vbroadcast v10, $0xC;
	v52 =	vbroadcast v10, $0xF;
	s20 =	spop (v2sf);
	v29 =	vadd.f32 v15, v2;
	v2 =	vld [tilespmem:s28+$0x0]  }
0x197: {  	v36 =	vbroadcast v7, $0xC;
	s21 =	spop (v2sf);
	s20 =	sadd.f32 $9.999999930e-09, s20;
	v31 =	vadd.f32 v14, v11;
	v11 =	vadd.f32 v12, v5;
	v5 =	vld [tilespmem:s28+$0x1400]  }
0x198: {  	v41 =	vbroadcast v9, $0xD;
	v47 =	vbroadcast v9, $0xE;
	s21 =	sadd.f32 $9.999999930e-09, s21;
	s29 =	spop (v2sf);
	v12 =	vld [tilespmem:s28+$0x2800]  }
0x199: {  	v51 =	vbroadcast v8, $0xF;
	v35 =	vmov s20;
	s20 =	sadd.f32 $9.999999930e-09, s29;
	s30 =	spop (v2sf);
	v42 =	vbroadcast v10, $0xD  }
0x19a: {  	v43 =	vbroadcast v8, $0xD;
	v44 =	vbroadcast v10, $0xE;
	v10 =	vmov s21;
	s21 =	sadd.f32 $9.999999930e-09, s30  }
0x19b: {  	v45 =	vbroadcast v6, $0xF;
	v7 =	vmov s20;
	v54 =	vbroadcast v9, $0xF  }
0x19c: {  	v8 =	vld [tilespmem:s28+$0x6400];
	v50 =	vmov s21;
	v34 =	vperm.xlane v33, v4;
	v16 =	vmin.f32 v13, v53  }
0x19d: {  	v9 =	vmax.f32 v2, v52;
	v14 =	vmax.f32 v5, v51;
	v15 =	vmin.f32 v12, v54  }
0x19e: {  	v60 =	vmin.f32 v13, v36;
	v9 =	vsub.f32 v15, v9;
	v14 =	vsub.f32 v16, v14  }
0x19f: {  	v25 =	vmin.f32 v13, v38;
	v17 =	vmax.f32 v5, v40;
	v18 =	vmax.f32 v5, v43  }
0x1a0: {  	v19 =	vmin.f32 v12, v37;
	v9 =	vmax.f32 v9, $0.0e+00;
	v14 =	vmax.f32 v14, $0.0e+00  }
0x1a1: {  	v24 =	vmin.f32 v12, v41;
	v14 =	vmul.f32 v14, v9;
	v9 =	vadd.f32 v8, v50  }
0x1a2: {  	v12 =	vmin.f32 v12, v47;
	v15 =	vmax.f32 v2, v39;
	v16 =	vmax.f32 v2, v42  }
0x1a3: {  	v2 =	vmax.f32 v2, v44;
	v17 =	vsub.f32 v60, v17;
	v9 =	vsub.f32 v9, v14  }
0x1a4: {  	v5 =	vmax.f32 v5, v49;
	v15 =	vsub.f32 v19, v15;
	v2 =	vsub.f32 v12, v2  }
0x1a5: {  	(erf) = vrcp.f32 v9;
	v9 =	vmin.f32 v13, v48;
	v13 =	vsub.f32 v24, v16  }
0x1a6: {  	v15 =	vmax.f32 v15, $0.0e+00;
	v2 =	vmax.f32 v2, $0.0e+00;
	v16 =	vsub.f32 v25, v18  }
0x1a7: {  	v5 =	vsub.f32 v9, v5;
	v9 =	vmax.f32 v17, $0.0e+00;
	v12 =	vmax.f32 v13, $0.0e+00  }
0x1a8: {  	s31 =	simm.s32 $0x10;
	v13 =	vmax.f32 v16, $0.0e+00;
	v15 =	vmul.f32 v9, v15;
	v9 =	vadd.f32 v8, v35  }
0x1a9: {  	v18 =	vld [tilespmem:s31+$0x0];
	v5 =	vmax.f32 v5, $0.0e+00;
	v12 =	vmul.f32 v13, v12;
	v13 =	vadd.f32 v8, v10  }
0x1aa: {  	v17 =	vld [tilespmem:s28+$0x5000];
	v2 =	vmul.f32 v5, v2;
	v5 =	vadd.f32 v8, v7;
	v16 =	vsub.f32 v9, v15  }
0x1ab: {  	v32 =	vperm.xlane v31, v4;
	v30 =	vperm.xlane v29, v4;
	v13 =	vsub.f32 v13, v12  }
0x1ac: {  	v9 =	vbroadcast v6, $0xC;
	v5 =	vsub.f32 v5, v2;
	(erf) = vrcp.f32 v16;
	v16 =	vld [tilespmem:s31+$0x1400]  }
0x1ad: {  	v55 =	vimm.f32 $0.0e+00;
	v8 =	vbroadcast v6, $0xD;
	(erf) = vrcp.f32 v13;
	v13 =	vld [tilespmem:s31+$0x2800]  }
0x1ae: {  	v21 =	vmax.f32 v18, v42;
	v27 =	vmax.f32 v18, v52;
	(erf) = vrcp.f32 v5;
	v5 =	vld [tilespmem:s31+$0x3C00]  }
0x1af: {  	vm12 =	vgt.f32 v17, v9;
	vm13 =	vgt.f32 v17, v8;
	vm14 =	vgt.f32 v17, v46;
	v19 =	vpop (erf)  }
0x1b0: {  	vm15 =	vgt.f32 v17, v45;
	v14 =	vmul.f32 v19, v14;
	v19 =	vmax.f32 v18, v39  }
0x1b1: {  	v18 =	vmax.f32 v18, v44;
	v24 =	vmax.f32 v16, v40;
	v25 =	vmax.f32 v16, v43  }
0x1b2: {  	v17 =	vld [tilespmem:s31+$0x6400];
	v61 =	vmax.f32 v16, v51;
	v16 =	vmax.f32 v16, v49;
	v14 =	vmul.f32 v14, v14  }
0x1b3: {  	v62 =	vmin.f32 v13, v54;
	v23 =	vmin.f32 v13, v41;
	v63 =	vmin.f32 v5, v53  }
0x1b4: {  	v27 =	vsub.f32 v62, v27;
	v22 =	vmin.f32 v5, v36;
	v57 =	vsub.f32 v63, v61  }
0x1b5: {  	v60 =	vmin.f32 v5, v38;
	v21 =	vsub.f32 v23, v21;
	v14 =	vnsel vm15, $0x0, v14  }
0x1b6: {  	v56 =	vadd.f32 v14, v55;
	v27 =	vmax.f32 v27, $0.0e+00;
	v57 =	vmax.f32 v57, $0.0e+00  }
0x1b7: {  	v14 =	vmin.f32 v13, v37;
	v62 =	vmul.f32 v57, v27;
	v27 =	vadd.f32 v17, v50  }
0x1b8: {  	v5 =	vmin.f32 v5, v48;
	v25 =	vsub.f32 v60, v25;
	v14 =	vsub.f32 v14, v19  }
0x1b9: {  	v13 =	vmin.f32 v13, v47;
	v19 =	vsub.f32 v22, v24;
	v24 =	vsub.f32 v27, v62  }
0x1ba: {  	v28 =	vperm.xlane v11, v4;
	v5 =	vsub.f32 v5, v16;
	v13 =	vsub.f32 v13, v18  }
0x1bb: {  	v63 =	vpop (erf);
	v18 =	vmax.f32 v21, $0.0e+00;
	v14 =	vmax.f32 v14, $0.0e+00;
	(erf) = vrcp.f32 v24  }
0x1bc: {  	v5 =	vmax.f32 v5, $0.0e+00;
	v15 =	vmul.f32 v63, v15;
	v16 =	vmax.f32 v19, $0.0e+00  }
0x1bd: {  	v19 =	vmax.f32 v25, $0.0e+00;
	v13 =	vmax.f32 v13, $0.0e+00;
	v61 =	vmul.f32 v16, v14  }
0x1be: {  	v16 =	vadd.f32 v17, v35;
	v57 =	vmul.f32 v19, v18;
	v58 =	vmul.f32 v5, v13;
	v14 =	vpop (erf)  }
0x1bf: {  	v13 =	vadd.f32 v17, v10;
	v17 =	vadd.f32 v17, v7;
	v5 =	vpop (erf);
	v12 =	vmul.f32 v14, v12  }
0x1c0: {  	v15 =	vmul.f32 v15, v15;
	v14 =	vsub.f32 v16, v61;
	v2 =	vmul.f32 v5, v2  }
0x1c1: {  	s19 =	simm.s32 $0x20;
	v63 =	vld [tilespmem:s31+$0x5000];
	v5 =	vsub.f32 v13, v57;
	v13 =	vsub.f32 v17, v58;
	v12 =	vmul.f32 v12, v12  }
0x1c2: {  	v16 =	vld [tilespmem:s19+$0x0];
	(erf) = vrcp.f32 v14;
	v14 =	vnsel vm12, $0x0, v15;
	v17 =	vmul.f32 v2, v2  }
0x1c3: {  	v2 =	vld [tilespmem:s19+$0x1400];
	(erf) = vrcp.f32 v5;
	v60 =	vadd.f32 v14, v55;
	v5 =	vnsel vm13, $0x0, v12  }
0x1c4: {  	s20 =	simm.s32 $0xC0;
	v15 =	vld [tilespmem:s19+$0x2800];
	(erf) = vrcp.f32 v13;
	v59 =	vadd.f32 v5, v55;
	v17 =	vnsel vm14, $0x0, v17;
	v19 =	vpop (erf)  }
.LBB2_11:
0x1c5: {  	p0 =	sne.s32 s20, $0x4FC0;
	v5 =	vld [tilespmem:s19+$0x3C00];
	v12 =	vmul.f32 v19, v62;
	v55 =	vadd.f32 v17, v55  }
0x1c6: {  	vm2 =	vgt.f32 v63, v9;
	vm1 =	vgt.f32 v63, v8;
	vm0 =	vgt.f32 v63, v46  }
0x1c7: {  	v13 =	vmax.f32 v16, v39;
	v14 =	vmax.f32 v16, v42;
	v12 =	vmul.f32 v12, v12  }
0x1c8: {  	vm3 =	vgt.f32 v63, v45;
	v17 =	vmax.f32 v2, v40;
	v18 =	vmax.f32 v2, v43  }
0x1c9: {  	v21 =	vmax.f32 v16, v52;
	v24 =	vmax.f32 v2, v51;
	v19 =	vld [tilespmem:s19+$0x6400];
	v12 =	vnsel vm3, $0x0, v12  }
0x1ca: {  	v20 =	vmin.f32 v15, v54;
	v27 =	vmin.f32 v5, v53;
	v56 =	vadd.f32 v12, v56  }
0x1cb: {  	v12 =	vmin.f32 v15, v37;
	v21 =	vsub.f32 v20, v21;
	v24 =	vsub.f32 v27, v24;
	v25 =	vpop (erf)  }
0x1cc: {  	v63 =	vmin.f32 v15, v41;
	v20 =	vmin.f32 v5, v38;
	v27 =	vmin.f32 v5, v36;
	v22 =	vpop (erf)  }
0x1cd: {  	v16 =	vmax.f32 v16, v44;
	v21 =	vmax.f32 v21, $0.0e+00;
	v24 =	vmax.f32 v24, $0.0e+00;
	v23 =	vpop (erf)  }
0x1ce: {  	v2 =	vmax.f32 v2, v49;
	v62 =	vmul.f32 v24, v21;
	v21 =	vadd.f32 v19, v50  }
0x1cf: {  	v12 =	vsub.f32 v12, v13;
	v13 =	vmin.f32 v15, v47;
	v5 =	vmin.f32 v5, v48  }
0x1d0: {  	v15 =	vsub.f32 v27, v17;
	v17 =	vsub.f32 v21, v62;
	v21 =	vmul.f32 v25, v61  }
0x1d1: {  	v14 =	vsub.f32 v63, v14;
	v18 =	vsub.f32 v20, v18;
	v12 =	vmax.f32 v12, $0.0e+00  }
0x1d2: {  	v13 =	vsub.f32 v13, v16;
	v2 =	vsub.f32 v5, v2;
	(erf) = vrcp.f32 v17  }
0x1d3: {  	v14 =	vmax.f32 v14, $0.0e+00;
	v5 =	vmax.f32 v15, $0.0e+00;
	v15 =	vmax.f32 v18, $0.0e+00  }
0x1d4: {  	v2 =	vmax.f32 v2, $0.0e+00;
	v61 =	vmul.f32 v5, v12;
	v5 =	vmax.f32 v13, $0.0e+00  }
0x1d5: {  	v12 =	vadd.f32 v19, v35;
	v13 =	vmul.f32 v15, v14;
	v2 =	vmul.f32 v2, v5  }
0x1d6: {  	v14 =	vadd.f32 v19, v7;
	v15 =	vmul.f32 v22, v57;
	v5 =	vadd.f32 v19, v10  }
.Ltmp4:
0x1d7: {  	v18 =	vmul.f32 v23, v58;
	v12 =	vsub.f32 v12, v61;
	v17 =	vmul.f32 v21, v21;
	v57 =	vmovc v13;
	(pc) =	sbr.rel @p0 .LBB2_11-.Ltmp4, $4  }
0x1d8: {  	v5 =	vsub.f32 v5, v57;
	v13 =	vsub.f32 v14, v2;
	v14 =	vmul.f32 v15, v15;
	v58 =	vmovc v2;
	v63 =	vld [tilespmem:s19+$0x5000];
	s19 =	sshra.s32 s20, $0x2  }
0x1d9: {  	v16 =	vld [tilespmem:s19+$0x0];
	(erf) = vrcp.f32 v12;
	v12 =	vnsel vm2, $0x0, v17;
	v17 =	vmul.f32 v18, v18  }
0x1da: {  	v2 =	vld [tilespmem:s19+$0x1400];
	(erf) = vrcp.f32 v5;
	v60 =	vadd.f32 v12, v60;
	v5 =	vnsel vm1, $0x0, v14  }
0x1db: {  	s20 =	sadd.s32 $0x40, s20;
	v15 =	vld [tilespmem:s19+$0x2800];
	(erf) = vrcp.f32 v13;
	v19 =	vpop (erf);
	v59 =	vadd.f32 v5, v59;
	v17 =	vnsel vm0, $0x0, v17  }
0x1dc: {  	vm13 =	vmmov $0x1  }
0x1dd: {  	v5 =	vld [tilespmem:s19+$0x3C00];
	vm14 =	vmmov $0x3;
	vm15 =	vmmov $0x7;
	vm5 =	vmmov $0x1f  }
0x1de: {  	v22 =	vld [tilespmem:s19+$0x6400];
	vm6 =	vmmov $0x3f;
	vm7 =	vmmov $0x7f;
	v12 =	vmax.f32 v16, v52  }
0x1df: {  	v25 =	vmax.f32 v16, v39;
	v18 =	vmax.f32 v16, v42;
	v27 =	vmax.f32 v16, v44  }
0x1e0: {  	v24 =	vmax.f32 v2, v51;
	v20 =	vmax.f32 v2, v40;
	v21 =	vmax.f32 v2, v43  }
0x1e1: {  	v2 =	vmax.f32 v2, v49;
	v13 =	vmin.f32 v15, v54;
	v23 =	vmin.f32 v15, v37  }
0x1e2: {  	v40 =	vmin.f32 v15, v41;
	v41 =	vmin.f32 v15, v47;
	v12 =	vsub.f32 v13, v12  }
0x1e3: {  	v14 =	vmin.f32 v5, v53;
	v39 =	vsub.f32 v23, v25;
	v44 =	vadd.f32 v22, v50  }
0x1e4: {  	v42 =	vmin.f32 v5, v36;
	v15 =	vsub.f32 v41, v27;
	v49 =	vadd.f32 v22, v35  }
0x1e5: {  	v43 =	vmin.f32 v5, v38;
	v10 =	vadd.f32 v22, v10;
	v13 =	vsub.f32 v14, v24  }
0x1e6: {  	v5 =	vmin.f32 v5, v48;
	v20 =	vsub.f32 v42, v20;
	v14 =	vsub.f32 v40, v18  }
0x1e7: {  	vm8 =	vmmov $0xff;
	v18 =	vsub.f32 v43, v21;
	v2 =	vsub.f32 v5, v2  }
0x1e8: {  	v12 =	vmax.f32 v12, $0.0e+00;
	v15 =	vmax.f32 v15, $0.0e+00;
	v13 =	vmax.f32 v13, $0.0e+00  }
0x1e9: {  	v47 =	vmax.f32 v20, $0.0e+00;
	v12 =	vmul.f32 v13, v12;
	v13 =	vmax.f32 v39, $0.0e+00  }
0x1ea: {  	v5 =	vmax.f32 v14, $0.0e+00;
	v50 =	vmax.f32 v18, $0.0e+00;
	v13 =	vmul.f32 v47, v13  }
0x1eb: {  	v2 =	vmax.f32 v2, $0.0e+00;
	v5 =	vmul.f32 v50, v5;
	v48 =	vsub.f32 v44, v12  }
0x1ec: {  	v7 =	vadd.f32 v22, v7;
	v2 =	vmul.f32 v2, v15;
	v51 =	vsub.f32 v49, v13  }
0x1ed: {  	v54 =	vadd.f32 v17, v55;
	v55 =	vld [tilespmem:s19+$0x5000];
	v10 =	vsub.f32 v10, v5;
	(erf) = vrcp.f32 v48  }
0x1ee: {  	vm9 =	vmmov $0x1ff;
	v7 =	vsub.f32 v7, v2;
	(erf) = vrcp.f32 v51  }
0x1ef: {  	v11 =	vadd.f32 v28, v11;
	vm0 =	vgt.f32 v63, v9;
	v53 =	vpop (erf);
	(erf) = vrcp.f32 v10  }
0x1f0: {  	vm1 =	vgt.f32 v63, v8;
	v52 =	vmul.f32 v19, v62;
	(erf) = vrcp.f32 v7  }
0x1f1: {  	vm2 =	vgt.f32 v63, v46;
	vm3 =	vgt.f32 v63, v45;
	v22 =	vld [tilespmem:$0x1FF60];
	v15 =	vmul.f32 v53, v61  }
0x1f2: {  	v23 =	vld [tilespmem:$0x1FF70];
	v14 =	vmul.f32 v52, v52;
	v52 =	vadd.f32 v32, v31;
	vm10 =	vgt.f32 v55, v9;
	v7 =	vpop (erf)  }
0x1f3: {  	v25 =	vld [tilespmem:$0x1FF90];
	vm4 =	vgt.f32 v55, v8;
	v15 =	vmul.f32 v15, v15;
	v7 =	vmul.f32 v7, v57;
	v61 =	vpop (erf)  }
0x1f4: {  	v24 =	vld [tilespmem:$0x1FF80];
	vm12 =	vgt.f32 v55, v45;
	v14 =	vnsel vm3, $0x0, v14;
	v17 =	vmul.f32 v61, v58  }
0x1f5: {  	v27 =	vld [tilespmem:$0x1FFA0];
	v14 =	vadd.f32 v14, v56;
	v15 =	vnsel vm0, $0x0, v15;
	v7 =	vmul.f32 v7, v7  }
0x1f6: {  	v38 =	vld [tilespmem:$0x1FEF0];
	v56 =	vadd.f32 v30, v29;
	v15 =	vadd.f32 v15, v60;
	v17 =	vmul.f32 v17, v17;
	v62 =	vpop (erf)  }
0x1f7: {  	v39 =	vld [tilespmem:$0x1FF00];
	v10 =	vadd.f32 v23, v22;
	v7 =	vnsel vm1, $0x0, v7;
	v12 =	vmul.f32 v62, v12;
	v63 =	vpop (erf)  }
0x1f8: {  	v35 =	vld [tilespmem:$0x1FFB0];
	v19 =	vnsel vm2, $0x0, v17;
	v7 =	vadd.f32 v7, v59;
	v18 =	vmul.f32 v63, v13;
	v20 =	vpop (erf)  }
0x1f9: {  	v37 =	vld [tilespmem:$0x1FFD0];
	v13 =	vadd.f32 v25, v24;
	v12 =	vmul.f32 v12, v12;
	v5 =	vmul.f32 v20, v5;
	v21 =	vpop (erf)  }
0x1fa: {  	v36 =	vld [tilespmem:$0x1FFC0];
	v9 =	vadd.f32 v19, v54;
	v8 =	vmul.f32 v18, v18;
	v2 =	vmul.f32 v21, v2  }
0x1fb: {  	v41 =	vld [tilespmem:$0x1FF20];
	v10 =	vsel vm13, v10, v13;
	v12 =	vnsel vm12, $0x0, v12;
	v5 =	vmul.f32 v5, v5  }
0x1fc: {  	v40 =	vld [tilespmem:$0x1FF10];
	v13 =	vadd.f32 v39, v38;
	v12 =	vadd.f32 v12, v14;
	v8 =	vnsel vm10, $0x0, v8  }
0x1fd: {  	v42 =	vld [tilespmem:$0x1FF30];
	v14 =	vadd.f32 v35, v27;
	v2 =	vmul.f32 v2, v2;
	v5 =	vnsel vm4, $0x0, v5  }
0x1fe: {  	v43 =	vld [tilespmem:$0x1FF40];
	vm11 =	vgt.f32 v55, v46;
	v8 =	vadd.f32 v8, v15;
	v5 =	vadd.f32 v5, v7  }
0x1ff: {  	v7 =	vsel vm14, v10, v14;
	v10 =	vadd.f32 v37, v36;
	v2 =	vnsel vm11, $0x0, v2  }
0x200: {  	v44 =	vld [tilespmem:$0x1FF50];
	vm4 =	vmmov $0xf;
	v2 =	vadd.f32 v2, v9;
	v45 =	vperm.xlane v8, v0  }
0x201: {  	v49 =	vperm.xlane v12, v0;
	v7 =	vsel vm15, v7, v10;
	v46 =	vperm.xlane v5, v0  }
0x202: {  	v10 =	vadd.f32 v41, v40;
	v8 =	vadd.f32 v45, v8;
	v47 =	vperm.xlane v2, v0  }
0x203: {  	v9 =	vadd.f32 v43, v42;
	v7 =	vsel vm4, v7, v13;
	v5 =	vadd.f32 v46, v5  }
0x204: {  	v7 =	vsel vm5, v7, v10;
	v2 =	vadd.f32 v47, v2;
	v50 =	vperm.xlane v8, v1  }
0x205: {  	v10 =	vadd.f32 v44, v26;
	v7 =	vsel vm6, v7, v9;
	v51 =	vperm.xlane v5, v1  }
0x206: {  	v9 =	vadd.f32 v49, v12;
	v8 =	vadd.f32 v50, v8;
	v53 =	vperm.xlane v2, v1  }
0x207: {  	v48 =	vadd.f32 v34, v33;
	v7 =	vsel vm7, v7, v10;
	v5 =	vadd.f32 v51, v5  }
0x208: {  	v54 =	vperm.xlane v9, v1;
	v2 =	vadd.f32 v53, v2;
	v55 =	vperm.xlane v8, v3  }
0x209: {  	vm13 =	vmmov $0x1fff;
	v7 =	vsel vm8, v7, v48;
	v57 =	vperm.xlane v5, v3  }
0x20a: {  	v9 =	vadd.f32 v54, v9;
	v8 =	vadd.f32 v55, v8;
	v58 =	vperm.xlane v2, v3  }
0x20b: {  	vm10 =	vmmov $0x3ff;
	v7 =	vsel vm9, v7, v52;
	v5 =	vadd.f32 v57, v5  }
0x20c: {  	v59 =	vperm.xlane v9, v3;
	v2 =	vadd.f32 v58, v2;
	v60 =	vperm.xlane v8, v4  }
0x20d: {  	vm11 =	vmmov $0x7ff;
	v7 =	vsel vm10, v7, v56;
	v61 =	vperm.xlane v5, v4  }
0x20e: {  	v9 =	vadd.f32 v59, v9;
	v8 =	vadd.f32 v60, v8;
	v62 =	vperm.xlane v2, v4  }
0x20f: {  	vm12 =	vmmov $0xfff;
	v7 =	vsel vm11, v7, v11;
	v5 =	vadd.f32 v61, v5  }
0x210: {  	v63 =	vperm.xlane v9, v4;
	v7 =	vsel vm12, v7, v8;
	v2 =	vadd.f32 v62, v2  }
0x211: {  	vm14 =	vmmov $0x3fff;
	v5 =	vsel vm13, v7, v5  }
0x212: {  	v7 =	vadd.f32 v63, v9;
	v2 =	vsel vm14, v5, v2;
	v5 =	vld [tilespmem:$0x1FFE0]  }
0x213: {  	vm15 =	vmmov $0x7fff  }
0x214: {  	v2 =	vsel vm15, v2, v7  }
0x215: {  	v2 =	vsub.f32 $0.0e+00, v2;
	_ =	sdelay $0x1  }
0x216: {  	v2 =	vmul.f32 v2, v5;
	_ =	sdelay $0x1  }
0x217: {  	v2 =	vmul.f32 $1.442695020e+00, v2;
	_ =	sdelay $0x1  }
0x218: {  	(erf) = vpow2.f32 v2;
	_ =	sdelay $0x5  }
0x219: {  	s17 =	sadd.s32 $0x1, s17  }
0x21a: {  	p0 =	sne.s32 s17, $0x3  }
.Ltmp5:
0x21b: {  	_ = 	snop;
	(pc) =	sbr.rel @p0 .LBB2_4-.Ltmp5, $3  }
0x21c: {  	v2 =	vpop (erf)  }
0x21d: {  	v2 =	vmul.f32 v2, v6;
	_ =	sdelay $0x1  }
0x21e: {  	[tilespmem:s18+$0x7800] =	vst v2  }
0x21f: {  	s16 =	sadd.s32 $0x1, s16  }
0x220: {  	p0 =	sne.s32 s16, s9  }
.Ltmp6:
0x221: {  	_ = 	snop;
	(pc) =	sbr.rel @p0 .LBB2_1-.Ltmp6, $4  }
0x222: {  	[hbm4b:s8+s3] =	stream.linear.scatter [tilespmem:s15], [sflag:$0x1], $0x30, $0x38;
	[tilespmem:$0x7880] =	vst v63  }
0x223: {  	_ =	swait.ge [sflag:s10], $0x30  }
0x224: {  	[sflag:s10] =	ssyncset.done $0x0  }
0x225: {  	[sflag:s10] =	ssyncadd.s32 $0xFFFFFFD0  }
0x226: {  	_ =	sfence.sel $0x180000  }
0x227: {  	[bflag:$0x0] =	sbarrier.arrive $0xFFFF  }
0x228: {  	p0 =	sne.s32 s4, $0x0;
	_ =	strace $0x90000047  }
0x229: {  	s0 =	sadd.s32 @!p0 $0x100000, s0;
	[bflag:$0x2] =	sbarrier.arrive $0xFFFF  }
0x22a: {  	[sflag:s0] =	ssyncadd.tile.s32 @!p0 $0x1;
	_ =	shalt  }
.Lfunc_end2:
_tile_overlayer_lowered:
.L_overlay_start_2:
0x22b: {  	(tag) =	ssettag $0x2  }
0x22c: {  	s0 =	rddreg [dreg:$0x0];
	s2 =	stileid.u32  }
0x22d: {  	s1 =	rddreg [dreg:$0x1];
	p0 =	sne.s32 s2, $0x0  }
0x22e: {  	s3 =	rddreg [dreg:$0x2];
	[bflag:$0x3] =	sbarrier.arrive $0xFFFF;
	s2 =	simm.s32 @!p0 $0x1C01  }
0x22f: {  	[timem:s3], [sflag:s2] =	dma.local @!p0 [hbm:s0], s1  }
0x230: {  	s0 =	simm.s32 @!p0 $0x1  }
0x231: {  	_ =	swait.ge @!p0 [sflag:s0], s1  }
0x232: {  	s1 =	ssub.s32 @!p0 $0x0, s1;
	[sflag:s0] =	ssyncset.done @!p0 $0x0  }
0x233: {  	[sflag:s0] =	ssyncadd.s32 @!p0 s1  }
0x234: {  	[bflag:$0x3] =	sbarrier.arrive $0xFFFF  }
0x235: {  	_ =	shalt  }

</sc_bundles>
